<compile_context>
chip_gen: v7x
topology: tpu7x:2x2x1
jax: 0.10.2.dev20260603
libtpu: 0.0.44.dev20260713+nightly
codegen_flags: <defaults>
</compile_context>

<pallas_src>
import functools

import jax
import jax.numpy as jnp
from jax import lax
from jax.experimental import pallas as pl
from jax.experimental.pallas import tpu as pltpu
from jax.experimental.pallas import tpu_sc as plsc

_BATCH = 16384
_SEQ = 200
_DIM = 64
_LANES = 16
_TOTAL = _BATCH * _SEQ
_G = 128
_NGROUPS = _TOTAL // _G
_NC = 2
_NS = 16
_NW = _NC * _NS
_PER_W = _NGROUPS // _NW
_CHUNK = _G
_NCHUNK = _PER_W
_IDSB = 16
_NBUF = 6
_VOCAB = 100


@functools.lru_cache(maxsize=1)
def _make_sc_lookup():
    mesh = plsc.VectorSubcoreMesh(core_axis_name="c", subcore_axis_name="s")

    @functools.partial(
        pl.kernel,
        mesh=mesh,
        compiler_params=pltpu.CompilerParams(use_tc_tiling_on_sc=False),
        out_type=jax.ShapeDtypeStruct((_TOTAL, _DIM), jnp.float32),
        scratch_types=[
            pltpu.VMEM((_VOCAB, _DIM), jnp.float32),
            pltpu.VMEM((2 * _IDSB, _G), jnp.int32),
            pltpu.VMEM((_NBUF, _CHUNK, _DIM), jnp.float32),
            pltpu.SemaphoreType.DMA((_NBUF,)),
            pltpu.SemaphoreType.DMA((2,)),
        ],
    )
    def lookup(ids_hbm, table_hbm, out_hbm, table_v, ids_v, rows_v, sem,
               isem):
        sems = [sem.at[b] for b in range(_NBUF)]
        wid = lax.axis_index("s") * _NC + lax.axis_index("c")
        base_g = wid * _PER_W

        pltpu.sync_copy(table_hbm, table_v)

        def ids_op(block, slot):
            return pltpu.make_async_copy(
                ids_hbm.at[pl.ds(base_g + block * _IDSB, _IDSB)],
                ids_v.at[pl.ds(slot * _IDSB, _IDSB)],
                isem.at[slot],
            )

        def store_op(c, buf, sem):
            return pltpu.make_async_copy(
                rows_v.at[buf],
                out_hbm.at[pl.ds((base_g + c) * _G, _CHUNK)],
                sem,
            )

        def gather_rows(c, buf):
            grow = lax.rem(c, 2 * _IDSB)

            @plsc.parallel_loop(0, _G // _LANES, unroll=2)
            def _(i):
                idvec = ids_v[grow, pl.ds(i * _LANES, _LANES)]
                for u in range(_LANES):
                    r = i * _LANES + u
                    rid = idvec[u]
                    for j in range(_DIM // _LANES):
                        rows_v[buf, r, pl.ds(j * _LANES, _LANES)] = (
                            table_v[rid, pl.ds(j * _LANES, _LANES)]
                        )

        ids_op(0, 0).start()

        def body(c, carry):
            buf = lax.rem(c, _NBUF)
            for b in range(_NBUF):

                @pl.when(jnp.logical_and(buf == b, c >= _NBUF))
                def _(b=b):
                    store_op(c - _NBUF, b, sems[b]).wait()

            @pl.when(lax.rem(c, _IDSB) == 0)
            def _():
                blk = c // _IDSB
                for s in range(2):

                    @pl.when(lax.rem(blk, 2) == s)
                    def _(s=s):
                        ids_op(blk, s).wait()

                        @pl.when(c + _IDSB < _NCHUNK)
                        def _(s=s):
                            ids_op(blk + 1, 1 - s).start()

            gather_rows(c, buf)

            for b in range(_NBUF):

                @pl.when(buf == b)
                def _(b=b):
                    store_op(c, b, sems[b]).start()

            return carry

        lax.fori_loop(0, _NCHUNK, body, 0)

        for b in range(_NBUF):
            c_last = _NCHUNK - _NBUF + b
            buf = c_last % _NBUF
            store_op(c_last, buf, sems[buf]).wait()

    return lookup


def kernel(segmentation_ids, table):
    ids2d = segmentation_ids.reshape(_NGROUPS, _G).astype(jnp.int32)
    out = _make_sc_lookup()(ids2d, table)
    return out.reshape(_BATCH, _SEQ, _DIM)

# --- scband reference (transcript-rebuilt; emitter-appended) ---
"""Pipeline reference for scband-segmentation-embedder-89154931130642 (READ-ONLY COPY).

The authoritative reference and input builder live on the scoring server;
editing this copy changes nothing except your own understanding.
"""

import jax, jax.numpy as jnp
import numpy as np

NUM_SEGMENTS = 100
EMBED_DIM = 64
BATCH = 16384
SEQ = 200

def setup_inputs(seed: int = 0) -> dict:
    key = jax.random.key(seed)
    k_ids, k_tab = jax.random.split(key)
    segmentation_ids = jax.random.randint(k_ids, (BATCH, SEQ), 0, NUM_SEGMENTS, dtype=jnp.int64 if jax.config.jax_enable_x64 else jnp.int32)
    # torch.nn.Embedding default init: N(0, 1)
    table = jax.random.normal(k_tab, (NUM_SEGMENTS, EMBED_DIM), dtype=jnp.float32)
    return {"segmentation_ids": segmentation_ids, "table": table}

def reference(segmentation_ids, table):
    # nn.Embedding forward: gather rows of the table by index
    return jnp.take(table, segmentation_ids, axis=0)

if __name__ == "__main__":
    import jax
    _d = setup_inputs()
    print(jax.jit(kernel)(*tuple(_d.values())))

</pallas_src>

<mosaic_0001>
#map = affine_map<(d0, d1) -> (0, 0)>
module attributes {stable_mosaic.version = 14 : i64} {
  func.func @lookup(%arg0: i32, %arg1: i32, %arg2: memref<25600x128xi32, #tpu.memory_space<hbm>>, %arg3: memref<100x64xf32, #tpu.memory_space<hbm>>, %arg4: memref<3276800x64xf32, #tpu.memory_space<hbm>>, %arg5: memref<100x64xf32, #tpu.memory_space<vmem>>, %arg6: memref<32x128xi32, #tpu.memory_space<vmem>>, %arg7: memref<6x128x64xf32, #tpu.memory_space<vmem>>, %arg8: memref<6x!tpu.dma_semaphore, #tpu.memory_space<semaphore_mem>>, %arg9: memref<2x!tpu.dma_semaphore, #tpu.memory_space<semaphore_mem>>) attributes {dimension_semantics = [#tpu.dimension_semantics<core_parallel>, #tpu.dimension_semantics<subcore_parallel>], iteration_bounds = array<i64: 2, 16>, scalar_prefetch = 0 : i64, scratch_operands = 5 : i64, tpu.core_type = #tpu.core_type<sc_vector_subcore>, window_params = [{transform_indices = #map}, {transform_indices = #map}, {transform_indices = #map}]} {
    %mul3A = arith.constant 2 : i32
    %mul3A_0 = arith.muli %arg1, %mul3A : i32
    %add3A = arith.addi %mul3A_0, %arg0 : i32
    %mul3A_1 = arith.constant 800 : i32
    %mul3A_2 = arith.muli %add3A, %mul3A_1 : i32
    "tpu.region"() ({
      %run_scoped3A = tpu.sem_alloc : memref<!tpu.dma_semaphore, #tpu.memory_space<semaphore_mem>>
      tpu.enqueue_dma source(%arg3 : memref<100x64xf32, #tpu.memory_space<hbm>>) target(%arg5 : memref<100x64xf32, #tpu.memory_space<vmem>>) target_semaphore(%run_scoped3A : memref<!tpu.dma_semaphore, #tpu.memory_space<semaphore_mem>>)
      tpu.wait_dma2 semaphore(%run_scoped3A : memref<!tpu.dma_semaphore, #tpu.memory_space<semaphore_mem>>) src(%arg3 : memref<100x64xf32, #tpu.memory_space<hbm>>) dst(%arg5 : memref<100x64xf32, #tpu.memory_space<vmem>>)
      tpu.yield
    }) : () -> ()
    %add3A_3 = arith.constant 0 : i32
    %add3A_4 = arith.addi %mul3A_2, %add3A_3 : i32
    %dma_start3A = arith.constant 0 : i32
    %dma_start3A_5 = arith.constant 0 : i32
    %dma_start3A_6 = arith.constant 0 : i32
    %dma_start3A_7 = tpu.memref_slice %arg6[%dma_start3A_5, %dma_start3A_6] : memref<32x128xi32, #tpu.memory_space<vmem>> -> memref<16x128xi32, #tpu.memory_space<vmem>>
    %dma_start3A_8 = arith.constant 0 : i32
    %dma_start3A_9 = tpu.memref_slice %arg2[%add3A_4, %dma_start3A_8] : memref<25600x128xi32, #tpu.memory_space<hbm>> -> memref<16x128xi32, #tpu.memory_space<hbm>>
    %dma_start3A_10 = tpu.memref_slice %arg9[%dma_start3A] : memref<2x!tpu.dma_semaphore, #tpu.memory_space<semaphore_mem>> -> memref<1x!tpu.dma_semaphore, #tpu.memory_space<semaphore_mem>>
    %dma_start3A_11 = tpu.memref_squeeze %dma_start3A_10 : memref<1x!tpu.dma_semaphore, #tpu.memory_space<semaphore_mem>> -> memref<!tpu.dma_semaphore, #tpu.memory_space<semaphore_mem>>
    %dma_start3A_12 = arith.constant 0 : i32
    %dma_start3A_13 = arith.constant 0 : i32
    %dma_start3A_14 = tpu.memref_slice %arg6[%dma_start3A_12, %dma_start3A_13] : memref<32x128xi32, #tpu.memory_space<vmem>> -> memref<16x128xi32, #tpu.memory_space<vmem>>
    %dma_start3A_15 = arith.constant 0 : i32
    %dma_start3A_16 = tpu.memref_slice %arg2[%add3A_4, %dma_start3A_15] : memref<25600x128xi32, #tpu.memory_space<hbm>> -> memref<16x128xi32, #tpu.memory_space<hbm>>
    tpu.enqueue_dma source(%dma_start3A_16 : memref<16x128xi32, #tpu.memory_space<hbm>>) target(%dma_start3A_14 : memref<16x128xi32, #tpu.memory_space<vmem>>) target_semaphore(%dma_start3A_11 : memref<!tpu.dma_semaphore, #tpu.memory_space<semaphore_mem>>)
    %scan3A = arith.constant 0 : i32
    %scan3A_17 = arith.constant 0 : i32
    %scan3A_18 = arith.constant 1 : i32
    %scan3A_19 = arith.constant 2 : i32
    %scan3A_20 = arith.constant 3 : i32
    %scan3A_21 = arith.constant 4 : i32
    %scan3A_22 = arith.constant 5 : i32
    %scan3A_23 = arith.constant 0 : i32
    %scan3A_24 = arith.constant 800 : i32
    %scan3A_25 = arith.addi %scan3A_23, %scan3A_24 : i32
    %scan3A_26 = arith.constant 1 : i32
    scf.for %scan3A_147 = %scan3A_23 to %scan3A_25 step %scan3A_26  : i32 {
      %rem3A = arith.constant 6 : i32
      %rem3A_148 = arith.remsi %scan3A_147, %rem3A : i32
      %eq3A = arith.constant 0 : i32
      %eq3A_149 = arith.cmpi eq, %rem3A_148, %eq3A : i32
      %ge3A = arith.constant 6 : i32
      %ge3A_150 = arith.cmpi sge, %scan3A_147, %ge3A : i32
      %and3A = arith.andi %eq3A_149, %ge3A_150 : i1
      %convert_element_type3A = arith.extui %and3A : i1 to i32
      %cond3A = arith.constant 0 : i32
      %cond3A_151 = arith.cmpi ne, %convert_element_type3A, %cond3A : i32
      scf.if %cond3A_151 {
        %sub3A = arith.constant 6 : i32
        %sub3A_233 = arith.subi %scan3A_147, %sub3A : i32
        %add3A_234 = arith.addi %mul3A_2, %sub3A_233 : i32
        %mul3A_235 = arith.constant 128 : i32
        %mul3A_236 = arith.muli %add3A_234, %mul3A_235 : i32
        %dma_wait3A_237 = arith.constant 0 : i32
        %dma_wait3A_238 = arith.constant 0 : i32
        %dma_wait3A_239 = arith.constant 0 : i32
        %dma_wait3A_240 = tpu.memref_slice %arg7[%dma_wait3A_237, %dma_wait3A_238, %dma_wait3A_239] : memref<6x128x64xf32, #tpu.memory_space<vmem>> -> memref<1x128x64xf32, #tpu.memory_space<vmem>>
        %dma_wait3A_241 = tpu.memref_squeeze %dma_wait3A_240 : memref<1x128x64xf32, #tpu.memory_space<vmem>> -> memref<128x64xf32, #tpu.memory_space<vmem>>
        %dma_wait3A_242 = arith.constant 0 : i32
        %dma_wait3A_243 = tpu.memref_slice %arg4[%mul3A_236, %dma_wait3A_242] : memref<3276800x64xf32, #tpu.memory_space<hbm>> -> memref<128x64xf32, #tpu.memory_space<hbm>>
        %dma_wait3A_244 = tpu.memref_slice %arg8[%scan3A_17] : memref<6x!tpu.dma_semaphore, #tpu.memory_space<semaphore_mem>> -> memref<1x!tpu.dma_semaphore, #tpu.memory_space<semaphore_mem>>
        %dma_wait3A_245 = tpu.memref_squeeze %dma_wait3A_244 : memref<1x!tpu.dma_semaphore, #tpu.memory_space<semaphore_mem>> -> memref<!tpu.dma_semaphore, #tpu.memory_space<semaphore_mem>>
        %dma_wait3A_246 = arith.constant 0 : i32
        %dma_wait3A_247 = tpu.memref_slice %arg4[%mul3A_236, %dma_wait3A_246] : memref<3276800x64xf32, #tpu.memory_space<hbm>> -> memref<128x64xf32, #tpu.memory_space<hbm>>
        %dma_wait3A_248 = arith.constant 0 : i32
        %dma_wait3A_249 = arith.constant 0 : i32
        %dma_wait3A_250 = tpu.memref_slice %arg7[%dma_wait3A_237, %dma_wait3A_248, %dma_wait3A_249] : memref<6x128x64xf32, #tpu.memory_space<vmem>> -> memref<1x128x64xf32, #tpu.memory_space<vmem>>
        %dma_wait3A_251 = tpu.memref_squeeze %dma_wait3A_250 : memref<1x128x64xf32, #tpu.memory_space<vmem>> -> memref<128x64xf32, #tpu.memory_space<vmem>>
        tpu.wait_dma2 semaphore(%dma_wait3A_245 : memref<!tpu.dma_semaphore, #tpu.memory_space<semaphore_mem>>) src(%dma_wait3A_251 : memref<128x64xf32, #tpu.memory_space<vmem>>) dst(%dma_wait3A_247 : memref<128x64xf32, #tpu.memory_space<hbm>>)
      } else {
      }
      %eq3A_152 = arith.constant 1 : i32
      %eq3A_153 = arith.cmpi eq, %rem3A_148, %eq3A_152 : i32
      %ge3A_154 = arith.constant 6 : i32
      %ge3A_155 = arith.cmpi sge, %scan3A_147, %ge3A_154 : i32
      %and3A_156 = arith.andi %eq3A_153, %ge3A_155 : i1
      %convert_element_type3A_157 = arith.extui %and3A_156 : i1 to i32
      %cond3A_158 = arith.constant 0 : i32
      %cond3A_159 = arith.cmpi ne, %convert_element_type3A_157, %cond3A_158 : i32
      scf.if %cond3A_159 {
        %sub3A = arith.constant 6 : i32
        %sub3A_233 = arith.subi %scan3A_147, %sub3A : i32
        %add3A_234 = arith.addi %mul3A_2, %sub3A_233 : i32
        %mul3A_235 = arith.constant 128 : i32
        %mul3A_236 = arith.muli %add3A_234, %mul3A_235 : i32
        %dma_wait3A_237 = arith.constant 1 : i32
        %dma_wait3A_238 = arith.constant 0 : i32
        %dma_wait3A_239 = arith.constant 0 : i32
        %dma_wait3A_240 = tpu.memref_slice %arg7[%dma_wait3A_237, %dma_wait3A_238, %dma_wait3A_239] : memref<6x128x64xf32, #tpu.memory_space<vmem>> -> memref<1x128x64xf32, #tpu.memory_space<vmem>>
        %dma_wait3A_241 = tpu.memref_squeeze %dma_wait3A_240 : memref<1x128x64xf32, #tpu.memory_space<vmem>> -> memref<128x64xf32, #tpu.memory_space<vmem>>
        %dma_wait3A_242 = arith.constant 0 : i32
        %dma_wait3A_243 = tpu.memref_slice %arg4[%mul3A_236, %dma_wait3A_242] : memref<3276800x64xf32, #tpu.memory_space<hbm>> -> memref<128x64xf32, #tpu.memory_space<hbm>>
        %dma_wait3A_244 = tpu.memref_slice %arg8[%scan3A_18] : memref<6x!tpu.dma_semaphore, #tpu.memory_space<semaphore_mem>> -> memref<1x!tpu.dma_semaphore, #tpu.memory_space<semaphore_mem>>
        %dma_wait3A_245 = tpu.memref_squeeze %dma_wait3A_244 : memref<1x!tpu.dma_semaphore, #tpu.memory_space<semaphore_mem>> -> memref<!tpu.dma_semaphore, #tpu.memory_space<semaphore_mem>>
        %dma_wait3A_246 = arith.constant 0 : i32
        %dma_wait3A_247 = tpu.memref_slice %arg4[%mul3A_236, %dma_wait3A_246] : memref<3276800x64xf32, #tpu.memory_space<hbm>> -> memref<128x64xf32, #tpu.memory_space<hbm>>
        %dma_wait3A_248 = arith.constant 0 : i32
        %dma_wait3A_249 = arith.constant 0 : i32
        %dma_wait3A_250 = tpu.memref_slice %arg7[%dma_wait3A_237, %dma_wait3A_248, %dma_wait3A_249] : memref<6x128x64xf32, #tpu.memory_space<vmem>> -> memref<1x128x64xf32, #tpu.memory_space<vmem>>
        %dma_wait3A_251 = tpu.memref_squeeze %dma_wait3A_250 : memref<1x128x64xf32, #tpu.memory_space<vmem>> -> memref<128x64xf32, #tpu.memory_space<vmem>>
        tpu.wait_dma2 semaphore(%dma_wait3A_245 : memref<!tpu.dma_semaphore, #tpu.memory_space<semaphore_mem>>) src(%dma_wait3A_251 : memref<128x64xf32, #tpu.memory_space<vmem>>) dst(%dma_wait3A_247 : memref<128x64xf32, #tpu.memory_space<hbm>>)
      } else {
      }
      %eq3A_160 = arith.constant 2 : i32
      %eq3A_161 = arith.cmpi eq, %rem3A_148, %eq3A_160 : i32
      %ge3A_162 = arith.constant 6 : i32
      %ge3A_163 = arith.cmpi sge, %scan3A_147, %ge3A_162 : i32
      %and3A_164 = arith.andi %eq3A_161, %ge3A_163 : i1
      %convert_element_type3A_165 = arith.extui %and3A_164 : i1 to i32
      %cond3A_166 = arith.constant 0 : i32
      %cond3A_167 = arith.cmpi ne, %convert_element_type3A_165, %cond3A_166 : i32
      scf.if %cond3A_167 {
        %sub3A = arith.constant 6 : i32
        %sub3A_233 = arith.subi %scan3A_147, %sub3A : i32
        %add3A_234 = arith.addi %mul3A_2, %sub3A_233 : i32
        %mul3A_235 = arith.constant 128 : i32
        %mul3A_236 = arith.muli %add3A_234, %mul3A_235 : i32
        %dma_wait3A_237 = arith.constant 2 : i32
        %dma_wait3A_238 = arith.constant 0 : i32
        %dma_wait3A_239 = arith.constant 0 : i32
        %dma_wait3A_240 = tpu.memref_slice %arg7[%dma_wait3A_237, %dma_wait3A_238, %dma_wait3A_239] : memref<6x128x64xf32, #tpu.memory_space<vmem>> -> memref<1x128x64xf32, #tpu.memory_space<vmem>>
        %dma_wait3A_241 = tpu.memref_squeeze %dma_wait3A_240 : memref<1x128x64xf32, #tpu.memory_space<vmem>> -> memref<128x64xf32, #tpu.memory_space<vmem>>
        %dma_wait3A_242 = arith.constant 0 : i32
        %dma_wait3A_243 = tpu.memref_slice %arg4[%mul3A_236, %dma_wait3A_242] : memref<3276800x64xf32, #tpu.memory_space<hbm>> -> memref<128x64xf32, #tpu.memory_space<hbm>>
        %dma_wait3A_244 = tpu.memref_slice %arg8[%scan3A_19] : memref<6x!tpu.dma_semaphore, #tpu.memory_space<semaphore_mem>> -> memref<1x!tpu.dma_semaphore, #tpu.memory_space<semaphore_mem>>
        %dma_wait3A_245 = tpu.memref_squeeze %dma_wait3A_244 : memref<1x!tpu.dma_semaphore, #tpu.memory_space<semaphore_mem>> -> memref<!tpu.dma_semaphore, #tpu.memory_space<semaphore_mem>>
        %dma_wait3A_246 = arith.constant 0 : i32
        %dma_wait3A_247 = tpu.memref_slice %arg4[%mul3A_236, %dma_wait3A_246] : memref<3276800x64xf32, #tpu.memory_space<hbm>> -> memref<128x64xf32, #tpu.memory_space<hbm>>
        %dma_wait3A_248 = arith.constant 0 : i32
        %dma_wait3A_249 = arith.constant 0 : i32
        %dma_wait3A_250 = tpu.memref_slice %arg7[%dma_wait3A_237, %dma_wait3A_248, %dma_wait3A_249] : memref<6x128x64xf32, #tpu.memory_space<vmem>> -> memref<1x128x64xf32, #tpu.memory_space<vmem>>
        %dma_wait3A_251 = tpu.memref_squeeze %dma_wait3A_250 : memref<1x128x64xf32, #tpu.memory_space<vmem>> -> memref<128x64xf32, #tpu.memory_space<vmem>>
        tpu.wait_dma2 semaphore(%dma_wait3A_245 : memref<!tpu.dma_semaphore, #tpu.memory_space<semaphore_mem>>) src(%dma_wait3A_251 : memref<128x64xf32, #tpu.memory_space<vmem>>) dst(%dma_wait3A_247 : memref<128x64xf32, #tpu.memory_space<hbm>>)
      } else {
      }
      %eq3A_168 = arith.constant 3 : i32
      %eq3A_169 = arith.cmpi eq, %rem3A_148, %eq3A_168 : i32
      %ge3A_170 = arith.constant 6 : i32
      %ge3A_171 = arith.cmpi sge, %scan3A_147, %ge3A_170 : i32
      %and3A_172 = arith.andi %eq3A_169, %ge3A_171 : i1
      %convert_element_type3A_173 = arith.extui %and3A_172 : i1 to i32
      %cond3A_174 = arith.constant 0 : i32
      %cond3A_175 = arith.cmpi ne, %convert_element_type3A_173, %cond3A_174 : i32
      scf.if %cond3A_175 {
        %sub3A = arith.constant 6 : i32
        %sub3A_233 = arith.subi %scan3A_147, %sub3A : i32
        %add3A_234 = arith.addi %mul3A_2, %sub3A_233 : i32
        %mul3A_235 = arith.constant 128 : i32
        %mul3A_236 = arith.muli %add3A_234, %mul3A_235 : i32
        %dma_wait3A_237 = arith.constant 3 : i32
        %dma_wait3A_238 = arith.constant 0 : i32
        %dma_wait3A_239 = arith.constant 0 : i32
        %dma_wait3A_240 = tpu.memref_slice %arg7[%dma_wait3A_237, %dma_wait3A_238, %dma_wait3A_239] : memref<6x128x64xf32, #tpu.memory_space<vmem>> -> memref<1x128x64xf32, #tpu.memory_space<vmem>>
        %dma_wait3A_241 = tpu.memref_squeeze %dma_wait3A_240 : memref<1x128x64xf32, #tpu.memory_space<vmem>> -> memref<128x64xf32, #tpu.memory_space<vmem>>
        %dma_wait3A_242 = arith.constant 0 : i32
        %dma_wait3A_243 = tpu.memref_slice %arg4[%mul3A_236, %dma_wait3A_242] : memref<3276800x64xf32, #tpu.memory_space<hbm>> -> memref<128x64xf32, #tpu.memory_space<hbm>>
        %dma_wait3A_244 = tpu.memref_slice %arg8[%scan3A_20] : memref<6x!tpu.dma_semaphore, #tpu.memory_space<semaphore_mem>> -> memref<1x!tpu.dma_semaphore, #tpu.memory_space<semaphore_mem>>
        %dma_wait3A_245 = tpu.memref_squeeze %dma_wait3A_244 : memref<1x!tpu.dma_semaphore, #tpu.memory_space<semaphore_mem>> -> memref<!tpu.dma_semaphore, #tpu.memory_space<semaphore_mem>>
        %dma_wait3A_246 = arith.constant 0 : i32
        %dma_wait3A_247 = tpu.memref_slice %arg4[%mul3A_236, %dma_wait3A_246] : memref<3276800x64xf32, #tpu.memory_space<hbm>> -> memref<128x64xf32, #tpu.memory_space<hbm>>
        %dma_wait3A_248 = arith.constant 0 : i32
        %dma_wait3A_249 = arith.constant 0 : i32
        %dma_wait3A_250 = tpu.memref_slice %arg7[%dma_wait3A_237, %dma_wait3A_248, %dma_wait3A_249] : memref<6x128x64xf32, #tpu.memory_space<vmem>> -> memref<1x128x64xf32, #tpu.memory_space<vmem>>
        %dma_wait3A_251 = tpu.memref_squeeze %dma_wait3A_250 : memref<1x128x64xf32, #tpu.memory_space<vmem>> -> memref<128x64xf32, #tpu.memory_space<vmem>>
        tpu.wait_dma2 semaphore(%dma_wait3A_245 : memref<!tpu.dma_semaphore, #tpu.memory_space<semaphore_mem>>) src(%dma_wait3A_251 : memref<128x64xf32, #tpu.memory_space<vmem>>) dst(%dma_wait3A_247 : memref<128x64xf32, #tpu.memory_space<hbm>>)
      } else {
      }
      %eq3A_176 = arith.constant 4 : i32
      %eq3A_177 = arith.cmpi eq, %rem3A_148, %eq3A_176 : i32
      %ge3A_178 = arith.constant 6 : i32
      %ge3A_179 = arith.cmpi sge, %scan3A_147, %ge3A_178 : i32
      %and3A_180 = arith.andi %eq3A_177, %ge3A_179 : i1
      %convert_element_type3A_181 = arith.extui %and3A_180 : i1 to i32
      %cond3A_182 = arith.constant 0 : i32
      %cond3A_183 = arith.cmpi ne, %convert_element_type3A_181, %cond3A_182 : i32
      scf.if %cond3A_183 {
        %sub3A = arith.constant 6 : i32
        %sub3A_233 = arith.subi %scan3A_147, %sub3A : i32
        %add3A_234 = arith.addi %mul3A_2, %sub3A_233 : i32
        %mul3A_235 = arith.constant 128 : i32
        %mul3A_236 = arith.muli %add3A_234, %mul3A_235 : i32
        %dma_wait3A_237 = arith.constant 4 : i32
        %dma_wait3A_238 = arith.constant 0 : i32
        %dma_wait3A_239 = arith.constant 0 : i32
        %dma_wait3A_240 = tpu.memref_slice %arg7[%dma_wait3A_237, %dma_wait3A_238, %dma_wait3A_239] : memref<6x128x64xf32, #tpu.memory_space<vmem>> -> memref<1x128x64xf32, #tpu.memory_space<vmem>>
        %dma_wait3A_241 = tpu.memref_squeeze %dma_wait3A_240 : memref<1x128x64xf32, #tpu.memory_space<vmem>> -> memref<128x64xf32, #tpu.memory_space<vmem>>
        %dma_wait3A_242 = arith.constant 0 : i32
        %dma_wait3A_243 = tpu.memref_slice %arg4[%mul3A_236, %dma_wait3A_242] : memref<3276800x64xf32, #tpu.memory_space<hbm>> -> memref<128x64xf32, #tpu.memory_space<hbm>>
        %dma_wait3A_244 = tpu.memref_slice %arg8[%scan3A_21] : memref<6x!tpu.dma_semaphore, #tpu.memory_space<semaphore_mem>> -> memref<1x!tpu.dma_semaphore, #tpu.memory_space<semaphore_mem>>
        %dma_wait3A_245 = tpu.memref_squeeze %dma_wait3A_244 : memref<1x!tpu.dma_semaphore, #tpu.memory_space<semaphore_mem>> -> memref<!tpu.dma_semaphore, #tpu.memory_space<semaphore_mem>>
        %dma_wait3A_246 = arith.constant 0 : i32
        %dma_wait3A_247 = tpu.memref_slice %arg4[%mul3A_236, %dma_wait3A_246] : memref<3276800x64xf32, #tpu.memory_space<hbm>> -> memref<128x64xf32, #tpu.memory_space<hbm>>
        %dma_wait3A_248 = arith.constant 0 : i32
        %dma_wait3A_249 = arith.constant 0 : i32
        %dma_wait3A_250 = tpu.memref_slice %arg7[%dma_wait3A_237, %dma_wait3A_248, %dma_wait3A_249] : memref<6x128x64xf32, #tpu.memory_space<vmem>> -> memref<1x128x64xf32, #tpu.memory_space<vmem>>
        %dma_wait3A_251 = tpu.memref_squeeze %dma_wait3A_250 : memref<1x128x64xf32, #tpu.memory_space<vmem>> -> memref<128x64xf32, #tpu.memory_space<vmem>>
        tpu.wait_dma2 semaphore(%dma_wait3A_245 : memref<!tpu.dma_semaphore, #tpu.memory_space<semaphore_mem>>) src(%dma_wait3A_251 : memref<128x64xf32, #tpu.memory_space<vmem>>) dst(%dma_wait3A_247 : memref<128x64xf32, #tpu.memory_space<hbm>>)
      } else {
      }
      %eq3A_184 = arith.constant 5 : i32
      %eq3A_185 = arith.cmpi eq, %rem3A_148, %eq3A_184 : i32
      %ge3A_186 = arith.constant 6 : i32
      %ge3A_187 = arith.cmpi sge, %scan3A_147, %ge3A_186 : i32
      %and3A_188 = arith.andi %eq3A_185, %ge3A_187 : i1
      %convert_element_type3A_189 = arith.extui %and3A_188 : i1 to i32
      %cond3A_190 = arith.constant 0 : i32
      %cond3A_191 = arith.cmpi ne, %convert_element_type3A_189, %cond3A_190 : i32
      scf.if %cond3A_191 {
        %sub3A = arith.constant 6 : i32
        %sub3A_233 = arith.subi %scan3A_147, %sub3A : i32
        %add3A_234 = arith.addi %mul3A_2, %sub3A_233 : i32
        %mul3A_235 = arith.constant 128 : i32
        %mul3A_236 = arith.muli %add3A_234, %mul3A_235 : i32
        %dma_wait3A_237 = arith.constant 5 : i32
        %dma_wait3A_238 = arith.constant 0 : i32
        %dma_wait3A_239 = arith.constant 0 : i32
        %dma_wait3A_240 = tpu.memref_slice %arg7[%dma_wait3A_237, %dma_wait3A_238, %dma_wait3A_239] : memref<6x128x64xf32, #tpu.memory_space<vmem>> -> memref<1x128x64xf32, #tpu.memory_space<vmem>>
        %dma_wait3A_241 = tpu.memref_squeeze %dma_wait3A_240 : memref<1x128x64xf32, #tpu.memory_space<vmem>> -> memref<128x64xf32, #tpu.memory_space<vmem>>
        %dma_wait3A_242 = arith.constant 0 : i32
        %dma_wait3A_243 = tpu.memref_slice %arg4[%mul3A_236, %dma_wait3A_242] : memref<3276800x64xf32, #tpu.memory_space<hbm>> -> memref<128x64xf32, #tpu.memory_space<hbm>>
        %dma_wait3A_244 = tpu.memref_slice %arg8[%scan3A_22] : memref<6x!tpu.dma_semaphore, #tpu.memory_space<semaphore_mem>> -> memref<1x!tpu.dma_semaphore, #tpu.memory_space<semaphore_mem>>
        %dma_wait3A_245 = tpu.memref_squeeze %dma_wait3A_244 : memref<1x!tpu.dma_semaphore, #tpu.memory_space<semaphore_mem>> -> memref<!tpu.dma_semaphore, #tpu.memory_space<semaphore_mem>>
        %dma_wait3A_246 = arith.constant 0 : i32
        %dma_wait3A_247 = tpu.memref_slice %arg4[%mul3A_236, %dma_wait3A_246] : memref<3276800x64xf32, #tpu.memory_space<hbm>> -> memref<128x64xf32, #tpu.memory_space<hbm>>
        %dma_wait3A_248 = arith.constant 0 : i32
        %dma_wait3A_249 = arith.constant 0 : i32
        %dma_wait3A_250 = tpu.memref_slice %arg7[%dma_wait3A_237, %dma_wait3A_248, %dma_wait3A_249] : memref<6x128x64xf32, #tpu.memory_space<vmem>> -> memref<1x128x64xf32, #tpu.memory_space<vmem>>
        %dma_wait3A_251 = tpu.memref_squeeze %dma_wait3A_250 : memref<1x128x64xf32, #tpu.memory_space<vmem>> -> memref<128x64xf32, #tpu.memory_space<vmem>>
        tpu.wait_dma2 semaphore(%dma_wait3A_245 : memref<!tpu.dma_semaphore, #tpu.memory_space<semaphore_mem>>) src(%dma_wait3A_251 : memref<128x64xf32, #tpu.memory_space<vmem>>) dst(%dma_wait3A_247 : memref<128x64xf32, #tpu.memory_space<hbm>>)
      } else {
      }
      %rem3A_192 = arith.constant 16 : i32
      %rem3A_193 = arith.remsi %scan3A_147, %rem3A_192 : i32
      %eq3A_194 = arith.constant 0 : i32
      %eq3A_195 = arith.cmpi eq, %rem3A_193, %eq3A_194 : i32
      %convert_element_type3A_196 = arith.extui %eq3A_195 : i1 to i32
      %cond3A_197 = arith.constant 0 : i32
      %cond3A_198 = arith.cmpi ne, %convert_element_type3A_196, %cond3A_197 : i32
      scf.if %cond3A_198 {
        %jit3A = arith.constant 16 : i32
        %div3A = arith.divsi %scan3A_147, %jit3A : i32
        %sign3A = arith.constant 0 : i32
        %sign3A_233 = arith.cmpi sgt, %scan3A_147, %sign3A : i32
        %sign3A_234 = arith.extui %sign3A_233 : i1 to i32
        %sign3A_235 = arith.constant 0 : i32
        %sign3A_236 = arith.cmpi slt, %scan3A_147, %sign3A_235 : i32
        %sign3A_237 = arith.extui %sign3A_236 : i1 to i32
        %sign3A_238 = arith.subi %sign3A_234, %sign3A_237 : i32
        %sign3A_239 = arith.constant 0 : i32
        %sign3A_240 = arith.cmpi sgt, %jit3A, %sign3A_239 : i32
        %sign3A_241 = arith.extui %sign3A_240 : i1 to i32
        %sign3A_242 = arith.constant 0 : i32
        %sign3A_243 = arith.cmpi slt, %jit3A, %sign3A_242 : i32
        %sign3A_244 = arith.extui %sign3A_243 : i1 to i32
        %sign3A_245 = arith.subi %sign3A_241, %sign3A_244 : i32
        %ne3A = arith.cmpi ne, %sign3A_238, %sign3A_245 : i32
        %rem3A_246 = arith.remsi %scan3A_147, %jit3A : i32
        %ne3A_247 = arith.constant 0 : i32
        %ne3A_248 = arith.cmpi ne, %rem3A_246, %ne3A_247 : i32
        %and3A_249 = arith.andi %ne3A, %ne3A_248 : i1
        %sub3A = arith.constant 1 : i32
        %sub3A_250 = arith.subi %div3A, %sub3A : i32
        %select_n3A = arith.select %and3A_249, %sub3A_250, %div3A : i32
        %rem3A_251 = arith.constant 2 : i32
        %rem3A_252 = arith.remsi %select_n3A, %rem3A_251 : i32
        %eq3A_253 = arith.constant 0 : i32
        %eq3A_254 = arith.cmpi eq, %rem3A_252, %eq3A_253 : i32
        %convert_element_type3A_255 = arith.extui %eq3A_254 : i1 to i32
        %cond3A_256 = arith.constant 0 : i32
        %cond3A_257 = arith.cmpi ne, %convert_element_type3A_255, %cond3A_256 : i32
        scf.if %cond3A_257 {
          %mul3A_265 = arith.constant 16 : i32
          %mul3A_266 = arith.muli %select_n3A, %mul3A_265 : i32
          %add3A_267 = arith.addi %mul3A_2, %mul3A_266 : i32
          %dma_wait3A_268 = arith.constant 0 : i32
          %dma_wait3A_269 = arith.constant 0 : i32
          %dma_wait3A_270 = arith.constant 0 : i32
          %dma_wait3A_271 = tpu.memref_slice %arg6[%dma_wait3A_269, %dma_wait3A_270] : memref<32x128xi32, #tpu.memory_space<vmem>> -> memref<16x128xi32, #tpu.memory_space<vmem>>
          %dma_wait3A_272 = arith.constant 0 : i32
          %dma_wait3A_273 = tpu.memref_slice %arg2[%add3A_267, %dma_wait3A_272] : memref<25600x128xi32, #tpu.memory_space<hbm>> -> memref<16x128xi32, #tpu.memory_space<hbm>>
          %dma_wait3A_274 = tpu.memref_slice %arg9[%dma_wait3A_268] : memref<2x!tpu.dma_semaphore, #tpu.memory_space<semaphore_mem>> -> memref<1x!tpu.dma_semaphore, #tpu.memory_space<semaphore_mem>>
          %dma_wait3A_275 = tpu.memref_squeeze %dma_wait3A_274 : memref<1x!tpu.dma_semaphore, #tpu.memory_space<semaphore_mem>> -> memref<!tpu.dma_semaphore, #tpu.memory_space<semaphore_mem>>
          %dma_wait3A_276 = arith.constant 0 : i32
          %dma_wait3A_277 = arith.constant 0 : i32
          %dma_wait3A_278 = tpu.memref_slice %arg6[%dma_wait3A_276, %dma_wait3A_277] : memref<32x128xi32, #tpu.memory_space<vmem>> -> memref<16x128xi32, #tpu.memory_space<vmem>>
          %dma_wait3A_279 = arith.constant 0 : i32
          %dma_wait3A_280 = tpu.memref_slice %arg2[%add3A_267, %dma_wait3A_279] : memref<25600x128xi32, #tpu.memory_space<hbm>> -> memref<16x128xi32, #tpu.memory_space<hbm>>
          tpu.wait_dma2 semaphore(%dma_wait3A_275 : memref<!tpu.dma_semaphore, #tpu.memory_space<semaphore_mem>>) src(%dma_wait3A_280 : memref<16x128xi32, #tpu.memory_space<hbm>>) dst(%dma_wait3A_278 : memref<16x128xi32, #tpu.memory_space<vmem>>)
          %add3A_281 = arith.constant 16 : i32
          %add3A_282 = arith.addi %scan3A_147, %add3A_281 : i32
          %lt3A = arith.constant 800 : i32
          %lt3A_283 = arith.cmpi slt, %add3A_282, %lt3A : i32
          %convert_element_type3A_284 = arith.extui %lt3A_283 : i1 to i32
          %cond3A_285 = arith.constant 0 : i32
          %cond3A_286 = arith.cmpi ne, %convert_element_type3A_284, %cond3A_285 : i32
          scf.if %cond3A_286 {
            %add3A_287 = arith.constant 1 : i32
            %add3A_288 = arith.addi %select_n3A, %add3A_287 : i32
            %mul3A_289 = arith.constant 16 : i32
            %mul3A_290 = arith.muli %add3A_288, %mul3A_289 : i32
            %add3A_291 = arith.addi %mul3A_2, %mul3A_290 : i32
            %dma_start3A_292 = arith.constant 1 : i32
            %dma_start3A_293 = arith.constant 16 : i32
            %dma_start3A_294 = arith.constant 0 : i32
            %dma_start3A_295 = tpu.memref_slice %arg6[%dma_start3A_293, %dma_start3A_294] : memref<32x128xi32, #tpu.memory_space<vmem>> -> memref<16x128xi32, #tpu.memory_space<vmem>>
            %dma_start3A_296 = arith.constant 0 : i32
            %dma_start3A_297 = tpu.memref_slice %arg2[%add3A_291, %dma_start3A_296] : memref<25600x128xi32, #tpu.memory_space<hbm>> -> memref<16x128xi32, #tpu.memory_space<hbm>>
            %dma_start3A_298 = tpu.memref_slice %arg9[%dma_start3A_292] : memref<2x!tpu.dma_semaphore, #tpu.memory_space<semaphore_mem>> -> memref<1x!tpu.dma_semaphore, #tpu.memory_space<semaphore_mem>>
            %dma_start3A_299 = tpu.memref_squeeze %dma_start3A_298 : memref<1x!tpu.dma_semaphore, #tpu.memory_space<semaphore_mem>> -> memref<!tpu.dma_semaphore, #tpu.memory_space<semaphore_mem>>
            %dma_start3A_300 = arith.constant 16 : i32
            %dma_start3A_301 = arith.constant 0 : i32
            %dma_start3A_302 = tpu.memref_slice %arg6[%dma_start3A_300, %dma_start3A_301] : memref<32x128xi32, #tpu.memory_space<vmem>> -> memref<16x128xi32, #tpu.memory_space<vmem>>
            %dma_start3A_303 = arith.constant 0 : i32
            %dma_start3A_304 = tpu.memref_slice %arg2[%add3A_291, %dma_start3A_303] : memref<25600x128xi32, #tpu.memory_space<hbm>> -> memref<16x128xi32, #tpu.memory_space<hbm>>
            tpu.enqueue_dma source(%dma_start3A_304 : memref<16x128xi32, #tpu.memory_space<hbm>>) target(%dma_start3A_302 : memref<16x128xi32, #tpu.memory_space<vmem>>) target_semaphore(%dma_start3A_299 : memref<!tpu.dma_semaphore, #tpu.memory_space<semaphore_mem>>)
          } else {
          }
        } else {
        }
        %rem3A_258 = arith.constant 2 : i32
        %rem3A_259 = arith.remsi %select_n3A, %rem3A_258 : i32
        %eq3A_260 = arith.constant 1 : i32
        %eq3A_261 = arith.cmpi eq, %rem3A_259, %eq3A_260 : i32
        %convert_element_type3A_262 = arith.extui %eq3A_261 : i1 to i32
        %cond3A_263 = arith.constant 0 : i32
        %cond3A_264 = arith.cmpi ne, %convert_element_type3A_262, %cond3A_263 : i32
        scf.if %cond3A_264 {
          %mul3A_265 = arith.constant 16 : i32
          %mul3A_266 = arith.muli %select_n3A, %mul3A_265 : i32
          %add3A_267 = arith.addi %mul3A_2, %mul3A_266 : i32
          %dma_wait3A_268 = arith.constant 1 : i32
          %dma_wait3A_269 = arith.constant 16 : i32
          %dma_wait3A_270 = arith.constant 0 : i32
          %dma_wait3A_271 = tpu.memref_slice %arg6[%dma_wait3A_269, %dma_wait3A_270] : memref<32x128xi32, #tpu.memory_space<vmem>> -> memref<16x128xi32, #tpu.memory_space<vmem>>
          %dma_wait3A_272 = arith.constant 0 : i32
          %dma_wait3A_273 = tpu.memref_slice %arg2[%add3A_267, %dma_wait3A_272] : memref<25600x128xi32, #tpu.memory_space<hbm>> -> memref<16x128xi32, #tpu.memory_space<hbm>>
          %dma_wait3A_274 = tpu.memref_slice %arg9[%dma_wait3A_268] : memref<2x!tpu.dma_semaphore, #tpu.memory_space<semaphore_mem>> -> memref<1x!tpu.dma_semaphore, #tpu.memory_space<semaphore_mem>>
          %dma_wait3A_275 = tpu.memref_squeeze %dma_wait3A_274 : memref<1x!tpu.dma_semaphore, #tpu.memory_space<semaphore_mem>> -> memref<!tpu.dma_semaphore, #tpu.memory_space<semaphore_mem>>
          %dma_wait3A_276 = arith.constant 16 : i32
          %dma_wait3A_277 = arith.constant 0 : i32
          %dma_wait3A_278 = tpu.memref_slice %arg6[%dma_wait3A_276, %dma_wait3A_277] : memref<32x128xi32, #tpu.memory_space<vmem>> -> memref<16x128xi32, #tpu.memory_space<vmem>>
          %dma_wait3A_279 = arith.constant 0 : i32
          %dma_wait3A_280 = tpu.memref_slice %arg2[%add3A_267, %dma_wait3A_279] : memref<25600x128xi32, #tpu.memory_space<hbm>> -> memref<16x128xi32, #tpu.memory_space<hbm>>
          tpu.wait_dma2 semaphore(%dma_wait3A_275 : memref<!tpu.dma_semaphore, #tpu.memory_space<semaphore_mem>>) src(%dma_wait3A_280 : memref<16x128xi32, #tpu.memory_space<hbm>>) dst(%dma_wait3A_278 : memref<16x128xi32, #tpu.memory_space<vmem>>)
          %add3A_281 = arith.constant 16 : i32
          %add3A_282 = arith.addi %scan3A_147, %add3A_281 : i32
          %lt3A = arith.constant 800 : i32
          %lt3A_283 = arith.cmpi slt, %add3A_282, %lt3A : i32
          %convert_element_type3A_284 = arith.extui %lt3A_283 : i1 to i32
          %cond3A_285 = arith.constant 0 : i32
          %cond3A_286 = arith.cmpi ne, %convert_element_type3A_284, %cond3A_285 : i32
          scf.if %cond3A_286 {
            %add3A_287 = arith.constant 1 : i32
            %add3A_288 = arith.addi %select_n3A, %add3A_287 : i32
            %mul3A_289 = arith.constant 16 : i32
            %mul3A_290 = arith.muli %add3A_288, %mul3A_289 : i32
            %add3A_291 = arith.addi %mul3A_2, %mul3A_290 : i32
            %dma_start3A_292 = arith.constant 0 : i32
            %dma_start3A_293 = arith.constant 0 : i32
            %dma_start3A_294 = arith.constant 0 : i32
            %dma_start3A_295 = tpu.memref_slice %arg6[%dma_start3A_293, %dma_start3A_294] : memref<32x128xi32, #tpu.memory_space<vmem>> -> memref<16x128xi32, #tpu.memory_space<vmem>>
            %dma_start3A_296 = arith.constant 0 : i32
            %dma_start3A_297 = tpu.memref_slice %arg2[%add3A_291, %dma_start3A_296] : memref<25600x128xi32, #tpu.memory_space<hbm>> -> memref<16x128xi32, #tpu.memory_space<hbm>>
            %dma_start3A_298 = tpu.memref_slice %arg9[%dma_start3A_292] : memref<2x!tpu.dma_semaphore, #tpu.memory_space<semaphore_mem>> -> memref<1x!tpu.dma_semaphore, #tpu.memory_space<semaphore_mem>>
            %dma_start3A_299 = tpu.memref_squeeze %dma_start3A_298 : memref<1x!tpu.dma_semaphore, #tpu.memory_space<semaphore_mem>> -> memref<!tpu.dma_semaphore, #tpu.memory_space<semaphore_mem>>
            %dma_start3A_300 = arith.constant 0 : i32
            %dma_start3A_301 = arith.constant 0 : i32
            %dma_start3A_302 = tpu.memref_slice %arg6[%dma_start3A_300, %dma_start3A_301] : memref<32x128xi32, #tpu.memory_space<vmem>> -> memref<16x128xi32, #tpu.memory_space<vmem>>
            %dma_start3A_303 = arith.constant 0 : i32
            %dma_start3A_304 = tpu.memref_slice %arg2[%add3A_291, %dma_start3A_303] : memref<25600x128xi32, #tpu.memory_space<hbm>> -> memref<16x128xi32, #tpu.memory_space<hbm>>
            tpu.enqueue_dma source(%dma_start3A_304 : memref<16x128xi32, #tpu.memory_space<hbm>>) target(%dma_start3A_302 : memref<16x128xi32, #tpu.memory_space<vmem>>) target_semaphore(%dma_start3A_299 : memref<!tpu.dma_semaphore, #tpu.memory_space<semaphore_mem>>)
          } else {
          }
        } else {
        }
      } else {
      }
      %rem3A_199 = arith.constant 32 : i32
      %rem3A_200 = arith.remsi %scan3A_147, %rem3A_199 : i32
      %parallel_loop3A = arith.constant 0 : i32
      %parallel_loop3A_201 = arith.constant 8 : i32
      %parallel_loop3A_202 = arith.constant 1 : i32
      scf.for %parallel_loop3A_233 = %parallel_loop3A to %parallel_loop3A_201 step %parallel_loop3A_202  : i32 {
        %parallel_loop3A_234 = arith.constant 16 : i32
        %parallel_loop3A_235 = arith.muli %parallel_loop3A_233, %parallel_loop3A_234 : i32
        %parallel_loop3A_236 = arith.index_cast %rem3A_200 : i32 to index
        %parallel_loop3A_237 = arith.index_cast %parallel_loop3A_235 : i32 to index
        %parallel_loop3A_238 = tpu.vector_load %arg6[%parallel_loop3A_236, %parallel_loop3A_237] {strides = array<i32>} : memref<32x128xi32, #tpu.memory_space<vmem>>, vector<1x16xi32>,
        %parallel_loop3A_239 = vector.shape_cast %parallel_loop3A_238 : vector<1x16xi32> to vector<16xi32>
        %parallel_loop3A_240 = arith.constant 16 : i32
        %parallel_loop3A_241 = arith.muli %parallel_loop3A_233, %parallel_loop3A_240 : i32
        %parallel_loop3A_242 = arith.constant 0 : i32
        %parallel_loop3A_243 = arith.addi %parallel_loop3A_241, %parallel_loop3A_242 : i32
        %parallel_loop3A_244 = vector.extract_strided_slice %parallel_loop3A_239 {offsets = [0], sizes = [1], strides = [1]} : vector<16xi32> to vector<1xi32>
        %parallel_loop3A_245 = vector.extract %parallel_loop3A_244[0] : i32 from vector<1xi32>
        %parallel_loop3A_246 = arith.index_cast %parallel_loop3A_245 : i32 to index
        %parallel_loop3A_247 = arith.constant 0 : index
        %parallel_loop3A_248 = tpu.vector_load %arg5[%parallel_loop3A_246, %parallel_loop3A_247] {strides = array<i32>} : memref<100x64xf32, #tpu.memory_space<vmem>>, vector<1x16xf32>,
        %parallel_loop3A_249 = vector.shape_cast %parallel_loop3A_248 : vector<1x16xf32> to vector<16xf32>
        %parallel_loop3A_250 = arith.index_cast %rem3A_148 : i32 to index
        %parallel_loop3A_251 = arith.index_cast %parallel_loop3A_243 : i32 to index
        %parallel_loop3A_252 = arith.constant 0 : index
        %parallel_loop3A_253 = tpu.vector_load %arg7[%parallel_loop3A_250, %parallel_loop3A_251, %parallel_loop3A_252] {strides = array<i32>} : memref<6x128x64xf32, #tpu.memory_space<vmem>>, vector<1x1x16xf32>,
        %parallel_loop3A_254 = vector.shape_cast %parallel_loop3A_253 : vector<1x1x16xf32> to vector<16xf32>
        %parallel_loop3A_255 = vector.shape_cast %parallel_loop3A_249 : vector<16xf32> to vector<1x1x16xf32>
        tpu.vector_store %arg7[%parallel_loop3A_250, %parallel_loop3A_251, %parallel_loop3A_252], %parallel_loop3A_255 {strides = array<i32>} : memref<6x128x64xf32, #tpu.memory_space<vmem>>, vector<1x1x16xf32>,
        %parallel_loop3A_256 = arith.index_cast %parallel_loop3A_245 : i32 to index
        %parallel_loop3A_257 = arith.constant 16 : index
        %parallel_loop3A_258 = tpu.vector_load %arg5[%parallel_loop3A_256, %parallel_loop3A_257] {strides = array<i32>} : memref<100x64xf32, #tpu.memory_space<vmem>>, vector<1x16xf32>,
        %parallel_loop3A_259 = vector.shape_cast %parallel_loop3A_258 : vector<1x16xf32> to vector<16xf32>
        %parallel_loop3A_260 = arith.index_cast %rem3A_148 : i32 to index
        %parallel_loop3A_261 = arith.index_cast %parallel_loop3A_243 : i32 to index
        %parallel_loop3A_262 = arith.constant 16 : index
        %parallel_loop3A_263 = tpu.vector_load %arg7[%parallel_loop3A_260, %parallel_loop3A_261, %parallel_loop3A_262] {strides = array<i32>} : memref<6x128x64xf32, #tpu.memory_space<vmem>>, vector<1x1x16xf32>,
        %parallel_loop3A_264 = vector.shape_cast %parallel_loop3A_263 : vector<1x1x16xf32> to vector<16xf32>
        %parallel_loop3A_265 = vector.shape_cast %parallel_loop3A_259 : vector<16xf32> to vector<1x1x16xf32>
        tpu.vector_store %arg7[%parallel_loop3A_260, %parallel_loop3A_261, %parallel_loop3A_262], %parallel_loop3A_265 {strides = array<i32>} : memref<6x128x64xf32, #tpu.memory_space<vmem>>, vector<1x1x16xf32>,
        %parallel_loop3A_266 = arith.index_cast %parallel_loop3A_245 : i32 to index
        %parallel_loop3A_267 = arith.constant 32 : index
        %parallel_loop3A_268 = tpu.vector_load %arg5[%parallel_loop3A_266, %parallel_loop3A_267] {strides = array<i32>} : memref<100x64xf32, #tpu.memory_space<vmem>>, vector<1x16xf32>,
        %parallel_loop3A_269 = vector.shape_cast %parallel_loop3A_268 : vector<1x16xf32> to vector<16xf32>
        %parallel_loop3A_270 = arith.index_cast %rem3A_148 : i32 to index
        %parallel_loop3A_271 = arith.index_cast %parallel_loop3A_243 : i32 to index
        %parallel_loop3A_272 = arith.constant 32 : index
        %parallel_loop3A_273 = tpu.vector_load %arg7[%parallel_loop3A_270, %parallel_loop3A_271, %parallel_loop3A_272] {strides = array<i32>} : memref<6x128x64xf32, #tpu.memory_space<vmem>>, vector<1x1x16xf32>,
        %parallel_loop3A_274 = vector.shape_cast %parallel_loop3A_273 : vector<1x1x16xf32> to vector<16xf32>
        %parallel_loop3A_275 = vector.shape_cast %parallel_loop3A_269 : vector<16xf32> to vector<1x1x16xf32>
        tpu.vector_store %arg7[%parallel_loop3A_270, %parallel_loop3A_271, %parallel_loop3A_272], %parallel_loop3A_275 {strides = array<i32>} : memref<6x128x64xf32, #tpu.memory_space<vmem>>, vector<1x1x16xf32>,
        %parallel_loop3A_276 = arith.index_cast %parallel_loop3A_245 : i32 to index
        %parallel_loop3A_277 = arith.constant 48 : index
        %parallel_loop3A_278 = tpu.vector_load %arg5[%parallel_loop3A_276, %parallel_loop3A_277] {strides = array<i32>} : memref<100x64xf32, #tpu.memory_space<vmem>>, vector<1x16xf32>,
        %parallel_loop3A_279 = vector.shape_cast %parallel_loop3A_278 : vector<1x16xf32> to vector<16xf32>
        %parallel_loop3A_280 = arith.index_cast %rem3A_148 : i32 to index
        %parallel_loop3A_281 = arith.index_cast %parallel_loop3A_243 : i32 to index
        %parallel_loop3A_282 = arith.constant 48 : index
        %parallel_loop3A_283 = tpu.vector_load %arg7[%parallel_loop3A_280, %parallel_loop3A_281, %parallel_loop3A_282] {strides = array<i32>} : memref<6x128x64xf32, #tpu.memory_space<vmem>>, vector<1x1x16xf32>,
        %parallel_loop3A_284 = vector.shape_cast %parallel_loop3A_283 : vector<1x1x16xf32> to vector<16xf32>
        %parallel_loop3A_285 = vector.shape_cast %parallel_loop3A_279 : vector<16xf32> to vector<1x1x16xf32>
        tpu.vector_store %arg7[%parallel_loop3A_280, %parallel_loop3A_281, %parallel_loop3A_282], %parallel_loop3A_285 {strides = array<i32>} : memref<6x128x64xf32, #tpu.memory_space<vmem>>, vector<1x1x16xf32>,
        %parallel_loop3A_286 = arith.constant 16 : i32
        %parallel_loop3A_287 = arith.muli %parallel_loop3A_233, %parallel_loop3A_286 : i32
        %parallel_loop3A_288 = arith.constant 1 : i32
        %parallel_loop3A_289 = arith.addi %parallel_loop3A_287, %parallel_loop3A_288 : i32
        %parallel_loop3A_290 = vector.extract_strided_slice %parallel_loop3A_239 {offsets = [1], sizes = [1], strides = [1]} : vector<16xi32> to vector<1xi32>
        %parallel_loop3A_291 = vector.extract %parallel_loop3A_290[0] : i32 from vector<1xi32>
        %parallel_loop3A_292 = arith.index_cast %parallel_loop3A_291 : i32 to index
        %parallel_loop3A_293 = arith.constant 0 : index
        %parallel_loop3A_294 = tpu.vector_load %arg5[%parallel_loop3A_292, %parallel_loop3A_293] {strides = array<i32>} : memref<100x64xf32, #tpu.memory_space<vmem>>, vector<1x16xf32>,
        %parallel_loop3A_295 = vector.shape_cast %parallel_loop3A_294 : vector<1x16xf32> to vector<16xf32>
        %parallel_loop3A_296 = arith.index_cast %rem3A_148 : i32 to index
        %parallel_loop3A_297 = arith.index_cast %parallel_loop3A_289 : i32 to index
        %parallel_loop3A_298 = arith.constant 0 : index
        %parallel_loop3A_299 = tpu.vector_load %arg7[%parallel_loop3A_296, %parallel_loop3A_297, %parallel_loop3A_298] {strides = array<i32>} : memref<6x128x64xf32, #tpu.memory_space<vmem>>, vector<1x1x16xf32>,
        %parallel_loop3A_300 = vector.shape_cast %parallel_loop3A_299 : vector<1x1x16xf32> to vector<16xf32>
        %parallel_loop3A_301 = vector.shape_cast %parallel_loop3A_295 : vector<16xf32> to vector<1x1x16xf32>
        tpu.vector_store %arg7[%parallel_loop3A_296, %parallel_loop3A_297, %parallel_loop3A_298], %parallel_loop3A_301 {strides = array<i32>} : memref<6x128x64xf32, #tpu.memory_space<vmem>>, vector<1x1x16xf32>,
        %parallel_loop3A_302 = arith.index_cast %parallel_loop3A_291 : i32 to index
        %parallel_loop3A_303 = arith.constant 16 : index
        %parallel_loop3A_304 = tpu.vector_load %arg5[%parallel_loop3A_302, %parallel_loop3A_303] {strides = array<i32>} : memref<100x64xf32, #tpu.memory_space<vmem>>, vector<1x16xf32>,
        %parallel_loop3A_305 = vector.shape_cast %parallel_loop3A_304 : vector<1x16xf32> to vector<16xf32>
        %parallel_loop3A_306 = arith.index_cast %rem3A_148 : i32 to index
        %parallel_loop3A_307 = arith.index_cast %parallel_loop3A_289 : i32 to index
        %parallel_loop3A_308 = arith.constant 16 : index
        %parallel_loop3A_309 = tpu.vector_load %arg7[%parallel_loop3A_306, %parallel_loop3A_307, %parallel_loop3A_308] {strides = array<i32>} : memref<6x128x64xf32, #tpu.memory_space<vmem>>, vector<1x1x16xf32>,
        %parallel_loop3A_310 = vector.shape_cast %parallel_loop3A_309 : vector<1x1x16xf32> to vector<16xf32>
        %parallel_loop3A_311 = vector.shape_cast %parallel_loop3A_305 : vector<16xf32> to vector<1x1x16xf32>
        tpu.vector_store %arg7[%parallel_loop3A_306, %parallel_loop3A_307, %parallel_loop3A_308], %parallel_loop3A_311 {strides = array<i32>} : memref<6x128x64xf32, #tpu.memory_space<vmem>>, vector<1x1x16xf32>,
        %parallel_loop3A_312 = arith.index_cast %parallel_loop3A_291 : i32 to index
        %parallel_loop3A_313 = arith.constant 32 : index
        %parallel_loop3A_314 = tpu.vector_load %arg5[%parallel_loop3A_312, %parallel_loop3A_313] {strides = array<i32>} : memref<100x64xf32, #tpu.memory_space<vmem>>, vector<1x16xf32>,
        %parallel_loop3A_315 = vector.shape_cast %parallel_loop3A_314 : vector<1x16xf32> to vector<16xf32>
        %parallel_loop3A_316 = arith.index_cast %rem3A_148 : i32 to index
        %parallel_loop3A_317 = arith.index_cast %parallel_loop3A_289 : i32 to index
        %parallel_loop3A_318 = arith.constant 32 : index
        %parallel_loop3A_319 = tpu.vector_load %arg7[%parallel_loop3A_316, %parallel_loop3A_317, %parallel_loop3A_318] {strides = array<i32>} : memref<6x128x64xf32, #tpu.memory_space<vmem>>, vector<1x1x16xf32>,
        %parallel_loop3A_320 = vector.shape_cast %parallel_loop3A_319 : vector<1x1x16xf32> to vector<16xf32>
        %parallel_loop3A_321 = vector.shape_cast %parallel_loop3A_315 : vector<16xf32> to vector<1x1x16xf32>
        tpu.vector_store %arg7[%parallel_loop3A_316, %parallel_loop3A_317, %parallel_loop3A_318], %parallel_loop3A_321 {strides = array<i32>} : memref<6x128x64xf32, #tpu.memory_space<vmem>>, vector<1x1x16xf32>,
        %parallel_loop3A_322 = arith.index_cast %parallel_loop3A_291 : i32 to index
        %parallel_loop3A_323 = arith.constant 48 : index
        %parallel_loop3A_324 = tpu.vector_load %arg5[%parallel_loop3A_322, %parallel_loop3A_323] {strides = array<i32>} : memref<100x64xf32, #tpu.memory_space<vmem>>, vector<1x16xf32>,
        %parallel_loop3A_325 = vector.shape_cast %parallel_loop3A_324 : vector<1x16xf32> to vector<16xf32>
        %parallel_loop3A_326 = arith.index_cast %rem3A_148 : i32 to index
        %parallel_loop3A_327 = arith.index_cast %parallel_loop3A_289 : i32 to index
        %parallel_loop3A_328 = arith.constant 48 : index
        %parallel_loop3A_329 = tpu.vector_load %arg7[%parallel_loop3A_326, %parallel_loop3A_327, %parallel_loop3A_328] {strides = array<i32>} : memref<6x128x64xf32, #tpu.memory_space<vmem>>, vector<1x1x16xf32>,
        %parallel_loop3A_330 = vector.shape_cast %parallel_loop3A_329 : vector<1x1x16xf32> to vector<16xf32>
        %parallel_loop3A_331 = vector.shape_cast %parallel_loop3A_325 : vector<16xf32> to vector<1x1x16xf32>
        tpu.vector_store %arg7[%parallel_loop3A_326, %parallel_loop3A_327, %parallel_loop3A_328], %parallel_loop3A_331 {strides = array<i32>} : memref<6x128x64xf32, #tpu.memory_space<vmem>>, vector<1x1x16xf32>,
        %parallel_loop3A_332 = arith.constant 16 : i32
        %parallel_loop3A_333 = arith.muli %parallel_loop3A_233, %parallel_loop3A_332 : i32
        %parallel_loop3A_334 = arith.constant 2 : i32
        %parallel_loop3A_335 = arith.addi %parallel_loop3A_333, %parallel_loop3A_334 : i32
        %parallel_loop3A_336 = vector.extract_strided_slice %parallel_loop3A_239 {offsets = [2], sizes = [1], strides = [1]} : vector<16xi32> to vector<1xi32>
        %parallel_loop3A_337 = vector.extract %parallel_loop3A_336[0] : i32 from vector<1xi32>
        %parallel_loop3A_338 = arith.index_cast %parallel_loop3A_337 : i32 to index
        %parallel_loop3A_339 = arith.constant 0 : index
        %parallel_loop3A_340 = tpu.vector_load %arg5[%parallel_loop3A_338, %parallel_loop3A_339] {strides = array<i32>} : memref<100x64xf32, #tpu.memory_space<vmem>>, vector<1x16xf32>,
        %parallel_loop3A_341 = vector.shape_cast %parallel_loop3A_340 : vector<1x16xf32> to vector<16xf32>
        %parallel_loop3A_342 = arith.index_cast %rem3A_148 : i32 to index
        %parallel_loop3A_343 = arith.index_cast %parallel_loop3A_335 : i32 to index
        %parallel_loop3A_344 = arith.constant 0 : index
        %parallel_loop3A_345 = tpu.vector_load %arg7[%parallel_loop3A_342, %parallel_loop3A_343, %parallel_loop3A_344] {strides = array<i32>} : memref<6x128x64xf32, #tpu.memory_space<vmem>>, vector<1x1x16xf32>,
        %parallel_loop3A_346 = vector.shape_cast %parallel_loop3A_345 : vector<1x1x16xf32> to vector<16xf32>
        %parallel_loop3A_347 = vector.shape_cast %parallel_loop3A_341 : vector<16xf32> to vector<1x1x16xf32>
        tpu.vector_store %arg7[%parallel_loop3A_342, %parallel_loop3A_343, %parallel_loop3A_344], %parallel_loop3A_347 {strides = array<i32>} : memref<6x128x64xf32, #tpu.memory_space<vmem>>, vector<1x1x16xf32>,
        %parallel_loop3A_348 = arith.index_cast %parallel_loop3A_337 : i32 to index
        %parallel_loop3A_349 = arith.constant 16 : index
        %parallel_loop3A_350 = tpu.vector_load %arg5[%parallel_loop3A_348, %parallel_loop3A_349] {strides = array<i32>} : memref<100x64xf32, #tpu.memory_space<vmem>>, vector<1x16xf32>,
        %parallel_loop3A_351 = vector.shape_cast %parallel_loop3A_350 : vector<1x16xf32> to vector<16xf32>
        %parallel_loop3A_352 = arith.index_cast %rem3A_148 : i32 to index
        %parallel_loop3A_353 = arith.index_cast %parallel_loop3A_335 : i32 to index
        %parallel_loop3A_354 = arith.constant 16 : index
        %parallel_loop3A_355 = tpu.vector_load %arg7[%parallel_loop3A_352, %parallel_loop3A_353, %parallel_loop3A_354] {strides = array<i32>} : memref<6x128x64xf32, #tpu.memory_space<vmem>>, vector<1x1x16xf32>,
        %parallel_loop3A_356 = vector.shape_cast %parallel_loop3A_355 : vector<1x1x16xf32> to vector<16xf32>
        %parallel_loop3A_357 = vector.shape_cast %parallel_loop3A_351 : vector<16xf32> to vector<1x1x16xf32>
        tpu.vector_store %arg7[%parallel_loop3A_352, %parallel_loop3A_353, %parallel_loop3A_354], %parallel_loop3A_357 {strides = array<i32>} : memref<6x128x64xf32, #tpu.memory_space<vmem>>, vector<1x1x16xf32>,
        %parallel_loop3A_358 = arith.index_cast %parallel_loop3A_337 : i32 to index
        %parallel_loop3A_359 = arith.constant 32 : index
        %parallel_loop3A_360 = tpu.vector_load %arg5[%parallel_loop3A_358, %parallel_loop3A_359] {strides = array<i32>} : memref<100x64xf32, #tpu.memory_space<vmem>>, vector<1x16xf32>,
        %parallel_loop3A_361 = vector.shape_cast %parallel_loop3A_360 : vector<1x16xf32> to vector<16xf32>
        %parallel_loop3A_362 = arith.index_cast %rem3A_148 : i32 to index
        %parallel_loop3A_363 = arith.index_cast %parallel_loop3A_335 : i32 to index
        %parallel_loop3A_364 = arith.constant 32 : index
        %parallel_loop3A_365 = tpu.vector_load %arg7[%parallel_loop3A_362, %parallel_loop3A_363, %parallel_loop3A_364] {strides = array<i32>} : memref<6x128x64xf32, #tpu.memory_space<vmem>>, vector<1x1x16xf32>,
        %parallel_loop3A_366 = vector.shape_cast %parallel_loop3A_365 : vector<1x1x16xf32> to vector<16xf32>
        %parallel_loop3A_367 = vector.shape_cast %parallel_loop3A_361 : vector<16xf32> to vector<1x1x16xf32>
        tpu.vector_store %arg7[%parallel_loop3A_362, %parallel_loop3A_363, %parallel_loop3A_364], %parallel_loop3A_367 {strides = array<i32>} : memref<6x128x64xf32, #tpu.memory_space<vmem>>, vector<1x1x16xf32>,
        %parallel_loop3A_368 = arith.index_cast %parallel_loop3A_337 : i32 to index
        %parallel_loop3A_369 = arith.constant 48 : index
        %parallel_loop3A_370 = tpu.vector_load %arg5[%parallel_loop3A_368, %parallel_loop3A_369] {strides = array<i32>} : memref<100x64xf32, #tpu.memory_space<vmem>>, vector<1x16xf32>,
        %parallel_loop3A_371 = vector.shape_cast %parallel_loop3A_370 : vector<1x16xf32> to vector<16xf32>
        %parallel_loop3A_372 = arith.index_cast %rem3A_148 : i32 to index
        %parallel_loop3A_373 = arith.index_cast %parallel_loop3A_335 : i32 to index
        %parallel_loop3A_374 = arith.constant 48 : index
        %parallel_loop3A_375 = tpu.vector_load %arg7[%parallel_loop3A_372, %parallel_loop3A_373, %parallel_loop3A_374] {strides = array<i32>} : memref<6x128x64xf32, #tpu.memory_space<vmem>>, vector<1x1x16xf32>,
        %parallel_loop3A_376 = vector.shape_cast %parallel_loop3A_375 : vector<1x1x16xf32> to vector<16xf32>
        %parallel_loop3A_377 = vector.shape_cast %parallel_loop3A_371 : vector<16xf32> to vector<1x1x16xf32>
        tpu.vector_store %arg7[%parallel_loop3A_372, %parallel_loop3A_373, %parallel_loop3A_374], %parallel_loop3A_377 {strides = array<i32>} : memref<6x128x64xf32, #tpu.memory_space<vmem>>, vector<1x1x16xf32>,
        %parallel_loop3A_378 = arith.constant 16 : i32
        %parallel_loop3A_379 = arith.muli %parallel_loop3A_233, %parallel_loop3A_378 : i32
        %parallel_loop3A_380 = arith.constant 3 : i32
        %parallel_loop3A_381 = arith.addi %parallel_loop3A_379, %parallel_loop3A_380 : i32
        %parallel_loop3A_382 = vector.extract_strided_slice %parallel_loop3A_239 {offsets = [3], sizes = [1], strides = [1]} : vector<16xi32> to vector<1xi32>
        %parallel_loop3A_383 = vector.extract %parallel_loop3A_382[0] : i32 from vector<1xi32>
        %parallel_loop3A_384 = arith.index_cast %parallel_loop3A_383 : i32 to index
        %parallel_loop3A_385 = arith.constant 0 : index
        %parallel_loop3A_386 = tpu.vector_load %arg5[%parallel_loop3A_384, %parallel_loop3A_385] {strides = array<i32>} : memref<100x64xf32, #tpu.memory_space<vmem>>, vector<1x16xf32>,
        %parallel_loop3A_387 = vector.shape_cast %parallel_loop3A_386 : vector<1x16xf32> to vector<16xf32>
        %parallel_loop3A_388 = arith.index_cast %rem3A_148 : i32 to index
        %parallel_loop3A_389 = arith.index_cast %parallel_loop3A_381 : i32 to index
        %parallel_loop3A_390 = arith.constant 0 : index
        %parallel_loop3A_391 = tpu.vector_load %arg7[%parallel_loop3A_388, %parallel_loop3A_389, %parallel_loop3A_390] {strides = array<i32>} : memref<6x128x64xf32, #tpu.memory_space<vmem>>, vector<1x1x16xf32>,
        %parallel_loop3A_392 = vector.shape_cast %parallel_loop3A_391 : vector<1x1x16xf32> to vector<16xf32>
        %parallel_loop3A_393 = vector.shape_cast %parallel_loop3A_387 : vector<16xf32> to vector<1x1x16xf32>
        tpu.vector_store %arg7[%parallel_loop3A_388, %parallel_loop3A_389, %parallel_loop3A_390], %parallel_loop3A_393 {strides = array<i32>} : memref<6x128x64xf32, #tpu.memory_space<vmem>>, vector<1x1x16xf32>,
        %parallel_loop3A_394 = arith.index_cast %parallel_loop3A_383 : i32 to index
        %parallel_loop3A_395 = arith.constant 16 : index
        %parallel_loop3A_396 = tpu.vector_load %arg5[%parallel_loop3A_394, %parallel_loop3A_395] {strides = array<i32>} : memref<100x64xf32, #tpu.memory_space<vmem>>, vector<1x16xf32>,
        %parallel_loop3A_397 = vector.shape_cast %parallel_loop3A_396 : vector<1x16xf32> to vector<16xf32>
        %parallel_loop3A_398 = arith.index_cast %rem3A_148 : i32 to index
        %parallel_loop3A_399 = arith.index_cast %parallel_loop3A_381 : i32 to index
        %parallel_loop3A_400 = arith.constant 16 : index
        %parallel_loop3A_401 = tpu.vector_load %arg7[%parallel_loop3A_398, %parallel_loop3A_399, %parallel_loop3A_400] {strides = array<i32>} : memref<6x128x64xf32, #tpu.memory_space<vmem>>, vector<1x1x16xf32>,
        %parallel_loop3A_402 = vector.shape_cast %parallel_loop3A_401 : vector<1x1x16xf32> to vector<16xf32>
        %parallel_loop3A_403 = vector.shape_cast %parallel_loop3A_397 : vector<16xf32> to vector<1x1x16xf32>
        tpu.vector_store %arg7[%parallel_loop3A_398, %parallel_loop3A_399, %parallel_loop3A_400], %parallel_loop3A_403 {strides = array<i32>} : memref<6x128x64xf32, #tpu.memory_space<vmem>>, vector<1x1x16xf32>,
        %parallel_loop3A_404 = arith.index_cast %parallel_loop3A_383 : i32 to index
        %parallel_loop3A_405 = arith.constant 32 : index
        %parallel_loop3A_406 = tpu.vector_load %arg5[%parallel_loop3A_404, %parallel_loop3A_405] {strides = array<i32>} : memref<100x64xf32, #tpu.memory_space<vmem>>, vector<1x16xf32>,
        %parallel_loop3A_407 = vector.shape_cast %parallel_loop3A_406 : vector<1x16xf32> to vector<16xf32>
        %parallel_loop3A_408 = arith.index_cast %rem3A_148 : i32 to index
        %parallel_loop3A_409 = arith.index_cast %parallel_loop3A_381 : i32 to index
        %parallel_loop3A_410 = arith.constant 32 : index
        %parallel_loop3A_411 = tpu.vector_load %arg7[%parallel_loop3A_408, %parallel_loop3A_409, %parallel_loop3A_410] {strides = array<i32>} : memref<6x128x64xf32, #tpu.memory_space<vmem>>, vector<1x1x16xf32>,
        %parallel_loop3A_412 = vector.shape_cast %parallel_loop3A_411 : vector<1x1x16xf32> to vector<16xf32>
        %parallel_loop3A_413 = vector.shape_cast %parallel_loop3A_407 : vector<16xf32> to vector<1x1x16xf32>
        tpu.vector_store %arg7[%parallel_loop3A_408, %parallel_loop3A_409, %parallel_loop3A_410], %parallel_loop3A_413 {strides = array<i32>} : memref<6x128x64xf32, #tpu.memory_space<vmem>>, vector<1x1x16xf32>,
        %parallel_loop3A_414 = arith.index_cast %parallel_loop3A_383 : i32 to index
        %parallel_loop3A_415 = arith.constant 48 : index
        %parallel_loop3A_416 = tpu.vector_load %arg5[%parallel_loop3A_414, %parallel_loop3A_415] {strides = array<i32>} : memref<100x64xf32, #tpu.memory_space<vmem>>, vector<1x16xf32>,
        %parallel_loop3A_417 = vector.shape_cast %parallel_loop3A_416 : vector<1x16xf32> to vector<16xf32>
        %parallel_loop3A_418 = arith.index_cast %rem3A_148 : i32 to index
        %parallel_loop3A_419 = arith.index_cast %parallel_loop3A_381 : i32 to index
        %parallel_loop3A_420 = arith.constant 48 : index
        %parallel_loop3A_421 = tpu.vector_load %arg7[%parallel_loop3A_418, %parallel_loop3A_419, %parallel_loop3A_420] {strides = array<i32>} : memref<6x128x64xf32, #tpu.memory_space<vmem>>, vector<1x1x16xf32>,
        %parallel_loop3A_422 = vector.shape_cast %parallel_loop3A_421 : vector<1x1x16xf32> to vector<16xf32>
        %parallel_loop3A_423 = vector.shape_cast %parallel_loop3A_417 : vector<16xf32> to vector<1x1x16xf32>
        tpu.vector_store %arg7[%parallel_loop3A_418, %parallel_loop3A_419, %parallel_loop3A_420], %parallel_loop3A_423 {strides = array<i32>} : memref<6x128x64xf32, #tpu.memory_space<vmem>>, vector<1x1x16xf32>,
        %parallel_loop3A_424 = arith.constant 16 : i32
        %parallel_loop3A_425 = arith.muli %parallel_loop3A_233, %parallel_loop3A_424 : i32
        %parallel_loop3A_426 = arith.constant 4 : i32
        %parallel_loop3A_427 = arith.addi %parallel_loop3A_425, %parallel_loop3A_426 : i32
        %parallel_loop3A_428 = vector.extract_strided_slice %parallel_loop3A_239 {offsets = [4], sizes = [1], strides = [1]} : vector<16xi32> to vector<1xi32>
        %parallel_loop3A_429 = vector.extract %parallel_loop3A_428[0] : i32 from vector<1xi32>
        %parallel_loop3A_430 = arith.index_cast %parallel_loop3A_429 : i32 to index
        %parallel_loop3A_431 = arith.constant 0 : index
        %parallel_loop3A_432 = tpu.vector_load %arg5[%parallel_loop3A_430, %parallel_loop3A_431] {strides = array<i32>} : memref<100x64xf32, #tpu.memory_space<vmem>>, vector<1x16xf32>,
        %parallel_loop3A_433 = vector.shape_cast %parallel_loop3A_432 : vector<1x16xf32> to vector<16xf32>
        %parallel_loop3A_434 = arith.index_cast %rem3A_148 : i32 to index
        %parallel_loop3A_435 = arith.index_cast %parallel_loop3A_427 : i32 to index
        %parallel_loop3A_436 = arith.constant 0 : index
        %parallel_loop3A_437 = tpu.vector_load %arg7[%parallel_loop3A_434, %parallel_loop3A_435, %parallel_loop3A_436] {strides = array<i32>} : memref<6x128x64xf32, #tpu.memory_space<vmem>>, vector<1x1x16xf32>,
        %parallel_loop3A_438 = vector.shape_cast %parallel_loop3A_437 : vector<1x1x16xf32> to vector<16xf32>
        %parallel_loop3A_439 = vector.shape_cast %parallel_loop3A_433 : vector<16xf32> to vector<1x1x16xf32>
        tpu.vector_store %arg7[%parallel_loop3A_434, %parallel_loop3A_435, %parallel_loop3A_436], %parallel_loop3A_439 {strides = array<i32>} : memref<6x128x64xf32, #tpu.memory_space<vmem>>, vector<1x1x16xf32>,
        %parallel_loop3A_440 = arith.index_cast %parallel_loop3A_429 : i32 to index
        %parallel_loop3A_441 = arith.constant 16 : index
        %parallel_loop3A_442 = tpu.vector_load %arg5[%parallel_loop3A_440, %parallel_loop3A_441] {strides = array<i32>} : memref<100x64xf32, #tpu.memory_space<vmem>>, vector<1x16xf32>,
        %parallel_loop3A_443 = vector.shape_cast %parallel_loop3A_442 : vector<1x16xf32> to vector<16xf32>
        %parallel_loop3A_444 = arith.index_cast %rem3A_148 : i32 to index
        %parallel_loop3A_445 = arith.index_cast %parallel_loop3A_427 : i32 to index
        %parallel_loop3A_446 = arith.constant 16 : index
        %parallel_loop3A_447 = tpu.vector_load %arg7[%parallel_loop3A_444, %parallel_loop3A_445, %parallel_loop3A_446] {strides = array<i32>} : memref<6x128x64xf32, #tpu.memory_space<vmem>>, vector<1x1x16xf32>,
        %parallel_loop3A_448 = vector.shape_cast %parallel_loop3A_447 : vector<1x1x16xf32> to vector<16xf32>
        %parallel_loop3A_449 = vector.shape_cast %parallel_loop3A_443 : vector<16xf32> to vector<1x1x16xf32>
        tpu.vector_store %arg7[%parallel_loop3A_444, %parallel_loop3A_445, %parallel_loop3A_446], %parallel_loop3A_449 {strides = array<i32>} : memref<6x128x64xf32, #tpu.memory_space<vmem>>, vector<1x1x16xf32>,
        %parallel_loop3A_450 = arith.index_cast %parallel_loop3A_429 : i32 to index
        %parallel_loop3A_451 = arith.constant 32 : index
        %parallel_loop3A_452 = tpu.vector_load %arg5[%parallel_loop3A_450, %parallel_loop3A_451] {strides = array<i32>} : memref<100x64xf32, #tpu.memory_space<vmem>>, vector<1x16xf32>,
        %parallel_loop3A_453 = vector.shape_cast %parallel_loop3A_452 : vector<1x16xf32> to vector<16xf32>
        %parallel_loop3A_454 = arith.index_cast %rem3A_148 : i32 to index
        %parallel_loop3A_455 = arith.index_cast %parallel_loop3A_427 : i32 to index
        %parallel_loop3A_456 = arith.constant 32 : index
        %parallel_loop3A_457 = tpu.vector_load %arg7[%parallel_loop3A_454, %parallel_loop3A_455, %parallel_loop3A_456] {strides = array<i32>} : memref<6x128x64xf32, #tpu.memory_space<vmem>>, vector<1x1x16xf32>,
        %parallel_loop3A_458 = vector.shape_cast %parallel_loop3A_457 : vector<1x1x16xf32> to vector<16xf32>
        %parallel_loop3A_459 = vector.shape_cast %parallel_loop3A_453 : vector<16xf32> to vector<1x1x16xf32>
        tpu.vector_store %arg7[%parallel_loop3A_454, %parallel_loop3A_455, %parallel_loop3A_456], %parallel_loop3A_459 {strides = array<i32>} : memref<6x128x64xf32, #tpu.memory_space<vmem>>, vector<1x1x16xf32>,
        %parallel_loop3A_460 = arith.index_cast %parallel_loop3A_429 : i32 to index
        %parallel_loop3A_461 = arith.constant 48 : index
        %parallel_loop3A_462 = tpu.vector_load %arg5[%parallel_loop3A_460, %parallel_loop3A_461] {strides = array<i32>} : memref<100x64xf32, #tpu.memory_space<vmem>>, vector<1x16xf32>,
        %parallel_loop3A_463 = vector.shape_cast %parallel_loop3A_462 : vector<1x16xf32> to vector<16xf32>
        %parallel_loop3A_464 = arith.index_cast %rem3A_148 : i32 to index
        %parallel_loop3A_465 = arith.index_cast %parallel_loop3A_427 : i32 to index
        %parallel_loop3A_466 = arith.constant 48 : index
        %parallel_loop3A_467 = tpu.vector_load %arg7[%parallel_loop3A_464, %parallel_loop3A_465, %parallel_loop3A_466] {strides = array<i32>} : memref<6x128x64xf32, #tpu.memory_space<vmem>>, vector<1x1x16xf32>,
        %parallel_loop3A_468 = vector.shape_cast %parallel_loop3A_467 : vector<1x1x16xf32> to vector<16xf32>
        %parallel_loop3A_469 = vector.shape_cast %parallel_loop3A_463 : vector<16xf32> to vector<1x1x16xf32>
        tpu.vector_store %arg7[%parallel_loop3A_464, %parallel_loop3A_465, %parallel_loop3A_466], %parallel_loop3A_469 {strides = array<i32>} : memref<6x128x64xf32, #tpu.memory_space<vmem>>, vector<1x1x16xf32>,
        %parallel_loop3A_470 = arith.constant 16 : i32
        %parallel_loop3A_471 = arith.muli %parallel_loop3A_233, %parallel_loop3A_470 : i32
        %parallel_loop3A_472 = arith.constant 5 : i32
        %parallel_loop3A_473 = arith.addi %parallel_loop3A_471, %parallel_loop3A_472 : i32
        %parallel_loop3A_474 = vector.extract_strided_slice %parallel_loop3A_239 {offsets = [5], sizes = [1], strides = [1]} : vector<16xi32> to vector<1xi32>
        %parallel_loop3A_475 = vector.extract %parallel_loop3A_474[0] : i32 from vector<1xi32>
        %parallel_loop3A_476 = arith.index_cast %parallel_loop3A_475 : i32 to index
        %parallel_loop3A_477 = arith.constant 0 : index
        %parallel_loop3A_478 = tpu.vector_load %arg5[%parallel_loop3A_476, %parallel_loop3A_477] {strides = array<i32>} : memref<100x64xf32, #tpu.memory_space<vmem>>, vector<1x16xf32>,
        %parallel_loop3A_479 = vector.shape_cast %parallel_loop3A_478 : vector<1x16xf32> to vector<16xf32>
        %parallel_loop3A_480 = arith.index_cast %rem3A_148 : i32 to index
        %parallel_loop3A_481 = arith.index_cast %parallel_loop3A_473 : i32 to index
        %parallel_loop3A_482 = arith.constant 0 : index
        %parallel_loop3A_483 = tpu.vector_load %arg7[%parallel_loop3A_480, %parallel_loop3A_481, %parallel_loop3A_482] {strides = array<i32>} : memref<6x128x64xf32, #tpu.memory_space<vmem>>, vector<1x1x16xf32>,
        %parallel_loop3A_484 = vector.shape_cast %parallel_loop3A_483 : vector<1x1x16xf32> to vector<16xf32>
        %parallel_loop3A_485 = vector.shape_cast %parallel_loop3A_479 : vector<16xf32> to vector<1x1x16xf32>
        tpu.vector_store %arg7[%parallel_loop3A_480, %parallel_loop3A_481, %parallel_loop3A_482], %parallel_loop3A_485 {strides = array<i32>} : memref<6x128x64xf32, #tpu.memory_space<vmem>>, vector<1x1x16xf32>,
        %parallel_loop3A_486 = arith.index_cast %parallel_loop3A_475 : i32 to index
        %parallel_loop3A_487 = arith.constant 16 : index
        %parallel_loop3A_488 = tpu.vector_load %arg5[%parallel_loop3A_486, %parallel_loop3A_487] {strides = array<i32>} : memref<100x64xf32, #tpu.memory_space<vmem>>, vector<1x16xf32>,
        %parallel_loop3A_489 = vector.shape_cast %parallel_loop3A_488 : vector<1x16xf32> to vector<16xf32>
        %parallel_loop3A_490 = arith.index_cast %rem3A_148 : i32 to index
        %parallel_loop3A_491 = arith.index_cast %parallel_loop3A_473 : i32 to index
        %parallel_loop3A_492 = arith.constant 16 : index
        %parallel_loop3A_493 = tpu.vector_load %arg7[%parallel_loop3A_490, %parallel_loop3A_491, %parallel_loop3A_492] {strides = array<i32>} : memref<6x128x64xf32, #tpu.memory_space<vmem>>, vector<1x1x16xf32>,
        %parallel_loop3A_494 = vector.shape_cast %parallel_loop3A_493 : vector<1x1x16xf32> to vector<16xf32>
        %parallel_loop3A_495 = vector.shape_cast %parallel_loop3A_489 : vector<16xf32> to vector<1x1x16xf32>
        tpu.vector_store %arg7[%parallel_loop3A_490, %parallel_loop3A_491, %parallel_loop3A_492], %parallel_loop3A_495 {strides = array<i32>} : memref<6x128x64xf32, #tpu.memory_space<vmem>>, vector<1x1x16xf32>,
        %parallel_loop3A_496 = arith.index_cast %parallel_loop3A_475 : i32 to index
        %parallel_loop3A_497 = arith.constant 32 : index
        %parallel_loop3A_498 = tpu.vector_load %arg5[%parallel_loop3A_496, %parallel_loop3A_497] {strides = array<i32>} : memref<100x64xf32, #tpu.memory_space<vmem>>, vector<1x16xf32>,
        %parallel_loop3A_499 = vector.shape_cast %parallel_loop3A_498 : vector<1x16xf32> to vector<16xf32>
        %parallel_loop3A_500 = arith.index_cast %rem3A_148 : i32 to index
        %parallel_loop3A_501 = arith.index_cast %parallel_loop3A_473 : i32 to index
        %parallel_loop3A_502 = arith.constant 32 : index
        %parallel_loop3A_503 = tpu.vector_load %arg7[%parallel_loop3A_500, %parallel_loop3A_501, %parallel_loop3A_502] {strides = array<i32>} : memref<6x128x64xf32, #tpu.memory_space<vmem>>, vector<1x1x16xf32>,
        %parallel_loop3A_504 = vector.shape_cast %parallel_loop3A_503 : vector<1x1x16xf32> to vector<16xf32>
        %parallel_loop3A_505 = vector.shape_cast %parallel_loop3A_499 : vector<16xf32> to vector<1x1x16xf32>
        tpu.vector_store %arg7[%parallel_loop3A_500, %parallel_loop3A_501, %parallel_loop3A_502], %parallel_loop3A_505 {strides = array<i32>} : memref<6x128x64xf32, #tpu.memory_space<vmem>>, vector<1x1x16xf32>,
        %parallel_loop3A_506 = arith.index_cast %parallel_loop3A_475 : i32 to index
        %parallel_loop3A_507 = arith.constant 48 : index
        %parallel_loop3A_508 = tpu.vector_load %arg5[%parallel_loop3A_506, %parallel_loop3A_507] {strides = array<i32>} : memref<100x64xf32, #tpu.memory_space<vmem>>, vector<1x16xf32>,
        %parallel_loop3A_509 = vector.shape_cast %parallel_loop3A_508 : vector<1x16xf32> to vector<16xf32>
        %parallel_loop3A_510 = arith.index_cast %rem3A_148 : i32 to index
        %parallel_loop3A_511 = arith.index_cast %parallel_loop3A_473 : i32 to index
        %parallel_loop3A_512 = arith.constant 48 : index
        %parallel_loop3A_513 = tpu.vector_load %arg7[%parallel_loop3A_510, %parallel_loop3A_511, %parallel_loop3A_512] {strides = array<i32>} : memref<6x128x64xf32, #tpu.memory_space<vmem>>, vector<1x1x16xf32>,
        %parallel_loop3A_514 = vector.shape_cast %parallel_loop3A_513 : vector<1x1x16xf32> to vector<16xf32>
        %parallel_loop3A_515 = vector.shape_cast %parallel_loop3A_509 : vector<16xf32> to vector<1x1x16xf32>
        tpu.vector_store %arg7[%parallel_loop3A_510, %parallel_loop3A_511, %parallel_loop3A_512], %parallel_loop3A_515 {strides = array<i32>} : memref<6x128x64xf32, #tpu.memory_space<vmem>>, vector<1x1x16xf32>,
        %parallel_loop3A_516 = arith.constant 16 : i32
        %parallel_loop3A_517 = arith.muli %parallel_loop3A_233, %parallel_loop3A_516 : i32
        %parallel_loop3A_518 = arith.constant 6 : i32
        %parallel_loop3A_519 = arith.addi %parallel_loop3A_517, %parallel_loop3A_518 : i32
        %parallel_loop3A_520 = vector.extract_strided_slice %parallel_loop3A_239 {offsets = [6], sizes = [1], strides = [1]} : vector<16xi32> to vector<1xi32>
        %parallel_loop3A_521 = vector.extract %parallel_loop3A_520[0] : i32 from vector<1xi32>
        %parallel_loop3A_522 = arith.index_cast %parallel_loop3A_521 : i32 to index
        %parallel_loop3A_523 = arith.constant 0 : index
        %parallel_loop3A_524 = tpu.vector_load %arg5[%parallel_loop3A_522, %parallel_loop3A_523] {strides = array<i32>} : memref<100x64xf32, #tpu.memory_space<vmem>>, vector<1x16xf32>,
        %parallel_loop3A_525 = vector.shape_cast %parallel_loop3A_524 : vector<1x16xf32> to vector<16xf32>
        %parallel_loop3A_526 = arith.index_cast %rem3A_148 : i32 to index
        %parallel_loop3A_527 = arith.index_cast %parallel_loop3A_519 : i32 to index
        %parallel_loop3A_528 = arith.constant 0 : index
        %parallel_loop3A_529 = tpu.vector_load %arg7[%parallel_loop3A_526, %parallel_loop3A_527, %parallel_loop3A_528] {strides = array<i32>} : memref<6x128x64xf32, #tpu.memory_space<vmem>>, vector<1x1x16xf32>,
        %parallel_loop3A_530 = vector.shape_cast %parallel_loop3A_529 : vector<1x1x16xf32> to vector<16xf32>
        %parallel_loop3A_531 = vector.shape_cast %parallel_loop3A_525 : vector<16xf32> to vector<1x1x16xf32>
        tpu.vector_store %arg7[%parallel_loop3A_526, %parallel_loop3A_527, %parallel_loop3A_528], %parallel_loop3A_531 {strides = array<i32>} : memref<6x128x64xf32, #tpu.memory_space<vmem>>, vector<1x1x16xf32>,
        %parallel_loop3A_532 = arith.index_cast %parallel_loop3A_521 : i32 to index
        %parallel_loop3A_533 = arith.constant 16 : index
        %parallel_loop3A_534 = tpu.vector_load %arg5[%parallel_loop3A_532, %parallel_loop3A_533] {strides = array<i32>} : memref<100x64xf32, #tpu.memory_space<vmem>>, vector<1x16xf32>,
        %parallel_loop3A_535 = vector.shape_cast %parallel_loop3A_534 : vector<1x16xf32> to vector<16xf32>
        %parallel_loop3A_536 = arith.index_cast %rem3A_148 : i32 to index
        %parallel_loop3A_537 = arith.index_cast %parallel_loop3A_519 : i32 to index
        %parallel_loop3A_538 = arith.constant 16 : index
        %parallel_loop3A_539 = tpu.vector_load %arg7[%parallel_loop3A_536, %parallel_loop3A_537, %parallel_loop3A_538] {strides = array<i32>} : memref<6x128x64xf32, #tpu.memory_space<vmem>>, vector<1x1x16xf32>,
        %parallel_loop3A_540 = vector.shape_cast %parallel_loop3A_539 : vector<1x1x16xf32> to vector<16xf32>
        %parallel_loop3A_541 = vector.shape_cast %parallel_loop3A_535 : vector<16xf32> to vector<1x1x16xf32>
        tpu.vector_store %arg7[%parallel_loop3A_536, %parallel_loop3A_537, %parallel_loop3A_538], %parallel_loop3A_541 {strides = array<i32>} : memref<6x128x64xf32, #tpu.memory_space<vmem>>, vector<1x1x16xf32>,
        %parallel_loop3A_542 = arith.index_cast %parallel_loop3A_521 : i32 to index
        %parallel_loop3A_543 = arith.constant 32 : index
        %parallel_loop3A_544 = tpu.vector_load %arg5[%parallel_loop3A_542, %parallel_loop3A_543] {strides = array<i32>} : memref<100x64xf32, #tpu.memory_space<vmem>>, vector<1x16xf32>,
        %parallel_loop3A_545 = vector.shape_cast %parallel_loop3A_544 : vector<1x16xf32> to vector<16xf32>
        %parallel_loop3A_546 = arith.index_cast %rem3A_148 : i32 to index
        %parallel_loop3A_547 = arith.index_cast %parallel_loop3A_519 : i32 to index
        %parallel_loop3A_548 = arith.constant 32 : index
        %parallel_loop3A_549 = tpu.vector_load %arg7[%parallel_loop3A_546, %parallel_loop3A_547, %parallel_loop3A_548] {strides = array<i32>} : memref<6x128x64xf32, #tpu.memory_space<vmem>>, vector<1x1x16xf32>,
        %parallel_loop3A_550 = vector.shape_cast %parallel_loop3A_549 : vector<1x1x16xf32> to vector<16xf32>
        %parallel_loop3A_551 = vector.shape_cast %parallel_loop3A_545 : vector<16xf32> to vector<1x1x16xf32>
        tpu.vector_store %arg7[%parallel_loop3A_546, %parallel_loop3A_547, %parallel_loop3A_548], %parallel_loop3A_551 {strides = array<i32>} : memref<6x128x64xf32, #tpu.memory_space<vmem>>, vector<1x1x16xf32>,
        %parallel_loop3A_552 = arith.index_cast %parallel_loop3A_521 : i32 to index
        %parallel_loop3A_553 = arith.constant 48 : index
        %parallel_loop3A_554 = tpu.vector_load %arg5[%parallel_loop3A_552, %parallel_loop3A_553] {strides = array<i32>} : memref<100x64xf32, #tpu.memory_space<vmem>>, vector<1x16xf32>,
        %parallel_loop3A_555 = vector.shape_cast %parallel_loop3A_554 : vector<1x16xf32> to vector<16xf32>
        %parallel_loop3A_556 = arith.index_cast %rem3A_148 : i32 to index
        %parallel_loop3A_557 = arith.index_cast %parallel_loop3A_519 : i32 to index
        %parallel_loop3A_558 = arith.constant 48 : index
        %parallel_loop3A_559 = tpu.vector_load %arg7[%parallel_loop3A_556, %parallel_loop3A_557, %parallel_loop3A_558] {strides = array<i32>} : memref<6x128x64xf32, #tpu.memory_space<vmem>>, vector<1x1x16xf32>,
        %parallel_loop3A_560 = vector.shape_cast %parallel_loop3A_559 : vector<1x1x16xf32> to vector<16xf32>
        %parallel_loop3A_561 = vector.shape_cast %parallel_loop3A_555 : vector<16xf32> to vector<1x1x16xf32>
        tpu.vector_store %arg7[%parallel_loop3A_556, %parallel_loop3A_557, %parallel_loop3A_558], %parallel_loop3A_561 {strides = array<i32>} : memref<6x128x64xf32, #tpu.memory_space<vmem>>, vector<1x1x16xf32>,
        %parallel_loop3A_562 = arith.constant 16 : i32
        %parallel_loop3A_563 = arith.muli %parallel_loop3A_233, %parallel_loop3A_562 : i32
        %parallel_loop3A_564 = arith.constant 7 : i32
        %parallel_loop3A_565 = arith.addi %parallel_loop3A_563, %parallel_loop3A_564 : i32
        %parallel_loop3A_566 = vector.extract_strided_slice %parallel_loop3A_239 {offsets = [7], sizes = [1], strides = [1]} : vector<16xi32> to vector<1xi32>
        %parallel_loop3A_567 = vector.extract %parallel_loop3A_566[0] : i32 from vector<1xi32>
        %parallel_loop3A_568 = arith.index_cast %parallel_loop3A_567 : i32 to index
        %parallel_loop3A_569 = arith.constant 0 : index
        %parallel_loop3A_570 = tpu.vector_load %arg5[%parallel_loop3A_568, %parallel_loop3A_569] {strides = array<i32>} : memref<100x64xf32, #tpu.memory_space<vmem>>, vector<1x16xf32>,
        %parallel_loop3A_571 = vector.shape_cast %parallel_loop3A_570 : vector<1x16xf32> to vector<16xf32>
        %parallel_loop3A_572 = arith.index_cast %rem3A_148 : i32 to index
        %parallel_loop3A_573 = arith.index_cast %parallel_loop3A_565 : i32 to index
        %parallel_loop3A_574 = arith.constant 0 : index
        %parallel_loop3A_575 = tpu.vector_load %arg7[%parallel_loop3A_572, %parallel_loop3A_573, %parallel_loop3A_574] {strides = array<i32>} : memref<6x128x64xf32, #tpu.memory_space<vmem>>, vector<1x1x16xf32>,
        %parallel_loop3A_576 = vector.shape_cast %parallel_loop3A_575 : vector<1x1x16xf32> to vector<16xf32>
        %parallel_loop3A_577 = vector.shape_cast %parallel_loop3A_571 : vector<16xf32> to vector<1x1x16xf32>
        tpu.vector_store %arg7[%parallel_loop3A_572, %parallel_loop3A_573, %parallel_loop3A_574], %parallel_loop3A_577 {strides = array<i32>} : memref<6x128x64xf32, #tpu.memory_space<vmem>>, vector<1x1x16xf32>,
        %parallel_loop3A_578 = arith.index_cast %parallel_loop3A_567 : i32 to index
        %parallel_loop3A_579 = arith.constant 16 : index
        %parallel_loop3A_580 = tpu.vector_load %arg5[%parallel_loop3A_578, %parallel_loop3A_579] {strides = array<i32>} : memref<100x64xf32, #tpu.memory_space<vmem>>, vector<1x16xf32>,
        %parallel_loop3A_581 = vector.shape_cast %parallel_loop3A_580 : vector<1x16xf32> to vector<16xf32>
        %parallel_loop3A_582 = arith.index_cast %rem3A_148 : i32 to index
        %parallel_loop3A_583 = arith.index_cast %parallel_loop3A_565 : i32 to index
        %parallel_loop3A_584 = arith.constant 16 : index
        %parallel_loop3A_585 = tpu.vector_load %arg7[%parallel_loop3A_582, %parallel_loop3A_583, %parallel_loop3A_584] {strides = array<i32>} : memref<6x128x64xf32, #tpu.memory_space<vmem>>, vector<1x1x16xf32>,
        %parallel_loop3A_586 = vector.shape_cast %parallel_loop3A_585 : vector<1x1x16xf32> to vector<16xf32>
        %parallel_loop3A_587 = vector.shape_cast %parallel_loop3A_581 : vector<16xf32> to vector<1x1x16xf32>
        tpu.vector_store %arg7[%parallel_loop3A_582, %parallel_loop3A_583, %parallel_loop3A_584], %parallel_loop3A_587 {strides = array<i32>} : memref<6x128x64xf32, #tpu.memory_space<vmem>>, vector<1x1x16xf32>,
        %parallel_loop3A_588 = arith.index_cast %parallel_loop3A_567 : i32 to index
        %parallel_loop3A_589 = arith.constant 32 : index
        %parallel_loop3A_590 = tpu.vector_load %arg5[%parallel_loop3A_588, %parallel_loop3A_589] {strides = array<i32>} : memref<100x64xf32, #tpu.memory_space<vmem>>, vector<1x16xf32>,
        %parallel_loop3A_591 = vector.shape_cast %parallel_loop3A_590 : vector<1x16xf32> to vector<16xf32>
        %parallel_loop3A_592 = arith.index_cast %rem3A_148 : i32 to index
        %parallel_loop3A_593 = arith.index_cast %parallel_loop3A_565 : i32 to index
        %parallel_loop3A_594 = arith.constant 32 : index
        %parallel_loop3A_595 = tpu.vector_load %arg7[%parallel_loop3A_592, %parallel_loop3A_593, %parallel_loop3A_594] {strides = array<i32>} : memref<6x128x64xf32, #tpu.memory_space<vmem>>, vector<1x1x16xf32>,
        %parallel_loop3A_596 = vector.shape_cast %parallel_loop3A_595 : vector<1x1x16xf32> to vector<16xf32>
        %parallel_loop3A_597 = vector.shape_cast %parallel_loop3A_591 : vector<16xf32> to vector<1x1x16xf32>
        tpu.vector_store %arg7[%parallel_loop3A_592, %parallel_loop3A_593, %parallel_loop3A_594], %parallel_loop3A_597 {strides = array<i32>} : memref<6x128x64xf32, #tpu.memory_space<vmem>>, vector<1x1x16xf32>,
        %parallel_loop3A_598 = arith.index_cast %parallel_loop3A_567 : i32 to index
        %parallel_loop3A_599 = arith.constant 48 : index
        %parallel_loop3A_600 = tpu.vector_load %arg5[%parallel_loop3A_598, %parallel_loop3A_599] {strides = array<i32>} : memref<100x64xf32, #tpu.memory_space<vmem>>, vector<1x16xf32>,
        %parallel_loop3A_601 = vector.shape_cast %parallel_loop3A_600 : vector<1x16xf32> to vector<16xf32>
        %parallel_loop3A_602 = arith.index_cast %rem3A_148 : i32 to index
        %parallel_loop3A_603 = arith.index_cast %parallel_loop3A_565 : i32 to index
        %parallel_loop3A_604 = arith.constant 48 : index
        %parallel_loop3A_605 = tpu.vector_load %arg7[%parallel_loop3A_602, %parallel_loop3A_603, %parallel_loop3A_604] {strides = array<i32>} : memref<6x128x64xf32, #tpu.memory_space<vmem>>, vector<1x1x16xf32>,
        %parallel_loop3A_606 = vector.shape_cast %parallel_loop3A_605 : vector<1x1x16xf32> to vector<16xf32>
        %parallel_loop3A_607 = vector.shape_cast %parallel_loop3A_601 : vector<16xf32> to vector<1x1x16xf32>
        tpu.vector_store %arg7[%parallel_loop3A_602, %parallel_loop3A_603, %parallel_loop3A_604], %parallel_loop3A_607 {strides = array<i32>} : memref<6x128x64xf32, #tpu.memory_space<vmem>>, vector<1x1x16xf32>,
        %parallel_loop3A_608 = arith.constant 16 : i32
        %parallel_loop3A_609 = arith.muli %parallel_loop3A_233, %parallel_loop3A_608 : i32
        %parallel_loop3A_610 = arith.constant 8 : i32
        %parallel_loop3A_611 = arith.addi %parallel_loop3A_609, %parallel_loop3A_610 : i32
        %parallel_loop3A_612 = vector.extract_strided_slice %parallel_loop3A_239 {offsets = [8], sizes = [1], strides = [1]} : vector<16xi32> to vector<1xi32>
        %parallel_loop3A_613 = vector.extract %parallel_loop3A_612[0] : i32 from vector<1xi32>
        %parallel_loop3A_614 = arith.index_cast %parallel_loop3A_613 : i32 to index
        %parallel_loop3A_615 = arith.constant 0 : index
        %parallel_loop3A_616 = tpu.vector_load %arg5[%parallel_loop3A_614, %parallel_loop3A_615] {strides = array<i32>} : memref<100x64xf32, #tpu.memory_space<vmem>>, vector<1x16xf32>,
        %parallel_loop3A_617 = vector.shape_cast %parallel_loop3A_616 : vector<1x16xf32> to vector<16xf32>
        %parallel_loop3A_618 = arith.index_cast %rem3A_148 : i32 to index
        %parallel_loop3A_619 = arith.index_cast %parallel_loop3A_611 : i32 to index
        %parallel_loop3A_620 = arith.constant 0 : index
        %parallel_loop3A_621 = tpu.vector_load %arg7[%parallel_loop3A_618, %parallel_loop3A_619, %parallel_loop3A_620] {strides = array<i32>} : memref<6x128x64xf32, #tpu.memory_space<vmem>>, vector<1x1x16xf32>,
        %parallel_loop3A_622 = vector.shape_cast %parallel_loop3A_621 : vector<1x1x16xf32> to vector<16xf32>
        %parallel_loop3A_623 = vector.shape_cast %parallel_loop3A_617 : vector<16xf32> to vector<1x1x16xf32>
        tpu.vector_store %arg7[%parallel_loop3A_618, %parallel_loop3A_619, %parallel_loop3A_620], %parallel_loop3A_623 {strides = array<i32>} : memref<6x128x64xf32, #tpu.memory_space<vmem>>, vector<1x1x16xf32>,
        %parallel_loop3A_624 = arith.index_cast %parallel_loop3A_613 : i32 to index
        %parallel_loop3A_625 = arith.constant 16 : index
        %parallel_loop3A_626 = tpu.vector_load %arg5[%parallel_loop3A_624, %parallel_loop3A_625] {strides = array<i32>} : memref<100x64xf32, #tpu.memory_space<vmem>>, vector<1x16xf32>,
        %parallel_loop3A_627 = vector.shape_cast %parallel_loop3A_626 : vector<1x16xf32> to vector<16xf32>
        %parallel_loop3A_628 = arith.index_cast %rem3A_148 : i32 to index
        %parallel_loop3A_629 = arith.index_cast %parallel_loop3A_611 : i32 to index
        %parallel_loop3A_630 = arith.constant 16 : index
        %parallel_loop3A_631 = tpu.vector_load %arg7[%parallel_loop3A_628, %parallel_loop3A_629, %parallel_loop3A_630] {strides = array<i32>} : memref<6x128x64xf32, #tpu.memory_space<vmem>>, vector<1x1x16xf32>,
        %parallel_loop3A_632 = vector.shape_cast %parallel_loop3A_631 : vector<1x1x16xf32> to vector<16xf32>
        %parallel_loop3A_633 = vector.shape_cast %parallel_loop3A_627 : vector<16xf32> to vector<1x1x16xf32>
        tpu.vector_store %arg7[%parallel_loop3A_628, %parallel_loop3A_629, %parallel_loop3A_630], %parallel_loop3A_633 {strides = array<i32>} : memref<6x128x64xf32, #tpu.memory_space<vmem>>, vector<1x1x16xf32>,
        %parallel_loop3A_634 = arith.index_cast %parallel_loop3A_613 : i32 to index
        %parallel_loop3A_635 = arith.constant 32 : index
        %parallel_loop3A_636 = tpu.vector_load %arg5[%parallel_loop3A_634, %parallel_loop3A_635] {strides = array<i32>} : memref<100x64xf32, #tpu.memory_space<vmem>>, vector<1x16xf32>,
        %parallel_loop3A_637 = vector.shape_cast %parallel_loop3A_636 : vector<1x16xf32> to vector<16xf32>
        %parallel_loop3A_638 = arith.index_cast %rem3A_148 : i32 to index
        %parallel_loop3A_639 = arith.index_cast %parallel_loop3A_611 : i32 to index
        %parallel_loop3A_640 = arith.constant 32 : index
        %parallel_loop3A_641 = tpu.vector_load %arg7[%parallel_loop3A_638, %parallel_loop3A_639, %parallel_loop3A_640] {strides = array<i32>} : memref<6x128x64xf32, #tpu.memory_space<vmem>>, vector<1x1x16xf32>,
        %parallel_loop3A_642 = vector.shape_cast %parallel_loop3A_641 : vector<1x1x16xf32> to vector<16xf32>
        %parallel_loop3A_643 = vector.shape_cast %parallel_loop3A_637 : vector<16xf32> to vector<1x1x16xf32>
        tpu.vector_store %arg7[%parallel_loop3A_638, %parallel_loop3A_639, %parallel_loop3A_640], %parallel_loop3A_643 {strides = array<i32>} : memref<6x128x64xf32, #tpu.memory_space<vmem>>, vector<1x1x16xf32>,
        %parallel_loop3A_644 = arith.index_cast %parallel_loop3A_613 : i32 to index
        %parallel_loop3A_645 = arith.constant 48 : index
        %parallel_loop3A_646 = tpu.vector_load %arg5[%parallel_loop3A_644, %parallel_loop3A_645] {strides = array<i32>} : memref<100x64xf32, #tpu.memory_space<vmem>>, vector<1x16xf32>,
        %parallel_loop3A_647 = vector.shape_cast %parallel_loop3A_646 : vector<1x16xf32> to vector<16xf32>
        %parallel_loop3A_648 = arith.index_cast %rem3A_148 : i32 to index
        %parallel_loop3A_649 = arith.index_cast %parallel_loop3A_611 : i32 to index
        %parallel_loop3A_650 = arith.constant 48 : index
        %parallel_loop3A_651 = tpu.vector_load %arg7[%parallel_loop3A_648, %parallel_loop3A_649, %parallel_loop3A_650] {strides = array<i32>} : memref<6x128x64xf32, #tpu.memory_space<vmem>>, vector<1x1x16xf32>,
        %parallel_loop3A_652 = vector.shape_cast %parallel_loop3A_651 : vector<1x1x16xf32> to vector<16xf32>
        %parallel_loop3A_653 = vector.shape_cast %parallel_loop3A_647 : vector<16xf32> to vector<1x1x16xf32>
        tpu.vector_store %arg7[%parallel_loop3A_648, %parallel_loop3A_649, %parallel_loop3A_650], %parallel_loop3A_653 {strides = array<i32>} : memref<6x128x64xf32, #tpu.memory_space<vmem>>, vector<1x1x16xf32>,
        %parallel_loop3A_654 = arith.constant 16 : i32
        %parallel_loop3A_655 = arith.muli %parallel_loop3A_233, %parallel_loop3A_654 : i32
        %parallel_loop3A_656 = arith.constant 9 : i32
        %parallel_loop3A_657 = arith.addi %parallel_loop3A_655, %parallel_loop3A_656 : i32
        %parallel_loop3A_658 = vector.extract_strided_slice %parallel_loop3A_239 {offsets = [9], sizes = [1], strides = [1]} : vector<16xi32> to vector<1xi32>
        %parallel_loop3A_659 = vector.extract %parallel_loop3A_658[0] : i32 from vector<1xi32>
        %parallel_loop3A_660 = arith.index_cast %parallel_loop3A_659 : i32 to index
        %parallel_loop3A_661 = arith.constant 0 : index
        %parallel_loop3A_662 = tpu.vector_load %arg5[%parallel_loop3A_660, %parallel_loop3A_661] {strides = array<i32>} : memref<100x64xf32, #tpu.memory_space<vmem>>, vector<1x16xf32>,
        %parallel_loop3A_663 = vector.shape_cast %parallel_loop3A_662 : vector<1x16xf32> to vector<16xf32>
        %parallel_loop3A_664 = arith.index_cast %rem3A_148 : i32 to index
        %parallel_loop3A_665 = arith.index_cast %parallel_loop3A_657 : i32 to index
        %parallel_loop3A_666 = arith.constant 0 : index
        %parallel_loop3A_667 = tpu.vector_load %arg7[%parallel_loop3A_664, %parallel_loop3A_665, %parallel_loop3A_666] {strides = array<i32>} : memref<6x128x64xf32, #tpu.memory_space<vmem>>, vector<1x1x16xf32>,
        %parallel_loop3A_668 = vector.shape_cast %parallel_loop3A_667 : vector<1x1x16xf32> to vector<16xf32>
        %parallel_loop3A_669 = vector.shape_cast %parallel_loop3A_663 : vector<16xf32> to vector<1x1x16xf32>
        tpu.vector_store %arg7[%parallel_loop3A_664, %parallel_loop3A_665, %parallel_loop3A_666], %parallel_loop3A_669 {strides = array<i32>} : memref<6x128x64xf32, #tpu.memory_space<vmem>>, vector<1x1x16xf32>,
        %parallel_loop3A_670 = arith.index_cast %parallel_loop3A_659 : i32 to index
        %parallel_loop3A_671 = arith.constant 16 : index
        %parallel_loop3A_672 = tpu.vector_load %arg5[%parallel_loop3A_670, %parallel_loop3A_671] {strides = array<i32>} : memref<100x64xf32, #tpu.memory_space<vmem>>, vector<1x16xf32>,
        %parallel_loop3A_673 = vector.shape_cast %parallel_loop3A_672 : vector<1x16xf32> to vector<16xf32>
        %parallel_loop3A_674 = arith.index_cast %rem3A_148 : i32 to index
        %parallel_loop3A_675 = arith.index_cast %parallel_loop3A_657 : i32 to index
        %parallel_loop3A_676 = arith.constant 16 : index
        %parallel_loop3A_677 = tpu.vector_load %arg7[%parallel_loop3A_674, %parallel_loop3A_675, %parallel_loop3A_676] {strides = array<i32>} : memref<6x128x64xf32, #tpu.memory_space<vmem>>, vector<1x1x16xf32>,
        %parallel_loop3A_678 = vector.shape_cast %parallel_loop3A_677 : vector<1x1x16xf32> to vector<16xf32>
        %parallel_loop3A_679 = vector.shape_cast %parallel_loop3A_673 : vector<16xf32> to vector<1x1x16xf32>
        tpu.vector_store %arg7[%parallel_loop3A_674, %parallel_loop3A_675, %parallel_loop3A_676], %parallel_loop3A_679 {strides = array<i32>} : memref<6x128x64xf32, #tpu.memory_space<vmem>>, vector<1x1x16xf32>,
        %parallel_loop3A_680 = arith.index_cast %parallel_loop3A_659 : i32 to index
        %parallel_loop3A_681 = arith.constant 32 : index
        %parallel_loop3A_682 = tpu.vector_load %arg5[%parallel_loop3A_680, %parallel_loop3A_681] {strides = array<i32>} : memref<100x64xf32, #tpu.memory_space<vmem>>, vector<1x16xf32>,
        %parallel_loop3A_683 = vector.shape_cast %parallel_loop3A_682 : vector<1x16xf32> to vector<16xf32>
        %parallel_loop3A_684 = arith.index_cast %rem3A_148 : i32 to index
        %parallel_loop3A_685 = arith.index_cast %parallel_loop3A_657 : i32 to index
        %parallel_loop3A_686 = arith.constant 32 : index
        %parallel_loop3A_687 = tpu.vector_load %arg7[%parallel_loop3A_684, %parallel_loop3A_685, %parallel_loop3A_686] {strides = array<i32>} : memref<6x128x64xf32, #tpu.memory_space<vmem>>, vector<1x1x16xf32>,
        %parallel_loop3A_688 = vector.shape_cast %parallel_loop3A_687 : vector<1x1x16xf32> to vector<16xf32>
        %parallel_loop3A_689 = vector.shape_cast %parallel_loop3A_683 : vector<16xf32> to vector<1x1x16xf32>
        tpu.vector_store %arg7[%parallel_loop3A_684, %parallel_loop3A_685, %parallel_loop3A_686], %parallel_loop3A_689 {strides = array<i32>} : memref<6x128x64xf32, #tpu.memory_space<vmem>>, vector<1x1x16xf32>,
        %parallel_loop3A_690 = arith.index_cast %parallel_loop3A_659 : i32 to index
        %parallel_loop3A_691 = arith.constant 48 : index
        %parallel_loop3A_692 = tpu.vector_load %arg5[%parallel_loop3A_690, %parallel_loop3A_691] {strides = array<i32>} : memref<100x64xf32, #tpu.memory_space<vmem>>, vector<1x16xf32>,
        %parallel_loop3A_693 = vector.shape_cast %parallel_loop3A_692 : vector<1x16xf32> to vector<16xf32>
        %parallel_loop3A_694 = arith.index_cast %rem3A_148 : i32 to index
        %parallel_loop3A_695 = arith.index_cast %parallel_loop3A_657 : i32 to index
        %parallel_loop3A_696 = arith.constant 48 : index
        %parallel_loop3A_697 = tpu.vector_load %arg7[%parallel_loop3A_694, %parallel_loop3A_695, %parallel_loop3A_696] {strides = array<i32>} : memref<6x128x64xf32, #tpu.memory_space<vmem>>, vector<1x1x16xf32>,
        %parallel_loop3A_698 = vector.shape_cast %parallel_loop3A_697 : vector<1x1x16xf32> to vector<16xf32>
        %parallel_loop3A_699 = vector.shape_cast %parallel_loop3A_693 : vector<16xf32> to vector<1x1x16xf32>
        tpu.vector_store %arg7[%parallel_loop3A_694, %parallel_loop3A_695, %parallel_loop3A_696], %parallel_loop3A_699 {strides = array<i32>} : memref<6x128x64xf32, #tpu.memory_space<vmem>>, vector<1x1x16xf32>,
        %parallel_loop3A_700 = arith.constant 16 : i32
        %parallel_loop3A_701 = arith.muli %parallel_loop3A_233, %parallel_loop3A_700 : i32
        %parallel_loop3A_702 = arith.constant 10 : i32
        %parallel_loop3A_703 = arith.addi %parallel_loop3A_701, %parallel_loop3A_702 : i32
        %parallel_loop3A_704 = vector.extract_strided_slice %parallel_loop3A_239 {offsets = [10], sizes = [1], strides = [1]} : vector<16xi32> to vector<1xi32>
        %parallel_loop3A_705 = vector.extract %parallel_loop3A_704[0] : i32 from vector<1xi32>
        %parallel_loop3A_706 = arith.index_cast %parallel_loop3A_705 : i32 to index
        %parallel_loop3A_707 = arith.constant 0 : index
        %parallel_loop3A_708 = tpu.vector_load %arg5[%parallel_loop3A_706, %parallel_loop3A_707] {strides = array<i32>} : memref<100x64xf32, #tpu.memory_space<vmem>>, vector<1x16xf32>,
        %parallel_loop3A_709 = vector.shape_cast %parallel_loop3A_708 : vector<1x16xf32> to vector<16xf32>
        %parallel_loop3A_710 = arith.index_cast %rem3A_148 : i32 to index
        %parallel_loop3A_711 = arith.index_cast %parallel_loop3A_703 : i32 to index
        %parallel_loop3A_712 = arith.constant 0 : index
        %parallel_loop3A_713 = tpu.vector_load %arg7[%parallel_loop3A_710, %parallel_loop3A_711, %parallel_loop3A_712] {strides = array<i32>} : memref<6x128x64xf32, #tpu.memory_space<vmem>>, vector<1x1x16xf32>,
        %parallel_loop3A_714 = vector.shape_cast %parallel_loop3A_713 : vector<1x1x16xf32> to vector<16xf32>
        %parallel_loop3A_715 = vector.shape_cast %parallel_loop3A_709 : vector<16xf32> to vector<1x1x16xf32>
        tpu.vector_store %arg7[%parallel_loop3A_710, %parallel_loop3A_711, %parallel_loop3A_712], %parallel_loop3A_715 {strides = array<i32>} : memref<6x128x64xf32, #tpu.memory_space<vmem>>, vector<1x1x16xf32>,
        %parallel_loop3A_716 = arith.index_cast %parallel_loop3A_705 : i32 to index
        %parallel_loop3A_717 = arith.constant 16 : index
        %parallel_loop3A_718 = tpu.vector_load %arg5[%parallel_loop3A_716, %parallel_loop3A_717] {strides = array<i32>} : memref<100x64xf32, #tpu.memory_space<vmem>>, vector<1x16xf32>,
        %parallel_loop3A_719 = vector.shape_cast %parallel_loop3A_718 : vector<1x16xf32> to vector<16xf32>
        %parallel_loop3A_720 = arith.index_cast %rem3A_148 : i32 to index
        %parallel_loop3A_721 = arith.index_cast %parallel_loop3A_703 : i32 to index
        %parallel_loop3A_722 = arith.constant 16 : index
        %parallel_loop3A_723 = tpu.vector_load %arg7[%parallel_loop3A_720, %parallel_loop3A_721, %parallel_loop3A_722] {strides = array<i32>} : memref<6x128x64xf32, #tpu.memory_space<vmem>>, vector<1x1x16xf32>,
        %parallel_loop3A_724 = vector.shape_cast %parallel_loop3A_723 : vector<1x1x16xf32> to vector<16xf32>
        %parallel_loop3A_725 = vector.shape_cast %parallel_loop3A_719 : vector<16xf32> to vector<1x1x16xf32>
        tpu.vector_store %arg7[%parallel_loop3A_720, %parallel_loop3A_721, %parallel_loop3A_722], %parallel_loop3A_725 {strides = array<i32>} : memref<6x128x64xf32, #tpu.memory_space<vmem>>, vector<1x1x16xf32>,
        %parallel_loop3A_726 = arith.index_cast %parallel_loop3A_705 : i32 to index
        %parallel_loop3A_727 = arith.constant 32 : index
        %parallel_loop3A_728 = tpu.vector_load %arg5[%parallel_loop3A_726, %parallel_loop3A_727] {strides = array<i32>} : memref<100x64xf32, #tpu.memory_space<vmem>>, vector<1x16xf32>,
        %parallel_loop3A_729 = vector.shape_cast %parallel_loop3A_728 : vector<1x16xf32> to vector<16xf32>
        %parallel_loop3A_730 = arith.index_cast %rem3A_148 : i32 to index
        %parallel_loop3A_731 = arith.index_cast %parallel_loop3A_703 : i32 to index
        %parallel_loop3A_732 = arith.constant 32 : index
        %parallel_loop3A_733 = tpu.vector_load %arg7[%parallel_loop3A_730, %parallel_loop3A_731, %parallel_loop3A_732] {strides = array<i32>} : memref<6x128x64xf32, #tpu.memory_space<vmem>>, vector<1x1x16xf32>,
        %parallel_loop3A_734 = vector.shape_cast %parallel_loop3A_733 : vector<1x1x16xf32> to vector<16xf32>
        %parallel_loop3A_735 = vector.shape_cast %parallel_loop3A_729 : vector<16xf32> to vector<1x1x16xf32>
        tpu.vector_store %arg7[%parallel_loop3A_730, %parallel_loop3A_731, %parallel_loop3A_732], %parallel_loop3A_735 {strides = array<i32>} : memref<6x128x64xf32, #tpu.memory_space<vmem>>, vector<1x1x16xf32>,
        %parallel_loop3A_736 = arith.index_cast %parallel_loop3A_705 : i32 to index
        %parallel_loop3A_737 = arith.constant 48 : index
        %parallel_loop3A_738 = tpu.vector_load %arg5[%parallel_loop3A_736, %parallel_loop3A_737] {strides = array<i32>} : memref<100x64xf32, #tpu.memory_space<vmem>>, vector<1x16xf32>,
        %parallel_loop3A_739 = vector.shape_cast %parallel_loop3A_738 : vector<1x16xf32> to vector<16xf32>
        %parallel_loop3A_740 = arith.index_cast %rem3A_148 : i32 to index
        %parallel_loop3A_741 = arith.index_cast %parallel_loop3A_703 : i32 to index
        %parallel_loop3A_742 = arith.constant 48 : index
        %parallel_loop3A_743 = tpu.vector_load %arg7[%parallel_loop3A_740, %parallel_loop3A_741, %parallel_loop3A_742] {strides = array<i32>} : memref<6x128x64xf32, #tpu.memory_space<vmem>>, vector<1x1x16xf32>,
        %parallel_loop3A_744 = vector.shape_cast %parallel_loop3A_743 : vector<1x1x16xf32> to vector<16xf32>
        %parallel_loop3A_745 = vector.shape_cast %parallel_loop3A_739 : vector<16xf32> to vector<1x1x16xf32>
        tpu.vector_store %arg7[%parallel_loop3A_740, %parallel_loop3A_741, %parallel_loop3A_742], %parallel_loop3A_745 {strides = array<i32>} : memref<6x128x64xf32, #tpu.memory_space<vmem>>, vector<1x1x16xf32>,
        %parallel_loop3A_746 = arith.constant 16 : i32
        %parallel_loop3A_747 = arith.muli %parallel_loop3A_233, %parallel_loop3A_746 : i32
        %parallel_loop3A_748 = arith.constant 11 : i32
        %parallel_loop3A_749 = arith.addi %parallel_loop3A_747, %parallel_loop3A_748 : i32
        %parallel_loop3A_750 = vector.extract_strided_slice %parallel_loop3A_239 {offsets = [11], sizes = [1], strides = [1]} : vector<16xi32> to vector<1xi32>
        %parallel_loop3A_751 = vector.extract %parallel_loop3A_750[0] : i32 from vector<1xi32>
        %parallel_loop3A_752 = arith.index_cast %parallel_loop3A_751 : i32 to index
        %parallel_loop3A_753 = arith.constant 0 : index
        %parallel_loop3A_754 = tpu.vector_load %arg5[%parallel_loop3A_752, %parallel_loop3A_753] {strides = array<i32>} : memref<100x64xf32, #tpu.memory_space<vmem>>, vector<1x16xf32>,
        %parallel_loop3A_755 = vector.shape_cast %parallel_loop3A_754 : vector<1x16xf32> to vector<16xf32>
        %parallel_loop3A_756 = arith.index_cast %rem3A_148 : i32 to index
        %parallel_loop3A_757 = arith.index_cast %parallel_loop3A_749 : i32 to index
        %parallel_loop3A_758 = arith.constant 0 : index
        %parallel_loop3A_759 = tpu.vector_load %arg7[%parallel_loop3A_756, %parallel_loop3A_757, %parallel_loop3A_758] {strides = array<i32>} : memref<6x128x64xf32, #tpu.memory_space<vmem>>, vector<1x1x16xf32>,
        %parallel_loop3A_760 = vector.shape_cast %parallel_loop3A_759 : vector<1x1x16xf32> to vector<16xf32>
        %parallel_loop3A_761 = vector.shape_cast %parallel_loop3A_755 : vector<16xf32> to vector<1x1x16xf32>
        tpu.vector_store %arg7[%parallel_loop3A_756, %parallel_loop3A_757, %parallel_loop3A_758], %parallel_loop3A_761 {strides = array<i32>} : memref<6x128x64xf32, #tpu.memory_space<vmem>>, vector<1x1x16xf32>,
        %parallel_loop3A_762 = arith.index_cast %parallel_loop3A_751 : i32 to index
        %parallel_loop3A_763 = arith.constant 16 : index
        %parallel_loop3A_764 = tpu.vector_load %arg5[%parallel_loop3A_762, %parallel_loop3A_763] {strides = array<i32>} : memref<100x64xf32, #tpu.memory_space<vmem>>, vector<1x16xf32>,
        %parallel_loop3A_765 = vector.shape_cast %parallel_loop3A_764 : vector<1x16xf32> to vector<16xf32>
        %parallel_loop3A_766 = arith.index_cast %rem3A_148 : i32 to index
        %parallel_loop3A_767 = arith.index_cast %parallel_loop3A_749 : i32 to index
        %parallel_loop3A_768 = arith.constant 16 : index
        %parallel_loop3A_769 = tpu.vector_load %arg7[%parallel_loop3A_766, %parallel_loop3A_767, %parallel_loop3A_768] {strides = array<i32>} : memref<6x128x64xf32, #tpu.memory_space<vmem>>, vector<1x1x16xf32>,
        %parallel_loop3A_770 = vector.shape_cast %parallel_loop3A_769 : vector<1x1x16xf32> to vector<16xf32>
        %parallel_loop3A_771 = vector.shape_cast %parallel_loop3A_765 : vector<16xf32> to vector<1x1x16xf32>
        tpu.vector_store %arg7[%parallel_loop3A_766, %parallel_loop3A_767, %parallel_loop3A_768], %parallel_loop3A_771 {strides = array<i32>} : memref<6x128x64xf32, #tpu.memory_space<vmem>>, vector<1x1x16xf32>,
        %parallel_loop3A_772 = arith.index_cast %parallel_loop3A_751 : i32 to index
        %parallel_loop3A_773 = arith.constant 32 : index
        %parallel_loop3A_774 = tpu.vector_load %arg5[%parallel_loop3A_772, %parallel_loop3A_773] {strides = array<i32>} : memref<100x64xf32, #tpu.memory_space<vmem>>, vector<1x16xf32>,
        %parallel_loop3A_775 = vector.shape_cast %parallel_loop3A_774 : vector<1x16xf32> to vector<16xf32>
        %parallel_loop3A_776 = arith.index_cast %rem3A_148 : i32 to index
        %parallel_loop3A_777 = arith.index_cast %parallel_loop3A_749 : i32 to index
        %parallel_loop3A_778 = arith.constant 32 : index
        %parallel_loop3A_779 = tpu.vector_load %arg7[%parallel_loop3A_776, %parallel_loop3A_777, %parallel_loop3A_778] {strides = array<i32>} : memref<6x128x64xf32, #tpu.memory_space<vmem>>, vector<1x1x16xf32>,
        %parallel_loop3A_780 = vector.shape_cast %parallel_loop3A_779 : vector<1x1x16xf32> to vector<16xf32>
        %parallel_loop3A_781 = vector.shape_cast %parallel_loop3A_775 : vector<16xf32> to vector<1x1x16xf32>
        tpu.vector_store %arg7[%parallel_loop3A_776, %parallel_loop3A_777, %parallel_loop3A_778], %parallel_loop3A_781 {strides = array<i32>} : memref<6x128x64xf32, #tpu.memory_space<vmem>>, vector<1x1x16xf32>,
        %parallel_loop3A_782 = arith.index_cast %parallel_loop3A_751 : i32 to index
        %parallel_loop3A_783 = arith.constant 48 : index
        %parallel_loop3A_784 = tpu.vector_load %arg5[%parallel_loop3A_782, %parallel_loop3A_783] {strides = array<i32>} : memref<100x64xf32, #tpu.memory_space<vmem>>, vector<1x16xf32>,
        %parallel_loop3A_785 = vector.shape_cast %parallel_loop3A_784 : vector<1x16xf32> to vector<16xf32>
        %parallel_loop3A_786 = arith.index_cast %rem3A_148 : i32 to index
        %parallel_loop3A_787 = arith.index_cast %parallel_loop3A_749 : i32 to index
        %parallel_loop3A_788 = arith.constant 48 : index
        %parallel_loop3A_789 = tpu.vector_load %arg7[%parallel_loop3A_786, %parallel_loop3A_787, %parallel_loop3A_788] {strides = array<i32>} : memref<6x128x64xf32, #tpu.memory_space<vmem>>, vector<1x1x16xf32>,
        %parallel_loop3A_790 = vector.shape_cast %parallel_loop3A_789 : vector<1x1x16xf32> to vector<16xf32>
        %parallel_loop3A_791 = vector.shape_cast %parallel_loop3A_785 : vector<16xf32> to vector<1x1x16xf32>
        tpu.vector_store %arg7[%parallel_loop3A_786, %parallel_loop3A_787, %parallel_loop3A_788], %parallel_loop3A_791 {strides = array<i32>} : memref<6x128x64xf32, #tpu.memory_space<vmem>>, vector<1x1x16xf32>,
        %parallel_loop3A_792 = arith.constant 16 : i32
        %parallel_loop3A_793 = arith.muli %parallel_loop3A_233, %parallel_loop3A_792 : i32
        %parallel_loop3A_794 = arith.constant 12 : i32
        %parallel_loop3A_795 = arith.addi %parallel_loop3A_793, %parallel_loop3A_794 : i32
        %parallel_loop3A_796 = vector.extract_strided_slice %parallel_loop3A_239 {offsets = [12], sizes = [1], strides = [1]} : vector<16xi32> to vector<1xi32>
        %parallel_loop3A_797 = vector.extract %parallel_loop3A_796[0] : i32 from vector<1xi32>
        %parallel_loop3A_798 = arith.index_cast %parallel_loop3A_797 : i32 to index
        %parallel_loop3A_799 = arith.constant 0 : index
        %parallel_loop3A_800 = tpu.vector_load %arg5[%parallel_loop3A_798, %parallel_loop3A_799] {strides = array<i32>} : memref<100x64xf32, #tpu.memory_space<vmem>>, vector<1x16xf32>,
        %parallel_loop3A_801 = vector.shape_cast %parallel_loop3A_800 : vector<1x16xf32> to vector<16xf32>
        %parallel_loop3A_802 = arith.index_cast %rem3A_148 : i32 to index
        %parallel_loop3A_803 = arith.index_cast %parallel_loop3A_795 : i32 to index
        %parallel_loop3A_804 = arith.constant 0 : index
        %parallel_loop3A_805 = tpu.vector_load %arg7[%parallel_loop3A_802, %parallel_loop3A_803, %parallel_loop3A_804] {strides = array<i32>} : memref<6x128x64xf32, #tpu.memory_space<vmem>>, vector<1x1x16xf32>,
        %parallel_loop3A_806 = vector.shape_cast %parallel_loop3A_805 : vector<1x1x16xf32> to vector<16xf32>
        %parallel_loop3A_807 = vector.shape_cast %parallel_loop3A_801 : vector<16xf32> to vector<1x1x16xf32>
        tpu.vector_store %arg7[%parallel_loop3A_802, %parallel_loop3A_803, %parallel_loop3A_804], %parallel_loop3A_807 {strides = array<i32>} : memref<6x128x64xf32, #tpu.memory_space<vmem>>, vector<1x1x16xf32>,
        %parallel_loop3A_808 = arith.index_cast %parallel_loop3A_797 : i32 to index
        %parallel_loop3A_809 = arith.constant 16 : index
        %parallel_loop3A_810 = tpu.vector_load %arg5[%parallel_loop3A_808, %parallel_loop3A_809] {strides = array<i32>} : memref<100x64xf32, #tpu.memory_space<vmem>>, vector<1x16xf32>,
        %parallel_loop3A_811 = vector.shape_cast %parallel_loop3A_810 : vector<1x16xf32> to vector<16xf32>
        %parallel_loop3A_812 = arith.index_cast %rem3A_148 : i32 to index
        %parallel_loop3A_813 = arith.index_cast %parallel_loop3A_795 : i32 to index
        %parallel_loop3A_814 = arith.constant 16 : index
        %parallel_loop3A_815 = tpu.vector_load %arg7[%parallel_loop3A_812, %parallel_loop3A_813, %parallel_loop3A_814] {strides = array<i32>} : memref<6x128x64xf32, #tpu.memory_space<vmem>>, vector<1x1x16xf32>,
        %parallel_loop3A_816 = vector.shape_cast %parallel_loop3A_815 : vector<1x1x16xf32> to vector<16xf32>
        %parallel_loop3A_817 = vector.shape_cast %parallel_loop3A_811 : vector<16xf32> to vector<1x1x16xf32>
        tpu.vector_store %arg7[%parallel_loop3A_812, %parallel_loop3A_813, %parallel_loop3A_814], %parallel_loop3A_817 {strides = array<i32>} : memref<6x128x64xf32, #tpu.memory_space<vmem>>, vector<1x1x16xf32>,
        %parallel_loop3A_818 = arith.index_cast %parallel_loop3A_797 : i32 to index
        %parallel_loop3A_819 = arith.constant 32 : index
        %parallel_loop3A_820 = tpu.vector_load %arg5[%parallel_loop3A_818, %parallel_loop3A_819] {strides = array<i32>} : memref<100x64xf32, #tpu.memory_space<vmem>>, vector<1x16xf32>,
        %parallel_loop3A_821 = vector.shape_cast %parallel_loop3A_820 : vector<1x16xf32> to vector<16xf32>
        %parallel_loop3A_822 = arith.index_cast %rem3A_148 : i32 to index
        %parallel_loop3A_823 = arith.index_cast %parallel_loop3A_795 : i32 to index
        %parallel_loop3A_824 = arith.constant 32 : index
        %parallel_loop3A_825 = tpu.vector_load %arg7[%parallel_loop3A_822, %parallel_loop3A_823, %parallel_loop3A_824] {strides = array<i32>} : memref<6x128x64xf32, #tpu.memory_space<vmem>>, vector<1x1x16xf32>,
        %parallel_loop3A_826 = vector.shape_cast %parallel_loop3A_825 : vector<1x1x16xf32> to vector<16xf32>
        %parallel_loop3A_827 = vector.shape_cast %parallel_loop3A_821 : vector<16xf32> to vector<1x1x16xf32>
        tpu.vector_store %arg7[%parallel_loop3A_822, %parallel_loop3A_823, %parallel_loop3A_824], %parallel_loop3A_827 {strides = array<i32>} : memref<6x128x64xf32, #tpu.memory_space<vmem>>, vector<1x1x16xf32>,
        %parallel_loop3A_828 = arith.index_cast %parallel_loop3A_797 : i32 to index
        %parallel_loop3A_829 = arith.constant 48 : index
        %parallel_loop3A_830 = tpu.vector_load %arg5[%parallel_loop3A_828, %parallel_loop3A_829] {strides = array<i32>} : memref<100x64xf32, #tpu.memory_space<vmem>>, vector<1x16xf32>,
        %parallel_loop3A_831 = vector.shape_cast %parallel_loop3A_830 : vector<1x16xf32> to vector<16xf32>
        %parallel_loop3A_832 = arith.index_cast %rem3A_148 : i32 to index
        %parallel_loop3A_833 = arith.index_cast %parallel_loop3A_795 : i32 to index
        %parallel_loop3A_834 = arith.constant 48 : index
        %parallel_loop3A_835 = tpu.vector_load %arg7[%parallel_loop3A_832, %parallel_loop3A_833, %parallel_loop3A_834] {strides = array<i32>} : memref<6x128x64xf32, #tpu.memory_space<vmem>>, vector<1x1x16xf32>,
        %parallel_loop3A_836 = vector.shape_cast %parallel_loop3A_835 : vector<1x1x16xf32> to vector<16xf32>
        %parallel_loop3A_837 = vector.shape_cast %parallel_loop3A_831 : vector<16xf32> to vector<1x1x16xf32>
        tpu.vector_store %arg7[%parallel_loop3A_832, %parallel_loop3A_833, %parallel_loop3A_834], %parallel_loop3A_837 {strides = array<i32>} : memref<6x128x64xf32, #tpu.memory_space<vmem>>, vector<1x1x16xf32>,
        %parallel_loop3A_838 = arith.constant 16 : i32
        %parallel_loop3A_839 = arith.muli %parallel_loop3A_233, %parallel_loop3A_838 : i32
        %parallel_loop3A_840 = arith.constant 13 : i32
        %parallel_loop3A_841 = arith.addi %parallel_loop3A_839, %parallel_loop3A_840 : i32
        %parallel_loop3A_842 = vector.extract_strided_slice %parallel_loop3A_239 {offsets = [13], sizes = [1], strides = [1]} : vector<16xi32> to vector<1xi32>
        %parallel_loop3A_843 = vector.extract %parallel_loop3A_842[0] : i32 from vector<1xi32>
        %parallel_loop3A_844 = arith.index_cast %parallel_loop3A_843 : i32 to index
        %parallel_loop3A_845 = arith.constant 0 : index
        %parallel_loop3A_846 = tpu.vector_load %arg5[%parallel_loop3A_844, %parallel_loop3A_845] {strides = array<i32>} : memref<100x64xf32, #tpu.memory_space<vmem>>, vector<1x16xf32>,
        %parallel_loop3A_847 = vector.shape_cast %parallel_loop3A_846 : vector<1x16xf32> to vector<16xf32>
        %parallel_loop3A_848 = arith.index_cast %rem3A_148 : i32 to index
        %parallel_loop3A_849 = arith.index_cast %parallel_loop3A_841 : i32 to index
        %parallel_loop3A_850 = arith.constant 0 : index
        %parallel_loop3A_851 = tpu.vector_load %arg7[%parallel_loop3A_848, %parallel_loop3A_849, %parallel_loop3A_850] {strides = array<i32>} : memref<6x128x64xf32, #tpu.memory_space<vmem>>, vector<1x1x16xf32>,
        %parallel_loop3A_852 = vector.shape_cast %parallel_loop3A_851 : vector<1x1x16xf32> to vector<16xf32>
        %parallel_loop3A_853 = vector.shape_cast %parallel_loop3A_847 : vector<16xf32> to vector<1x1x16xf32>
        tpu.vector_store %arg7[%parallel_loop3A_848, %parallel_loop3A_849, %parallel_loop3A_850], %parallel_loop3A_853 {strides = array<i32>} : memref<6x128x64xf32, #tpu.memory_space<vmem>>, vector<1x1x16xf32>,
        %parallel_loop3A_854 = arith.index_cast %parallel_loop3A_843 : i32 to index
        %parallel_loop3A_855 = arith.constant 16 : index
        %parallel_loop3A_856 = tpu.vector_load %arg5[%parallel_loop3A_854, %parallel_loop3A_855] {strides = array<i32>} : memref<100x64xf32, #tpu.memory_space<vmem>>, vector<1x16xf32>,
        %parallel_loop3A_857 = vector.shape_cast %parallel_loop3A_856 : vector<1x16xf32> to vector<16xf32>
        %parallel_loop3A_858 = arith.index_cast %rem3A_148 : i32 to index
        %parallel_loop3A_859 = arith.index_cast %parallel_loop3A_841 : i32 to index
        %parallel_loop3A_860 = arith.constant 16 : index
        %parallel_loop3A_861 = tpu.vector_load %arg7[%parallel_loop3A_858, %parallel_loop3A_859, %parallel_loop3A_860] {strides = array<i32>} : memref<6x128x64xf32, #tpu.memory_space<vmem>>, vector<1x1x16xf32>,
        %parallel_loop3A_862 = vector.shape_cast %parallel_loop3A_861 : vector<1x1x16xf32> to vector<16xf32>
        %parallel_loop3A_863 = vector.shape_cast %parallel_loop3A_857 : vector<16xf32> to vector<1x1x16xf32>
        tpu.vector_store %arg7[%parallel_loop3A_858, %parallel_loop3A_859, %parallel_loop3A_860], %parallel_loop3A_863 {strides = array<i32>} : memref<6x128x64xf32, #tpu.memory_space<vmem>>, vector<1x1x16xf32>,
        %parallel_loop3A_864 = arith.index_cast %parallel_loop3A_843 : i32 to index
        %parallel_loop3A_865 = arith.constant 32 : index
        %parallel_loop3A_866 = tpu.vector_load %arg5[%parallel_loop3A_864, %parallel_loop3A_865] {strides = array<i32>} : memref<100x64xf32, #tpu.memory_space<vmem>>, vector<1x16xf32>,
        %parallel_loop3A_867 = vector.shape_cast %parallel_loop3A_866 : vector<1x16xf32> to vector<16xf32>
        %parallel_loop3A_868 = arith.index_cast %rem3A_148 : i32 to index
        %parallel_loop3A_869 = arith.index_cast %parallel_loop3A_841 : i32 to index
        %parallel_loop3A_870 = arith.constant 32 : index
        %parallel_loop3A_871 = tpu.vector_load %arg7[%parallel_loop3A_868, %parallel_loop3A_869, %parallel_loop3A_870] {strides = array<i32>} : memref<6x128x64xf32, #tpu.memory_space<vmem>>, vector<1x1x16xf32>,
        %parallel_loop3A_872 = vector.shape_cast %parallel_loop3A_871 : vector<1x1x16xf32> to vector<16xf32>
        %parallel_loop3A_873 = vector.shape_cast %parallel_loop3A_867 : vector<16xf32> to vector<1x1x16xf32>
        tpu.vector_store %arg7[%parallel_loop3A_868, %parallel_loop3A_869, %parallel_loop3A_870], %parallel_loop3A_873 {strides = array<i32>} : memref<6x128x64xf32, #tpu.memory_space<vmem>>, vector<1x1x16xf32>,
        %parallel_loop3A_874 = arith.index_cast %parallel_loop3A_843 : i32 to index
        %parallel_loop3A_875 = arith.constant 48 : index
        %parallel_loop3A_876 = tpu.vector_load %arg5[%parallel_loop3A_874, %parallel_loop3A_875] {strides = array<i32>} : memref<100x64xf32, #tpu.memory_space<vmem>>, vector<1x16xf32>,
        %parallel_loop3A_877 = vector.shape_cast %parallel_loop3A_876 : vector<1x16xf32> to vector<16xf32>
        %parallel_loop3A_878 = arith.index_cast %rem3A_148 : i32 to index
        %parallel_loop3A_879 = arith.index_cast %parallel_loop3A_841 : i32 to index
        %parallel_loop3A_880 = arith.constant 48 : index
        %parallel_loop3A_881 = tpu.vector_load %arg7[%parallel_loop3A_878, %parallel_loop3A_879, %parallel_loop3A_880] {strides = array<i32>} : memref<6x128x64xf32, #tpu.memory_space<vmem>>, vector<1x1x16xf32>,
        %parallel_loop3A_882 = vector.shape_cast %parallel_loop3A_881 : vector<1x1x16xf32> to vector<16xf32>
        %parallel_loop3A_883 = vector.shape_cast %parallel_loop3A_877 : vector<16xf32> to vector<1x1x16xf32>
        tpu.vector_store %arg7[%parallel_loop3A_878, %parallel_loop3A_879, %parallel_loop3A_880], %parallel_loop3A_883 {strides = array<i32>} : memref<6x128x64xf32, #tpu.memory_space<vmem>>, vector<1x1x16xf32>,
        %parallel_loop3A_884 = arith.constant 16 : i32
        %parallel_loop3A_885 = arith.muli %parallel_loop3A_233, %parallel_loop3A_884 : i32
        %parallel_loop3A_886 = arith.constant 14 : i32
        %parallel_loop3A_887 = arith.addi %parallel_loop3A_885, %parallel_loop3A_886 : i32
        %parallel_loop3A_888 = vector.extract_strided_slice %parallel_loop3A_239 {offsets = [14], sizes = [1], strides = [1]} : vector<16xi32> to vector<1xi32>
        %parallel_loop3A_889 = vector.extract %parallel_loop3A_888[0] : i32 from vector<1xi32>
        %parallel_loop3A_890 = arith.index_cast %parallel_loop3A_889 : i32 to index
        %parallel_loop3A_891 = arith.constant 0 : index
        %parallel_loop3A_892 = tpu.vector_load %arg5[%parallel_loop3A_890, %parallel_loop3A_891] {strides = array<i32>} : memref<100x64xf32, #tpu.memory_space<vmem>>, vector<1x16xf32>,
        %parallel_loop3A_893 = vector.shape_cast %parallel_loop3A_892 : vector<1x16xf32> to vector<16xf32>
        %parallel_loop3A_894 = arith.index_cast %rem3A_148 : i32 to index
        %parallel_loop3A_895 = arith.index_cast %parallel_loop3A_887 : i32 to index
        %parallel_loop3A_896 = arith.constant 0 : index
        %parallel_loop3A_897 = tpu.vector_load %arg7[%parallel_loop3A_894, %parallel_loop3A_895, %parallel_loop3A_896] {strides = array<i32>} : memref<6x128x64xf32, #tpu.memory_space<vmem>>, vector<1x1x16xf32>,
        %parallel_loop3A_898 = vector.shape_cast %parallel_loop3A_897 : vector<1x1x16xf32> to vector<16xf32>
        %parallel_loop3A_899 = vector.shape_cast %parallel_loop3A_893 : vector<16xf32> to vector<1x1x16xf32>
        tpu.vector_store %arg7[%parallel_loop3A_894, %parallel_loop3A_895, %parallel_loop3A_896], %parallel_loop3A_899 {strides = array<i32>} : memref<6x128x64xf32, #tpu.memory_space<vmem>>, vector<1x1x16xf32>,
        %parallel_loop3A_900 = arith.index_cast %parallel_loop3A_889 : i32 to index
        %parallel_loop3A_901 = arith.constant 16 : index
        %parallel_loop3A_902 = tpu.vector_load %arg5[%parallel_loop3A_900, %parallel_loop3A_901] {strides = array<i32>} : memref<100x64xf32, #tpu.memory_space<vmem>>, vector<1x16xf32>,
        %parallel_loop3A_903 = vector.shape_cast %parallel_loop3A_902 : vector<1x16xf32> to vector<16xf32>
        %parallel_loop3A_904 = arith.index_cast %rem3A_148 : i32 to index
        %parallel_loop3A_905 = arith.index_cast %parallel_loop3A_887 : i32 to index
        %parallel_loop3A_906 = arith.constant 16 : index
        %parallel_loop3A_907 = tpu.vector_load %arg7[%parallel_loop3A_904, %parallel_loop3A_905, %parallel_loop3A_906] {strides = array<i32>} : memref<6x128x64xf32, #tpu.memory_space<vmem>>, vector<1x1x16xf32>,
        %parallel_loop3A_908 = vector.shape_cast %parallel_loop3A_907 : vector<1x1x16xf32> to vector<16xf32>
        %parallel_loop3A_909 = vector.shape_cast %parallel_loop3A_903 : vector<16xf32> to vector<1x1x16xf32>
        tpu.vector_store %arg7[%parallel_loop3A_904, %parallel_loop3A_905, %parallel_loop3A_906], %parallel_loop3A_909 {strides = array<i32>} : memref<6x128x64xf32, #tpu.memory_space<vmem>>, vector<1x1x16xf32>,
        %parallel_loop3A_910 = arith.index_cast %parallel_loop3A_889 : i32 to index
        %parallel_loop3A_911 = arith.constant 32 : index
        %parallel_loop3A_912 = tpu.vector_load %arg5[%parallel_loop3A_910, %parallel_loop3A_911] {strides = array<i32>} : memref<100x64xf32, #tpu.memory_space<vmem>>, vector<1x16xf32>,
        %parallel_loop3A_913 = vector.shape_cast %parallel_loop3A_912 : vector<1x16xf32> to vector<16xf32>
        %parallel_loop3A_914 = arith.index_cast %rem3A_148 : i32 to index
        %parallel_loop3A_915 = arith.index_cast %parallel_loop3A_887 : i32 to index
        %parallel_loop3A_916 = arith.constant 32 : index
        %parallel_loop3A_917 = tpu.vector_load %arg7[%parallel_loop3A_914, %parallel_loop3A_915, %parallel_loop3A_916] {strides = array<i32>} : memref<6x128x64xf32, #tpu.memory_space<vmem>>, vector<1x1x16xf32>,
        %parallel_loop3A_918 = vector.shape_cast %parallel_loop3A_917 : vector<1x1x16xf32> to vector<16xf32>
        %parallel_loop3A_919 = vector.shape_cast %parallel_loop3A_913 : vector<16xf32> to vector<1x1x16xf32>
        tpu.vector_store %arg7[%parallel_loop3A_914, %parallel_loop3A_915, %parallel_loop3A_916], %parallel_loop3A_919 {strides = array<i32>} : memref<6x128x64xf32, #tpu.memory_space<vmem>>, vector<1x1x16xf32>,
        %parallel_loop3A_920 = arith.index_cast %parallel_loop3A_889 : i32 to index
        %parallel_loop3A_921 = arith.constant 48 : index
        %parallel_loop3A_922 = tpu.vector_load %arg5[%parallel_loop3A_920, %parallel_loop3A_921] {strides = array<i32>} : memref<100x64xf32, #tpu.memory_space<vmem>>, vector<1x16xf32>,
        %parallel_loop3A_923 = vector.shape_cast %parallel_loop3A_922 : vector<1x16xf32> to vector<16xf32>
        %parallel_loop3A_924 = arith.index_cast %rem3A_148 : i32 to index
        %parallel_loop3A_925 = arith.index_cast %parallel_loop3A_887 : i32 to index
        %parallel_loop3A_926 = arith.constant 48 : index
        %parallel_loop3A_927 = tpu.vector_load %arg7[%parallel_loop3A_924, %parallel_loop3A_925, %parallel_loop3A_926] {strides = array<i32>} : memref<6x128x64xf32, #tpu.memory_space<vmem>>, vector<1x1x16xf32>,
        %parallel_loop3A_928 = vector.shape_cast %parallel_loop3A_927 : vector<1x1x16xf32> to vector<16xf32>
        %parallel_loop3A_929 = vector.shape_cast %parallel_loop3A_923 : vector<16xf32> to vector<1x1x16xf32>
        tpu.vector_store %arg7[%parallel_loop3A_924, %parallel_loop3A_925, %parallel_loop3A_926], %parallel_loop3A_929 {strides = array<i32>} : memref<6x128x64xf32, #tpu.memory_space<vmem>>, vector<1x1x16xf32>,
        %parallel_loop3A_930 = arith.constant 16 : i32
        %parallel_loop3A_931 = arith.muli %parallel_loop3A_233, %parallel_loop3A_930 : i32
        %parallel_loop3A_932 = arith.constant 15 : i32
        %parallel_loop3A_933 = arith.addi %parallel_loop3A_931, %parallel_loop3A_932 : i32
        %parallel_loop3A_934 = vector.extract_strided_slice %parallel_loop3A_239 {offsets = [15], sizes = [1], strides = [1]} : vector<16xi32> to vector<1xi32>
        %parallel_loop3A_935 = vector.extract %parallel_loop3A_934[0] : i32 from vector<1xi32>
        %parallel_loop3A_936 = arith.index_cast %parallel_loop3A_935 : i32 to index
        %parallel_loop3A_937 = arith.constant 0 : index
        %parallel_loop3A_938 = tpu.vector_load %arg5[%parallel_loop3A_936, %parallel_loop3A_937] {strides = array<i32>} : memref<100x64xf32, #tpu.memory_space<vmem>>, vector<1x16xf32>,
        %parallel_loop3A_939 = vector.shape_cast %parallel_loop3A_938 : vector<1x16xf32> to vector<16xf32>
        %parallel_loop3A_940 = arith.index_cast %rem3A_148 : i32 to index
        %parallel_loop3A_941 = arith.index_cast %parallel_loop3A_933 : i32 to index
        %parallel_loop3A_942 = arith.constant 0 : index
        %parallel_loop3A_943 = tpu.vector_load %arg7[%parallel_loop3A_940, %parallel_loop3A_941, %parallel_loop3A_942] {strides = array<i32>} : memref<6x128x64xf32, #tpu.memory_space<vmem>>, vector<1x1x16xf32>,
        %parallel_loop3A_944 = vector.shape_cast %parallel_loop3A_943 : vector<1x1x16xf32> to vector<16xf32>
        %parallel_loop3A_945 = vector.shape_cast %parallel_loop3A_939 : vector<16xf32> to vector<1x1x16xf32>
        tpu.vector_store %arg7[%parallel_loop3A_940, %parallel_loop3A_941, %parallel_loop3A_942], %parallel_loop3A_945 {strides = array<i32>} : memref<6x128x64xf32, #tpu.memory_space<vmem>>, vector<1x1x16xf32>,
        %parallel_loop3A_946 = arith.index_cast %parallel_loop3A_935 : i32 to index
        %parallel_loop3A_947 = arith.constant 16 : index
        %parallel_loop3A_948 = tpu.vector_load %arg5[%parallel_loop3A_946, %parallel_loop3A_947] {strides = array<i32>} : memref<100x64xf32, #tpu.memory_space<vmem>>, vector<1x16xf32>,
        %parallel_loop3A_949 = vector.shape_cast %parallel_loop3A_948 : vector<1x16xf32> to vector<16xf32>
        %parallel_loop3A_950 = arith.index_cast %rem3A_148 : i32 to index
        %parallel_loop3A_951 = arith.index_cast %parallel_loop3A_933 : i32 to index
        %parallel_loop3A_952 = arith.constant 16 : index
        %parallel_loop3A_953 = tpu.vector_load %arg7[%parallel_loop3A_950, %parallel_loop3A_951, %parallel_loop3A_952] {strides = array<i32>} : memref<6x128x64xf32, #tpu.memory_space<vmem>>, vector<1x1x16xf32>,
        %parallel_loop3A_954 = vector.shape_cast %parallel_loop3A_953 : vector<1x1x16xf32> to vector<16xf32>
        %parallel_loop3A_955 = vector.shape_cast %parallel_loop3A_949 : vector<16xf32> to vector<1x1x16xf32>
        tpu.vector_store %arg7[%parallel_loop3A_950, %parallel_loop3A_951, %parallel_loop3A_952], %parallel_loop3A_955 {strides = array<i32>} : memref<6x128x64xf32, #tpu.memory_space<vmem>>, vector<1x1x16xf32>,
        %parallel_loop3A_956 = arith.index_cast %parallel_loop3A_935 : i32 to index
        %parallel_loop3A_957 = arith.constant 32 : index
        %parallel_loop3A_958 = tpu.vector_load %arg5[%parallel_loop3A_956, %parallel_loop3A_957] {strides = array<i32>} : memref<100x64xf32, #tpu.memory_space<vmem>>, vector<1x16xf32>,
        %parallel_loop3A_959 = vector.shape_cast %parallel_loop3A_958 : vector<1x16xf32> to vector<16xf32>
        %parallel_loop3A_960 = arith.index_cast %rem3A_148 : i32 to index
        %parallel_loop3A_961 = arith.index_cast %parallel_loop3A_933 : i32 to index
        %parallel_loop3A_962 = arith.constant 32 : index
        %parallel_loop3A_963 = tpu.vector_load %arg7[%parallel_loop3A_960, %parallel_loop3A_961, %parallel_loop3A_962] {strides = array<i32>} : memref<6x128x64xf32, #tpu.memory_space<vmem>>, vector<1x1x16xf32>,
        %parallel_loop3A_964 = vector.shape_cast %parallel_loop3A_963 : vector<1x1x16xf32> to vector<16xf32>
        %parallel_loop3A_965 = vector.shape_cast %parallel_loop3A_959 : vector<16xf32> to vector<1x1x16xf32>
        tpu.vector_store %arg7[%parallel_loop3A_960, %parallel_loop3A_961, %parallel_loop3A_962], %parallel_loop3A_965 {strides = array<i32>} : memref<6x128x64xf32, #tpu.memory_space<vmem>>, vector<1x1x16xf32>,
        %parallel_loop3A_966 = arith.index_cast %parallel_loop3A_935 : i32 to index
        %parallel_loop3A_967 = arith.constant 48 : index
        %parallel_loop3A_968 = tpu.vector_load %arg5[%parallel_loop3A_966, %parallel_loop3A_967] {strides = array<i32>} : memref<100x64xf32, #tpu.memory_space<vmem>>, vector<1x16xf32>,
        %parallel_loop3A_969 = vector.shape_cast %parallel_loop3A_968 : vector<1x16xf32> to vector<16xf32>
        %parallel_loop3A_970 = arith.index_cast %rem3A_148 : i32 to index
        %parallel_loop3A_971 = arith.index_cast %parallel_loop3A_933 : i32 to index
        %parallel_loop3A_972 = arith.constant 48 : index
        %parallel_loop3A_973 = tpu.vector_load %arg7[%parallel_loop3A_970, %parallel_loop3A_971, %parallel_loop3A_972] {strides = array<i32>} : memref<6x128x64xf32, #tpu.memory_space<vmem>>, vector<1x1x16xf32>,
        %parallel_loop3A_974 = vector.shape_cast %parallel_loop3A_973 : vector<1x1x16xf32> to vector<16xf32>
        %parallel_loop3A_975 = vector.shape_cast %parallel_loop3A_969 : vector<16xf32> to vector<1x1x16xf32>
        tpu.vector_store %arg7[%parallel_loop3A_970, %parallel_loop3A_971, %parallel_loop3A_972], %parallel_loop3A_975 {strides = array<i32>} : memref<6x128x64xf32, #tpu.memory_space<vmem>>, vector<1x1x16xf32>,
      } {sc.loop_unroll_factor = 2 : i64, sc.parallel_access}
      %eq3A_203 = arith.constant 0 : i32
      %eq3A_204 = arith.cmpi eq, %rem3A_148, %eq3A_203 : i32
      %convert_element_type3A_205 = arith.extui %eq3A_204 : i1 to i32
      %cond3A_206 = arith.constant 0 : i32
      %cond3A_207 = arith.cmpi ne, %convert_element_type3A_205, %cond3A_206 : i32
      scf.if %cond3A_207 {
        %add3A_233 = arith.addi %mul3A_2, %scan3A_147 : i32
        %mul3A_234 = arith.constant 128 : i32
        %mul3A_235 = arith.muli %add3A_233, %mul3A_234 : i32
        %dma_start3A_236 = arith.constant 0 : i32
        %dma_start3A_237 = arith.constant 0 : i32
        %dma_start3A_238 = arith.constant 0 : i32
        %dma_start3A_239 = tpu.memref_slice %arg7[%dma_start3A_236, %dma_start3A_237, %dma_start3A_238] : memref<6x128x64xf32, #tpu.memory_space<vmem>> -> memref<1x128x64xf32, #tpu.memory_space<vmem>>
        %dma_start3A_240 = tpu.memref_squeeze %dma_start3A_239 : memref<1x128x64xf32, #tpu.memory_space<vmem>> -> memref<128x64xf32, #tpu.memory_space<vmem>>
        %dma_start3A_241 = arith.constant 0 : i32
        %dma_start3A_242 = tpu.memref_slice %arg4[%mul3A_235, %dma_start3A_241] : memref<3276800x64xf32, #tpu.memory_space<hbm>> -> memref<128x64xf32, #tpu.memory_space<hbm>>
        %dma_start3A_243 = tpu.memref_slice %arg8[%scan3A_17] : memref<6x!tpu.dma_semaphore, #tpu.memory_space<semaphore_mem>> -> memref<1x!tpu.dma_semaphore, #tpu.memory_space<semaphore_mem>>
        %dma_start3A_244 = tpu.memref_squeeze %dma_start3A_243 : memref<1x!tpu.dma_semaphore, #tpu.memory_space<semaphore_mem>> -> memref<!tpu.dma_semaphore, #tpu.memory_space<semaphore_mem>>
        %dma_start3A_245 = arith.constant 0 : i32
        %dma_start3A_246 = tpu.memref_slice %arg4[%mul3A_235, %dma_start3A_245] : memref<3276800x64xf32, #tpu.memory_space<hbm>> -> memref<128x64xf32, #tpu.memory_space<hbm>>
        %dma_start3A_247 = arith.constant 0 : i32
        %dma_start3A_248 = arith.constant 0 : i32
        %dma_start3A_249 = tpu.memref_slice %arg7[%dma_start3A_236, %dma_start3A_247, %dma_start3A_248] : memref<6x128x64xf32, #tpu.memory_space<vmem>> -> memref<1x128x64xf32, #tpu.memory_space<vmem>>
        %dma_start3A_250 = tpu.memref_squeeze %dma_start3A_249 : memref<1x128x64xf32, #tpu.memory_space<vmem>> -> memref<128x64xf32, #tpu.memory_space<vmem>>
        tpu.enqueue_dma source(%dma_start3A_250 : memref<128x64xf32, #tpu.memory_space<vmem>>) target(%dma_start3A_246 : memref<128x64xf32, #tpu.memory_space<hbm>>) target_semaphore(%dma_start3A_244 : memref<!tpu.dma_semaphore, #tpu.memory_space<semaphore_mem>>)
      } else {
      }
      %eq3A_208 = arith.constant 1 : i32
      %eq3A_209 = arith.cmpi eq, %rem3A_148, %eq3A_208 : i32
      %convert_element_type3A_210 = arith.extui %eq3A_209 : i1 to i32
      %cond3A_211 = arith.constant 0 : i32
      %cond3A_212 = arith.cmpi ne, %convert_element_type3A_210, %cond3A_211 : i32
      scf.if %cond3A_212 {
        %add3A_233 = arith.addi %mul3A_2, %scan3A_147 : i32
        %mul3A_234 = arith.constant 128 : i32
        %mul3A_235 = arith.muli %add3A_233, %mul3A_234 : i32
        %dma_start3A_236 = arith.constant 1 : i32
        %dma_start3A_237 = arith.constant 0 : i32
        %dma_start3A_238 = arith.constant 0 : i32
        %dma_start3A_239 = tpu.memref_slice %arg7[%dma_start3A_236, %dma_start3A_237, %dma_start3A_238] : memref<6x128x64xf32, #tpu.memory_space<vmem>> -> memref<1x128x64xf32, #tpu.memory_space<vmem>>
        %dma_start3A_240 = tpu.memref_squeeze %dma_start3A_239 : memref<1x128x64xf32, #tpu.memory_space<vmem>> -> memref<128x64xf32, #tpu.memory_space<vmem>>
        %dma_start3A_241 = arith.constant 0 : i32
        %dma_start3A_242 = tpu.memref_slice %arg4[%mul3A_235, %dma_start3A_241] : memref<3276800x64xf32, #tpu.memory_space<hbm>> -> memref<128x64xf32, #tpu.memory_space<hbm>>
        %dma_start3A_243 = tpu.memref_slice %arg8[%scan3A_18] : memref<6x!tpu.dma_semaphore, #tpu.memory_space<semaphore_mem>> -> memref<1x!tpu.dma_semaphore, #tpu.memory_space<semaphore_mem>>
        %dma_start3A_244 = tpu.memref_squeeze %dma_start3A_243 : memref<1x!tpu.dma_semaphore, #tpu.memory_space<semaphore_mem>> -> memref<!tpu.dma_semaphore, #tpu.memory_space<semaphore_mem>>
        %dma_start3A_245 = arith.constant 0 : i32
        %dma_start3A_246 = tpu.memref_slice %arg4[%mul3A_235, %dma_start3A_245] : memref<3276800x64xf32, #tpu.memory_space<hbm>> -> memref<128x64xf32, #tpu.memory_space<hbm>>
        %dma_start3A_247 = arith.constant 0 : i32
        %dma_start3A_248 = arith.constant 0 : i32
        %dma_start3A_249 = tpu.memref_slice %arg7[%dma_start3A_236, %dma_start3A_247, %dma_start3A_248] : memref<6x128x64xf32, #tpu.memory_space<vmem>> -> memref<1x128x64xf32, #tpu.memory_space<vmem>>
        %dma_start3A_250 = tpu.memref_squeeze %dma_start3A_249 : memref<1x128x64xf32, #tpu.memory_space<vmem>> -> memref<128x64xf32, #tpu.memory_space<vmem>>
        tpu.enqueue_dma source(%dma_start3A_250 : memref<128x64xf32, #tpu.memory_space<vmem>>) target(%dma_start3A_246 : memref<128x64xf32, #tpu.memory_space<hbm>>) target_semaphore(%dma_start3A_244 : memref<!tpu.dma_semaphore, #tpu.memory_space<semaphore_mem>>)
      } else {
      }
      %eq3A_213 = arith.constant 2 : i32
      %eq3A_214 = arith.cmpi eq, %rem3A_148, %eq3A_213 : i32
      %convert_element_type3A_215 = arith.extui %eq3A_214 : i1 to i32
      %cond3A_216 = arith.constant 0 : i32
      %cond3A_217 = arith.cmpi ne, %convert_element_type3A_215, %cond3A_216 : i32
      scf.if %cond3A_217 {
        %add3A_233 = arith.addi %mul3A_2, %scan3A_147 : i32
        %mul3A_234 = arith.constant 128 : i32
        %mul3A_235 = arith.muli %add3A_233, %mul3A_234 : i32
        %dma_start3A_236 = arith.constant 2 : i32
        %dma_start3A_237 = arith.constant 0 : i32
        %dma_start3A_238 = arith.constant 0 : i32
        %dma_start3A_239 = tpu.memref_slice %arg7[%dma_start3A_236, %dma_start3A_237, %dma_start3A_238] : memref<6x128x64xf32, #tpu.memory_space<vmem>> -> memref<1x128x64xf32, #tpu.memory_space<vmem>>
        %dma_start3A_240 = tpu.memref_squeeze %dma_start3A_239 : memref<1x128x64xf32, #tpu.memory_space<vmem>> -> memref<128x64xf32, #tpu.memory_space<vmem>>
        %dma_start3A_241 = arith.constant 0 : i32
        %dma_start3A_242 = tpu.memref_slice %arg4[%mul3A_235, %dma_start3A_241] : memref<3276800x64xf32, #tpu.memory_space<hbm>> -> memref<128x64xf32, #tpu.memory_space<hbm>>
        %dma_start3A_243 = tpu.memref_slice %arg8[%scan3A_19] : memref<6x!tpu.dma_semaphore, #tpu.memory_space<semaphore_mem>> -> memref<1x!tpu.dma_semaphore, #tpu.memory_space<semaphore_mem>>
        %dma_start3A_244 = tpu.memref_squeeze %dma_start3A_243 : memref<1x!tpu.dma_semaphore, #tpu.memory_space<semaphore_mem>> -> memref<!tpu.dma_semaphore, #tpu.memory_space<semaphore_mem>>
        %dma_start3A_245 = arith.constant 0 : i32
        %dma_start3A_246 = tpu.memref_slice %arg4[%mul3A_235, %dma_start3A_245] : memref<3276800x64xf32, #tpu.memory_space<hbm>> -> memref<128x64xf32, #tpu.memory_space<hbm>>
        %dma_start3A_247 = arith.constant 0 : i32
        %dma_start3A_248 = arith.constant 0 : i32
        %dma_start3A_249 = tpu.memref_slice %arg7[%dma_start3A_236, %dma_start3A_247, %dma_start3A_248] : memref<6x128x64xf32, #tpu.memory_space<vmem>> -> memref<1x128x64xf32, #tpu.memory_space<vmem>>
        %dma_start3A_250 = tpu.memref_squeeze %dma_start3A_249 : memref<1x128x64xf32, #tpu.memory_space<vmem>> -> memref<128x64xf32, #tpu.memory_space<vmem>>
        tpu.enqueue_dma source(%dma_start3A_250 : memref<128x64xf32, #tpu.memory_space<vmem>>) target(%dma_start3A_246 : memref<128x64xf32, #tpu.memory_space<hbm>>) target_semaphore(%dma_start3A_244 : memref<!tpu.dma_semaphore, #tpu.memory_space<semaphore_mem>>)
      } else {
      }
      %eq3A_218 = arith.constant 3 : i32
      %eq3A_219 = arith.cmpi eq, %rem3A_148, %eq3A_218 : i32
      %convert_element_type3A_220 = arith.extui %eq3A_219 : i1 to i32
      %cond3A_221 = arith.constant 0 : i32
      %cond3A_222 = arith.cmpi ne, %convert_element_type3A_220, %cond3A_221 : i32
      scf.if %cond3A_222 {
        %add3A_233 = arith.addi %mul3A_2, %scan3A_147 : i32
        %mul3A_234 = arith.constant 128 : i32
        %mul3A_235 = arith.muli %add3A_233, %mul3A_234 : i32
        %dma_start3A_236 = arith.constant 3 : i32
        %dma_start3A_237 = arith.constant 0 : i32
        %dma_start3A_238 = arith.constant 0 : i32
        %dma_start3A_239 = tpu.memref_slice %arg7[%dma_start3A_236, %dma_start3A_237, %dma_start3A_238] : memref<6x128x64xf32, #tpu.memory_space<vmem>> -> memref<1x128x64xf32, #tpu.memory_space<vmem>>
        %dma_start3A_240 = tpu.memref_squeeze %dma_start3A_239 : memref<1x128x64xf32, #tpu.memory_space<vmem>> -> memref<128x64xf32, #tpu.memory_space<vmem>>
        %dma_start3A_241 = arith.constant 0 : i32
        %dma_start3A_242 = tpu.memref_slice %arg4[%mul3A_235, %dma_start3A_241] : memref<3276800x64xf32, #tpu.memory_space<hbm>> -> memref<128x64xf32, #tpu.memory_space<hbm>>
        %dma_start3A_243 = tpu.memref_slice %arg8[%scan3A_20] : memref<6x!tpu.dma_semaphore, #tpu.memory_space<semaphore_mem>> -> memref<1x!tpu.dma_semaphore, #tpu.memory_space<semaphore_mem>>
        %dma_start3A_244 = tpu.memref_squeeze %dma_start3A_243 : memref<1x!tpu.dma_semaphore, #tpu.memory_space<semaphore_mem>> -> memref<!tpu.dma_semaphore, #tpu.memory_space<semaphore_mem>>
        %dma_start3A_245 = arith.constant 0 : i32
        %dma_start3A_246 = tpu.memref_slice %arg4[%mul3A_235, %dma_start3A_245] : memref<3276800x64xf32, #tpu.memory_space<hbm>> -> memref<128x64xf32, #tpu.memory_space<hbm>>
        %dma_start3A_247 = arith.constant 0 : i32
        %dma_start3A_248 = arith.constant 0 : i32
        %dma_start3A_249 = tpu.memref_slice %arg7[%dma_start3A_236, %dma_start3A_247, %dma_start3A_248] : memref<6x128x64xf32, #tpu.memory_space<vmem>> -> memref<1x128x64xf32, #tpu.memory_space<vmem>>
        %dma_start3A_250 = tpu.memref_squeeze %dma_start3A_249 : memref<1x128x64xf32, #tpu.memory_space<vmem>> -> memref<128x64xf32, #tpu.memory_space<vmem>>
        tpu.enqueue_dma source(%dma_start3A_250 : memref<128x64xf32, #tpu.memory_space<vmem>>) target(%dma_start3A_246 : memref<128x64xf32, #tpu.memory_space<hbm>>) target_semaphore(%dma_start3A_244 : memref<!tpu.dma_semaphore, #tpu.memory_space<semaphore_mem>>)
      } else {
      }
      %eq3A_223 = arith.constant 4 : i32
      %eq3A_224 = arith.cmpi eq, %rem3A_148, %eq3A_223 : i32
      %convert_element_type3A_225 = arith.extui %eq3A_224 : i1 to i32
      %cond3A_226 = arith.constant 0 : i32
      %cond3A_227 = arith.cmpi ne, %convert_element_type3A_225, %cond3A_226 : i32
      scf.if %cond3A_227 {
        %add3A_233 = arith.addi %mul3A_2, %scan3A_147 : i32
        %mul3A_234 = arith.constant 128 : i32
        %mul3A_235 = arith.muli %add3A_233, %mul3A_234 : i32
        %dma_start3A_236 = arith.constant 4 : i32
        %dma_start3A_237 = arith.constant 0 : i32
        %dma_start3A_238 = arith.constant 0 : i32
        %dma_start3A_239 = tpu.memref_slice %arg7[%dma_start3A_236, %dma_start3A_237, %dma_start3A_238] : memref<6x128x64xf32, #tpu.memory_space<vmem>> -> memref<1x128x64xf32, #tpu.memory_space<vmem>>
        %dma_start3A_240 = tpu.memref_squeeze %dma_start3A_239 : memref<1x128x64xf32, #tpu.memory_space<vmem>> -> memref<128x64xf32, #tpu.memory_space<vmem>>
        %dma_start3A_241 = arith.constant 0 : i32
        %dma_start3A_242 = tpu.memref_slice %arg4[%mul3A_235, %dma_start3A_241] : memref<3276800x64xf32, #tpu.memory_space<hbm>> -> memref<128x64xf32, #tpu.memory_space<hbm>>
        %dma_start3A_243 = tpu.memref_slice %arg8[%scan3A_21] : memref<6x!tpu.dma_semaphore, #tpu.memory_space<semaphore_mem>> -> memref<1x!tpu.dma_semaphore, #tpu.memory_space<semaphore_mem>>
        %dma_start3A_244 = tpu.memref_squeeze %dma_start3A_243 : memref<1x!tpu.dma_semaphore, #tpu.memory_space<semaphore_mem>> -> memref<!tpu.dma_semaphore, #tpu.memory_space<semaphore_mem>>
        %dma_start3A_245 = arith.constant 0 : i32
        %dma_start3A_246 = tpu.memref_slice %arg4[%mul3A_235, %dma_start3A_245] : memref<3276800x64xf32, #tpu.memory_space<hbm>> -> memref<128x64xf32, #tpu.memory_space<hbm>>
        %dma_start3A_247 = arith.constant 0 : i32
        %dma_start3A_248 = arith.constant 0 : i32
        %dma_start3A_249 = tpu.memref_slice %arg7[%dma_start3A_236, %dma_start3A_247, %dma_start3A_248] : memref<6x128x64xf32, #tpu.memory_space<vmem>> -> memref<1x128x64xf32, #tpu.memory_space<vmem>>
        %dma_start3A_250 = tpu.memref_squeeze %dma_start3A_249 : memref<1x128x64xf32, #tpu.memory_space<vmem>> -> memref<128x64xf32, #tpu.memory_space<vmem>>
        tpu.enqueue_dma source(%dma_start3A_250 : memref<128x64xf32, #tpu.memory_space<vmem>>) target(%dma_start3A_246 : memref<128x64xf32, #tpu.memory_space<hbm>>) target_semaphore(%dma_start3A_244 : memref<!tpu.dma_semaphore, #tpu.memory_space<semaphore_mem>>)
      } else {
      }
      %eq3A_228 = arith.constant 5 : i32
      %eq3A_229 = arith.cmpi eq, %rem3A_148, %eq3A_228 : i32
      %convert_element_type3A_230 = arith.extui %eq3A_229 : i1 to i32
      %cond3A_231 = arith.constant 0 : i32
      %cond3A_232 = arith.cmpi ne, %convert_element_type3A_230, %cond3A_231 : i32
      scf.if %cond3A_232 {
        %add3A_233 = arith.addi %mul3A_2, %scan3A_147 : i32
        %mul3A_234 = arith.constant 128 : i32
        %mul3A_235 = arith.muli %add3A_233, %mul3A_234 : i32
        %dma_start3A_236 = arith.constant 5 : i32
        %dma_start3A_237 = arith.constant 0 : i32
        %dma_start3A_238 = arith.constant 0 : i32
        %dma_start3A_239 = tpu.memref_slice %arg7[%dma_start3A_236, %dma_start3A_237, %dma_start3A_238] : memref<6x128x64xf32, #tpu.memory_space<vmem>> -> memref<1x128x64xf32, #tpu.memory_space<vmem>>
        %dma_start3A_240 = tpu.memref_squeeze %dma_start3A_239 : memref<1x128x64xf32, #tpu.memory_space<vmem>> -> memref<128x64xf32, #tpu.memory_space<vmem>>
        %dma_start3A_241 = arith.constant 0 : i32
        %dma_start3A_242 = tpu.memref_slice %arg4[%mul3A_235, %dma_start3A_241] : memref<3276800x64xf32, #tpu.memory_space<hbm>> -> memref<128x64xf32, #tpu.memory_space<hbm>>
        %dma_start3A_243 = tpu.memref_slice %arg8[%scan3A_22] : memref<6x!tpu.dma_semaphore, #tpu.memory_space<semaphore_mem>> -> memref<1x!tpu.dma_semaphore, #tpu.memory_space<semaphore_mem>>
        %dma_start3A_244 = tpu.memref_squeeze %dma_start3A_243 : memref<1x!tpu.dma_semaphore, #tpu.memory_space<semaphore_mem>> -> memref<!tpu.dma_semaphore, #tpu.memory_space<semaphore_mem>>
        %dma_start3A_245 = arith.constant 0 : i32
        %dma_start3A_246 = tpu.memref_slice %arg4[%mul3A_235, %dma_start3A_245] : memref<3276800x64xf32, #tpu.memory_space<hbm>> -> memref<128x64xf32, #tpu.memory_space<hbm>>
        %dma_start3A_247 = arith.constant 0 : i32
        %dma_start3A_248 = arith.constant 0 : i32
        %dma_start3A_249 = tpu.memref_slice %arg7[%dma_start3A_236, %dma_start3A_247, %dma_start3A_248] : memref<6x128x64xf32, #tpu.memory_space<vmem>> -> memref<1x128x64xf32, #tpu.memory_space<vmem>>
        %dma_start3A_250 = tpu.memref_squeeze %dma_start3A_249 : memref<1x128x64xf32, #tpu.memory_space<vmem>> -> memref<128x64xf32, #tpu.memory_space<vmem>>
        tpu.enqueue_dma source(%dma_start3A_250 : memref<128x64xf32, #tpu.memory_space<vmem>>) target(%dma_start3A_246 : memref<128x64xf32, #tpu.memory_space<hbm>>) target_semaphore(%dma_start3A_244 : memref<!tpu.dma_semaphore, #tpu.memory_space<semaphore_mem>>)
      } else {
      }
    }
    %scan3A_27 = arith.constant 800 : i32
    %add3A_28 = arith.constant 794 : i32
    %add3A_29 = arith.addi %mul3A_2, %add3A_28 : i32
    %mul3A_30 = arith.constant 128 : i32
    %mul3A_31 = arith.muli %add3A_29, %mul3A_30 : i32
    %dma_wait3A = arith.constant 2 : i32
    %dma_wait3A_32 = arith.constant 2 : i32
    %dma_wait3A_33 = arith.constant 0 : i32
    %dma_wait3A_34 = arith.constant 0 : i32
    %dma_wait3A_35 = tpu.memref_slice %arg7[%dma_wait3A, %dma_wait3A_33, %dma_wait3A_34] : memref<6x128x64xf32, #tpu.memory_space<vmem>> -> memref<1x128x64xf32, #tpu.memory_space<vmem>>
    %dma_wait3A_36 = tpu.memref_squeeze %dma_wait3A_35 : memref<1x128x64xf32, #tpu.memory_space<vmem>> -> memref<128x64xf32, #tpu.memory_space<vmem>>
    %dma_wait3A_37 = arith.constant 0 : i32
    %dma_wait3A_38 = tpu.memref_slice %arg4[%mul3A_31, %dma_wait3A_37] : memref<3276800x64xf32, #tpu.memory_space<hbm>> -> memref<128x64xf32, #tpu.memory_space<hbm>>
    %dma_wait3A_39 = tpu.memref_slice %arg8[%dma_wait3A_32] : memref<6x!tpu.dma_semaphore, #tpu.memory_space<semaphore_mem>> -> memref<1x!tpu.dma_semaphore, #tpu.memory_space<semaphore_mem>>
    %dma_wait3A_40 = tpu.memref_squeeze %dma_wait3A_39 : memref<1x!tpu.dma_semaphore, #tpu.memory_space<semaphore_mem>> -> memref<!tpu.dma_semaphore, #tpu.memory_space<semaphore_mem>>
    %dma_wait3A_41 = arith.constant 0 : i32
    %dma_wait3A_42 = tpu.memref_slice %arg4[%mul3A_31, %dma_wait3A_41] : memref<3276800x64xf32, #tpu.memory_space<hbm>> -> memref<128x64xf32, #tpu.memory_space<hbm>>
    %dma_wait3A_43 = arith.constant 0 : i32
    %dma_wait3A_44 = arith.constant 0 : i32
    %dma_wait3A_45 = tpu.memref_slice %arg7[%dma_wait3A, %dma_wait3A_43, %dma_wait3A_44] : memref<6x128x64xf32, #tpu.memory_space<vmem>> -> memref<1x128x64xf32, #tpu.memory_space<vmem>>
    %dma_wait3A_46 = tpu.memref_squeeze %dma_wait3A_45 : memref<1x128x64xf32, #tpu.memory_space<vmem>> -> memref<128x64xf32, #tpu.memory_space<vmem>>
    tpu.wait_dma2 semaphore(%dma_wait3A_40 : memref<!tpu.dma_semaphore, #tpu.memory_space<semaphore_mem>>) src(%dma_wait3A_46 : memref<128x64xf32, #tpu.memory_space<vmem>>) dst(%dma_wait3A_42 : memref<128x64xf32, #tpu.memory_space<hbm>>)
    %add3A_47 = arith.constant 795 : i32
    %add3A_48 = arith.addi %mul3A_2, %add3A_47 : i32
    %mul3A_49 = arith.constant 128 : i32
    %mul3A_50 = arith.muli %add3A_48, %mul3A_49 : i32
    %dma_wait3A_51 = arith.constant 3 : i32
    %dma_wait3A_52 = arith.constant 3 : i32
    %dma_wait3A_53 = arith.constant 0 : i32
    %dma_wait3A_54 = arith.constant 0 : i32
    %dma_wait3A_55 = tpu.memref_slice %arg7[%dma_wait3A_51, %dma_wait3A_53, %dma_wait3A_54] : memref<6x128x64xf32, #tpu.memory_space<vmem>> -> memref<1x128x64xf32, #tpu.memory_space<vmem>>
    %dma_wait3A_56 = tpu.memref_squeeze %dma_wait3A_55 : memref<1x128x64xf32, #tpu.memory_space<vmem>> -> memref<128x64xf32, #tpu.memory_space<vmem>>
    %dma_wait3A_57 = arith.constant 0 : i32
    %dma_wait3A_58 = tpu.memref_slice %arg4[%mul3A_50, %dma_wait3A_57] : memref<3276800x64xf32, #tpu.memory_space<hbm>> -> memref<128x64xf32, #tpu.memory_space<hbm>>
    %dma_wait3A_59 = tpu.memref_slice %arg8[%dma_wait3A_52] : memref<6x!tpu.dma_semaphore, #tpu.memory_space<semaphore_mem>> -> memref<1x!tpu.dma_semaphore, #tpu.memory_space<semaphore_mem>>
    %dma_wait3A_60 = tpu.memref_squeeze %dma_wait3A_59 : memref<1x!tpu.dma_semaphore, #tpu.memory_space<semaphore_mem>> -> memref<!tpu.dma_semaphore, #tpu.memory_space<semaphore_mem>>
    %dma_wait3A_61 = arith.constant 0 : i32
    %dma_wait3A_62 = tpu.memref_slice %arg4[%mul3A_50, %dma_wait3A_61] : memref<3276800x64xf32, #tpu.memory_space<hbm>> -> memref<128x64xf32, #tpu.memory_space<hbm>>
    %dma_wait3A_63 = arith.constant 0 : i32
    %dma_wait3A_64 = arith.constant 0 : i32
    %dma_wait3A_65 = tpu.memref_slice %arg7[%dma_wait3A_51, %dma_wait3A_63, %dma_wait3A_64] : memref<6x128x64xf32, #tpu.memory_space<vmem>> -> memref<1x128x64xf32, #tpu.memory_space<vmem>>
    %dma_wait3A_66 = tpu.memref_squeeze %dma_wait3A_65 : memref<1x128x64xf32, #tpu.memory_space<vmem>> -> memref<128x64xf32, #tpu.memory_space<vmem>>
    tpu.wait_dma2 semaphore(%dma_wait3A_60 : memref<!tpu.dma_semaphore, #tpu.memory_space<semaphore_mem>>) src(%dma_wait3A_66 : memref<128x64xf32, #tpu.memory_space<vmem>>) dst(%dma_wait3A_62 : memref<128x64xf32, #tpu.memory_space<hbm>>)
    %add3A_67 = arith.constant 796 : i32
    %add3A_68 = arith.addi %mul3A_2, %add3A_67 : i32
    %mul3A_69 = arith.constant 128 : i32
    %mul3A_70 = arith.muli %add3A_68, %mul3A_69 : i32
    %dma_wait3A_71 = arith.constant 4 : i32
    %dma_wait3A_72 = arith.constant 4 : i32
    %dma_wait3A_73 = arith.constant 0 : i32
    %dma_wait3A_74 = arith.constant 0 : i32
    %dma_wait3A_75 = tpu.memref_slice %arg7[%dma_wait3A_71, %dma_wait3A_73, %dma_wait3A_74] : memref<6x128x64xf32, #tpu.memory_space<vmem>> -> memref<1x128x64xf32, #tpu.memory_space<vmem>>
    %dma_wait3A_76 = tpu.memref_squeeze %dma_wait3A_75 : memref<1x128x64xf32, #tpu.memory_space<vmem>> -> memref<128x64xf32, #tpu.memory_space<vmem>>
    %dma_wait3A_77 = arith.constant 0 : i32
    %dma_wait3A_78 = tpu.memref_slice %arg4[%mul3A_70, %dma_wait3A_77] : memref<3276800x64xf32, #tpu.memory_space<hbm>> -> memref<128x64xf32, #tpu.memory_space<hbm>>
    %dma_wait3A_79 = tpu.memref_slice %arg8[%dma_wait3A_72] : memref<6x!tpu.dma_semaphore, #tpu.memory_space<semaphore_mem>> -> memref<1x!tpu.dma_semaphore, #tpu.memory_space<semaphore_mem>>
    %dma_wait3A_80 = tpu.memref_squeeze %dma_wait3A_79 : memref<1x!tpu.dma_semaphore, #tpu.memory_space<semaphore_mem>> -> memref<!tpu.dma_semaphore, #tpu.memory_space<semaphore_mem>>
    %dma_wait3A_81 = arith.constant 0 : i32
    %dma_wait3A_82 = tpu.memref_slice %arg4[%mul3A_70, %dma_wait3A_81] : memref<3276800x64xf32, #tpu.memory_space<hbm>> -> memref<128x64xf32, #tpu.memory_space<hbm>>
    %dma_wait3A_83 = arith.constant 0 : i32
    %dma_wait3A_84 = arith.constant 0 : i32
    %dma_wait3A_85 = tpu.memref_slice %arg7[%dma_wait3A_71, %dma_wait3A_83, %dma_wait3A_84] : memref<6x128x64xf32, #tpu.memory_space<vmem>> -> memref<1x128x64xf32, #tpu.memory_space<vmem>>
    %dma_wait3A_86 = tpu.memref_squeeze %dma_wait3A_85 : memref<1x128x64xf32, #tpu.memory_space<vmem>> -> memref<128x64xf32, #tpu.memory_space<vmem>>
    tpu.wait_dma2 semaphore(%dma_wait3A_80 : memref<!tpu.dma_semaphore, #tpu.memory_space<semaphore_mem>>) src(%dma_wait3A_86 : memref<128x64xf32, #tpu.memory_space<vmem>>) dst(%dma_wait3A_82 : memref<128x64xf32, #tpu.memory_space<hbm>>)
    %add3A_87 = arith.constant 797 : i32
    %add3A_88 = arith.addi %mul3A_2, %add3A_87 : i32
    %mul3A_89 = arith.constant 128 : i32
    %mul3A_90 = arith.muli %add3A_88, %mul3A_89 : i32
    %dma_wait3A_91 = arith.constant 5 : i32
    %dma_wait3A_92 = arith.constant 5 : i32
    %dma_wait3A_93 = arith.constant 0 : i32
    %dma_wait3A_94 = arith.constant 0 : i32
    %dma_wait3A_95 = tpu.memref_slice %arg7[%dma_wait3A_91, %dma_wait3A_93, %dma_wait3A_94] : memref<6x128x64xf32, #tpu.memory_space<vmem>> -> memref<1x128x64xf32, #tpu.memory_space<vmem>>
    %dma_wait3A_96 = tpu.memref_squeeze %dma_wait3A_95 : memref<1x128x64xf32, #tpu.memory_space<vmem>> -> memref<128x64xf32, #tpu.memory_space<vmem>>
    %dma_wait3A_97 = arith.constant 0 : i32
    %dma_wait3A_98 = tpu.memref_slice %arg4[%mul3A_90, %dma_wait3A_97] : memref<3276800x64xf32, #tpu.memory_space<hbm>> -> memref<128x64xf32, #tpu.memory_space<hbm>>
    %dma_wait3A_99 = tpu.memref_slice %arg8[%dma_wait3A_92] : memref<6x!tpu.dma_semaphore, #tpu.memory_space<semaphore_mem>> -> memref<1x!tpu.dma_semaphore, #tpu.memory_space<semaphore_mem>>
    %dma_wait3A_100 = tpu.memref_squeeze %dma_wait3A_99 : memref<1x!tpu.dma_semaphore, #tpu.memory_space<semaphore_mem>> -> memref<!tpu.dma_semaphore, #tpu.memory_space<semaphore_mem>>
    %dma_wait3A_101 = arith.constant 0 : i32
    %dma_wait3A_102 = tpu.memref_slice %arg4[%mul3A_90, %dma_wait3A_101] : memref<3276800x64xf32, #tpu.memory_space<hbm>> -> memref<128x64xf32, #tpu.memory_space<hbm>>
    %dma_wait3A_103 = arith.constant 0 : i32
    %dma_wait3A_104 = arith.constant 0 : i32
    %dma_wait3A_105 = tpu.memref_slice %arg7[%dma_wait3A_91, %dma_wait3A_103, %dma_wait3A_104] : memref<6x128x64xf32, #tpu.memory_space<vmem>> -> memref<1x128x64xf32, #tpu.memory_space<vmem>>
    %dma_wait3A_106 = tpu.memref_squeeze %dma_wait3A_105 : memref<1x128x64xf32, #tpu.memory_space<vmem>> -> memref<128x64xf32, #tpu.memory_space<vmem>>
    tpu.wait_dma2 semaphore(%dma_wait3A_100 : memref<!tpu.dma_semaphore, #tpu.memory_space<semaphore_mem>>) src(%dma_wait3A_106 : memref<128x64xf32, #tpu.memory_space<vmem>>) dst(%dma_wait3A_102 : memref<128x64xf32, #tpu.memory_space<hbm>>)
    %add3A_107 = arith.constant 798 : i32
    %add3A_108 = arith.addi %mul3A_2, %add3A_107 : i32
    %mul3A_109 = arith.constant 128 : i32
    %mul3A_110 = arith.muli %add3A_108, %mul3A_109 : i32
    %dma_wait3A_111 = arith.constant 0 : i32
    %dma_wait3A_112 = arith.constant 0 : i32
    %dma_wait3A_113 = arith.constant 0 : i32
    %dma_wait3A_114 = arith.constant 0 : i32
    %dma_wait3A_115 = tpu.memref_slice %arg7[%dma_wait3A_111, %dma_wait3A_113, %dma_wait3A_114] : memref<6x128x64xf32, #tpu.memory_space<vmem>> -> memref<1x128x64xf32, #tpu.memory_space<vmem>>
    %dma_wait3A_116 = tpu.memref_squeeze %dma_wait3A_115 : memref<1x128x64xf32, #tpu.memory_space<vmem>> -> memref<128x64xf32, #tpu.memory_space<vmem>>
    %dma_wait3A_117 = arith.constant 0 : i32
    %dma_wait3A_118 = tpu.memref_slice %arg4[%mul3A_110, %dma_wait3A_117] : memref<3276800x64xf32, #tpu.memory_space<hbm>> -> memref<128x64xf32, #tpu.memory_space<hbm>>
    %dma_wait3A_119 = tpu.memref_slice %arg8[%dma_wait3A_112] : memref<6x!tpu.dma_semaphore, #tpu.memory_space<semaphore_mem>> -> memref<1x!tpu.dma_semaphore, #tpu.memory_space<semaphore_mem>>
    %dma_wait3A_120 = tpu.memref_squeeze %dma_wait3A_119 : memref<1x!tpu.dma_semaphore, #tpu.memory_space<semaphore_mem>> -> memref<!tpu.dma_semaphore, #tpu.memory_space<semaphore_mem>>
    %dma_wait3A_121 = arith.constant 0 : i32
    %dma_wait3A_122 = tpu.memref_slice %arg4[%mul3A_110, %dma_wait3A_121] : memref<3276800x64xf32, #tpu.memory_space<hbm>> -> memref<128x64xf32, #tpu.memory_space<hbm>>
    %dma_wait3A_123 = arith.constant 0 : i32
    %dma_wait3A_124 = arith.constant 0 : i32
    %dma_wait3A_125 = tpu.memref_slice %arg7[%dma_wait3A_111, %dma_wait3A_123, %dma_wait3A_124] : memref<6x128x64xf32, #tpu.memory_space<vmem>> -> memref<1x128x64xf32, #tpu.memory_space<vmem>>
    %dma_wait3A_126 = tpu.memref_squeeze %dma_wait3A_125 : memref<1x128x64xf32, #tpu.memory_space<vmem>> -> memref<128x64xf32, #tpu.memory_space<vmem>>
    tpu.wait_dma2 semaphore(%dma_wait3A_120 : memref<!tpu.dma_semaphore, #tpu.memory_space<semaphore_mem>>) src(%dma_wait3A_126 : memref<128x64xf32, #tpu.memory_space<vmem>>) dst(%dma_wait3A_122 : memref<128x64xf32, #tpu.memory_space<hbm>>)
    %add3A_127 = arith.constant 799 : i32
    %add3A_128 = arith.addi %mul3A_2, %add3A_127 : i32
    %mul3A_129 = arith.constant 128 : i32
    %mul3A_130 = arith.muli %add3A_128, %mul3A_129 : i32
    %dma_wait3A_131 = arith.constant 1 : i32
    %dma_wait3A_132 = arith.constant 1 : i32
    %dma_wait3A_133 = arith.constant 0 : i32
    %dma_wait3A_134 = arith.constant 0 : i32
    %dma_wait3A_135 = tpu.memref_slice %arg7[%dma_wait3A_131, %dma_wait3A_133, %dma_wait3A_134] : memref<6x128x64xf32, #tpu.memory_space<vmem>> -> memref<1x128x64xf32, #tpu.memory_space<vmem>>
    %dma_wait3A_136 = tpu.memref_squeeze %dma_wait3A_135 : memref<1x128x64xf32, #tpu.memory_space<vmem>> -> memref<128x64xf32, #tpu.memory_space<vmem>>
    %dma_wait3A_137 = arith.constant 0 : i32
    %dma_wait3A_138 = tpu.memref_slice %arg4[%mul3A_130, %dma_wait3A_137] : memref<3276800x64xf32, #tpu.memory_space<hbm>> -> memref<128x64xf32, #tpu.memory_space<hbm>>
    %dma_wait3A_139 = tpu.memref_slice %arg8[%dma_wait3A_132] : memref<6x!tpu.dma_semaphore, #tpu.memory_space<semaphore_mem>> -> memref<1x!tpu.dma_semaphore, #tpu.memory_space<semaphore_mem>>
    %dma_wait3A_140 = tpu.memref_squeeze %dma_wait3A_139 : memref<1x!tpu.dma_semaphore, #tpu.memory_space<semaphore_mem>> -> memref<!tpu.dma_semaphore, #tpu.memory_space<semaphore_mem>>
    %dma_wait3A_141 = arith.constant 0 : i32
    %dma_wait3A_142 = tpu.memref_slice %arg4[%mul3A_130, %dma_wait3A_141] : memref<3276800x64xf32, #tpu.memory_space<hbm>> -> memref<128x64xf32, #tpu.memory_space<hbm>>
    %dma_wait3A_143 = arith.constant 0 : i32
    %dma_wait3A_144 = arith.constant 0 : i32
    %dma_wait3A_145 = tpu.memref_slice %arg7[%dma_wait3A_131, %dma_wait3A_143, %dma_wait3A_144] : memref<6x128x64xf32, #tpu.memory_space<vmem>> -> memref<1x128x64xf32, #tpu.memory_space<vmem>>
    %dma_wait3A_146 = tpu.memref_squeeze %dma_wait3A_145 : memref<1x128x64xf32, #tpu.memory_space<vmem>> -> memref<128x64xf32, #tpu.memory_space<vmem>>
    tpu.wait_dma2 semaphore(%dma_wait3A_140 : memref<!tpu.dma_semaphore, #tpu.memory_space<semaphore_mem>>) src(%dma_wait3A_146 : memref<128x64xf32, #tpu.memory_space<vmem>>) dst(%dma_wait3A_142 : memref<128x64xf32, #tpu.memory_space<hbm>>)
    return
  }
}

</mosaic_0001>

<sc_bundles>
// kernel: kernel.3.cloned.1.call-start
scs
__scs_entry_jumppad:
0x0: {  	(pc) =	sbr.rel $0x88, $3  }
0x1: {  	(tag) =	ssettag $0x0;
	lr =	simm.s32 $0x1  }
0x2: {  	[smem:$0x3F9F] =	sst lr;
	_ =	strace $0xD0000000  }
0x3: {  	_ = 	snop  }
0x4: {  	_ = 	snop  }
0x5: {  	_ = 	snop  }
0x6: {  	_ = 	snop  }
0x7: {  	_ = 	snop  }
__scs_overlays_trampoline_lowered:
0x8: {  	[smem:$0x3FAE] =	sst s0  }
0x9: {  	[smem:$0x3FAF] =	sst s1  }
0xa: {  	[smem:$0x3FB0] =	sst s2  }
0xb: {  	[smem:$0x3FB1] =	sst s3  }
0xc: {  	[smem:$0x3FB2] =	sst s4  }
0xd: {  	[smem:$0x3FB3] =	sst s5  }
0xe: {  	[smem:$0x3FB4] =	sst s6  }
0xf: {  	[smem:$0x3FB5] =	sst s7  }
0x10: {  	[smem:$0x3FB6] =	sst s8  }
0x11: {  	[smem:$0x3FB7] =	sst s9;
	s0 =	simm.s32 @!p0 $0x0  }
0x12: {  	s1 =	sld [smem:$0x3F9D];
	s0 =	simm.s32 @p0 $0x1  }
0x13: {  	[smem:$0x3FB8] =	sst s0;
	s0 =	simm.s32 @!p1 $0x0  }
0x14: {  	s2 =	sld [smem:$0x3F9C];
	s0 =	simm.s32 @p1 $0x1  }
0x15: {  	[smem:$0x3FB9] =	sst s0;
	s0 =	simm.s32 @!p2 $0x0  }
0x16: {  	s3 =	sld [smem:$0x3FDB];
	s0 =	simm.s32 @p2 $0x1  }
0x17: {  	s4 =	simm.s32 $0x1BF5;
	[smem:$0x3FBB] =	sst s0  }
0x18: {  	s0 =	sld [smem:$0x3F9E];
	_ =	swait.ge [sflag:s4], $0x0  }
0x19: {  	s7 =	sld [smem:$0x3F9F]  }
0x1a: {  	s8 =	sadd.s32 $0xFFFFE003, lr  }
0x1b: {  	s9 =	sadd.s32 $0xFFFFFEF7, lr;
	s5 =	simm.s32 $0xFFFFFFFF;
	p2 =	slt.u32 s8, $0xFFFFF086  }
0x1c: {  	p1 =	slt.u32 s9, $0xF7A;
	s5 =	simm.s32 @!p2 $0x0  }
0x1d: {  	s5 =	simm.s32 @p1 $0x1;
	p0 =	seq.s32 s7, s2  }
0x1e: {  	s7 =	smul.u32 @!p0 $0xF7A, s2;
	p2 =	seq.s32 @!p0 s5, $0x0  }
0x1f: {  	s9 =	smul.u32 $0xF7A, s1;
	s8 =	simm.s32 @!p0 $0x1BF5;
	p2 =	por !p2, p0  }
0x20: {  	[sflag:s8] =	ssyncset.s32 @!p0 $0xFFFFF086;
	s6 =	sadd.s32 @!p0 s3, s7;
	s7 =	simm.s32 @!p0 $0x108  }
0x21: {  	s3 =	sadd.s32 s3, s9;
	s6 =	sadd.s32 @!p0 $0x88, s6;
	s7 =	simm.s32 @p2 $0x1082  }
0x22: {  	[simem:s7], [sflag:s8] =	dma.local @!p0 [hbm:s6], $0xF7A  }
0x23: {  	s9 =	sor.u32 $0xD0000000, s2;
	s6 =	simm.s32 $0x108;
	_ =	swait.ge @!p0 [sflag:s8], $0x0  }
0x24: {  	s3 =	sadd.s32 $0x88, s3;
	s6 =	simm.s32 @!p1 $0x1082;
	[sflag:s4] =	ssyncset.s32 $0xFFFFF086  }
0x25: {  	[simem:s6], [sflag:s4] =	dma.local [hbm:s3], $0xF7A  }
0x26: {  	[smem:$0x3F9F] =	sst s1;
	(tag) =	ssettag s2;
	_ =	strace s9  }
0x27: {  	s1 =	sld [smem:$0x3FAF]  }
0x28: {  	s2 =	sld [smem:$0x3FB0]  }
0x29: {  	s4 =	sld [smem:$0x3FB2]  }
0x2a: {  	p0 =	seq.s32 s5, $0x0;
	s5 =	sld [smem:$0x3FB3]  }
0x2b: {  	s6 =	sld [smem:$0x3FB4]  }
0x2c: {  	s7 =	sld [smem:$0x3FB5]  }
0x2d: {  	s3 =	simm.s32 $0x108;
	s8 =	sld [smem:$0x3FB6]  }
0x2e: {  	s3 =	simm.s32 @!p0 $0x1082;
	s9 =	sld [smem:$0x3FB7]  }
0x2f: {  	lr =	sadd.s32 s0, s3;
	s0 =	sld [smem:$0x3FAE]  }
0x30: {  	s3 =	sld [smem:$0x3FB1]  }
0x31: {  	[smem:$0x3FBA] =	sst s10  }
0x32: {  	s10 =	sld [smem:$0x3FB8];
	_ =	sdelay $0x3  }
0x33: {  	p0 =	seq.s32 s10, $0x1;
	s10 =	sld [smem:$0x3FBA];
	_ =	sdelay $0x3  }
0x34: {  	[smem:$0x3FBA] =	sst s10  }
0x35: {  	s10 =	sld [smem:$0x3FB9];
	_ =	sdelay $0x3  }
0x36: {  	p1 =	seq.s32 s10, $0x1;
	s10 =	sld [smem:$0x3FBA];
	_ =	sdelay $0x3  }
0x37: {  	[smem:$0x3FBA] =	sst s10  }
0x38: {  	s10 =	sld [smem:$0x3FBB]  }
0x39: {  	_ = 	snop;
	(pc) =	sbr.ind lr, $3  }
0x3a: {  	_ = 	snop  }
0x3b: {  	_ = 	snop  }
0x3c: {  	p2 =	seq.s32 s10, $0x1;
	s10 =	sld [smem:$0x3FBA]  }
0x3d: {  	_ =	shalt  }
0x3e: {  	_ =	shalt  }
0x3f: {  	_ =	shalt  }
0x40: {  	_ =	shalt  }
0x41: {  	_ =	shalt  }
0x42: {  	_ =	shalt  }
0x43: {  	_ =	shalt  }
0x44: {  	_ =	shalt  }
0x45: {  	_ =	shalt  }
0x46: {  	_ =	shalt  }
0x47: {  	_ =	shalt  }
0x48: {  	_ =	shalt  }
0x49: {  	_ =	shalt  }
0x4a: {  	_ =	shalt  }
0x4b: {  	_ =	shalt  }
0x4c: {  	_ =	shalt  }
0x4d: {  	_ =	shalt  }
0x4e: {  	_ =	shalt  }
0x4f: {  	_ =	shalt  }
0x50: {  	_ =	shalt  }
0x51: {  	_ =	shalt  }
0x52: {  	_ =	shalt  }
0x53: {  	_ =	shalt  }
0x54: {  	_ =	shalt  }
0x55: {  	_ =	shalt  }
0x56: {  	_ =	shalt  }
0x57: {  	_ =	shalt  }
0x58: {  	_ =	shalt  }
0x59: {  	_ =	shalt  }
0x5a: {  	_ =	shalt  }
0x5b: {  	_ =	shalt  }
0x5c: {  	_ =	shalt  }
0x5d: {  	_ =	shalt  }
0x5e: {  	_ =	shalt  }
0x5f: {  	_ =	shalt  }
0x60: {  	_ =	shalt  }
0x61: {  	_ =	shalt  }
0x62: {  	_ =	shalt  }
0x63: {  	_ =	shalt  }
0x64: {  	_ =	shalt  }
0x65: {  	_ =	shalt  }
0x66: {  	_ =	shalt  }
0x67: {  	_ =	shalt  }
0x68: {  	_ =	shalt  }
0x69: {  	_ =	shalt  }
0x6a: {  	_ =	shalt  }
0x6b: {  	_ =	shalt  }
0x6c: {  	_ =	shalt  }
0x6d: {  	_ =	shalt  }
0x6e: {  	_ =	shalt  }
0x6f: {  	_ =	shalt  }
0x70: {  	_ =	shalt  }
0x71: {  	_ =	shalt  }
0x72: {  	_ =	shalt  }
0x73: {  	_ =	shalt  }
0x74: {  	_ =	shalt  }
0x75: {  	_ =	shalt  }
0x76: {  	_ =	shalt  }
0x77: {  	_ =	shalt  }
0x78: {  	_ =	shalt  }
0x79: {  	_ =	shalt  }
0x7a: {  	_ =	shalt  }
0x7b: {  	_ =	shalt  }
0x7c: {  	_ =	shalt  }
0x7d: {  	_ =	shalt  }
0x7e: {  	_ =	shalt  }
0x7f: {  	_ =	shalt  }
0x80: {  	_ =	shalt  }
0x81: {  	_ =	shalt  }
0x82: {  	_ =	shalt  }
0x83: {  	_ =	shalt  }
0x84: {  	_ =	shalt  }
0x85: {  	_ =	shalt  }
0x86: {  	_ =	shalt  }
0x87: {  	_ =	shalt  }
.Lfunc_end0:
.L_simem_size_0:
called_computation.1_lowered:
.L_overlay_start_0:
0x88: {  	s2 =	sld [smem:$0x3FD9]  }
0x89: {  	s3 =	sld [smem:$0x3FFE];
	_ =	sdelay $0x1  }
0x8a: {  	s1 =	srdreg.scid  }
0x8b: {  	s0 =	sand.u32 $0x1, s1  }
0x8c: {  	s17 =	sshll.u32 s0, $0xA;
	s2 =	sadd.s32 s3, s2  }
0x8d: {  	s2 =	sadd.s32 s2, s17  }
0x8e: {  	[smem:$0x3FC6] =	sst s2  }
0x8f: {  	_ = 	snop  }
0x90: {  	s2 =	sld [smem:$0x3FD0];
	(tm) =	ssettm $0x1  }
0x91: {  	s18 =	sld [smem:$0x3FFB];
	_ =	sdelay $0x3  }
0x92: {  	_ =	strace s18  }
0x93: {  	s3 =	sld [smem:$0x3FFC];
	_ =	sdelay $0x3  }
0x94: {  	_ =	strace s3  }
0x95: {  	s3 =	sld [smem:$0x3FFD];
	_ =	sdelay $0x3  }
0x96: {  	_ =	strace s3  }
0x97: {  	_ =	strace $0x8FFFFFFF  }
0x98: {  	s19 =	sld [smem:$0x3FDB];
	_ =	sdelay $0x1  }
0x99: {  	s4 =	simm.s32 $_scs_section_size  }
0x9a: {  	s5 =	simm.s32 $_size__tile_overlayer_lowered;
	s6 =	simm.s32 $_tile_overlayer_lowered  }
0x9b: {  	s22 =	simm.s32 $0x1BFF;
	s21 =	sshll.u32 s6, $0x1;
	s3 =	sadd.s32 s4, s19  }
0x9c: {  	s7 =	simm.s32 $0x0;
	s20 =	sshll.u32 s5, $0x1;
	s5 =	sadd.s32 s21, s3  }
0x9d: {  	[timem:s7], [sflag:s22] =	dma.local [hbm:s5], s20  }
0x9e: {  	_ =	swait.ge [sflag:s22], s20  }
0x9f: {  	s4 =	ssub.s32 $0x0, s20;
	[sflag:s22] =	ssyncset.done $0x0  }
0xa0: {  	[sflag:s22] =	ssyncadd.s32 s4;
	_ =	sdelay $0x1  }
0xa1: {  	s23 =	simm.s32 $0x1B8B  }
0xa2: {  	_ =	swait.ge [sflag:s23], $0x1  }
0xa3: {  	[sflag:s23] =	ssyncset.done $0x0  }
0xa4: {  	s25 =	simm.s32 $0x1B8E;
	s24 =	sld [smem:$0x3FFE];
	[sflag:s23] =	ssyncadd.s32 $0xFFFFFFFF  }
0xa5: {  	s26 =	simm.s32 $execute0_lowered;
	[smem:$0x3FD2] =	sst s25  }
0xa6: {  	s5 =	sshll.u32 s26, $0x1;
	_ =	strace $0x80000046;
	[dreg:$0x1] =	wrdreg $0xFFFFFFFF  }
0xa7: {  	s28 =	simm.s32 $_size_execute0_lowered;
	s3 =	sadd.s32 s3, s5;
	[dreg:$0x0] =	wrdreg $0x0  }
0xa8: {  	s5 =	sshll.u32 s28, $0x1;
	[dreg:$0x2] =	wrdreg s3  }
0xa9: {  	[dreg:$0x3] =	wrdreg s5  }
0xaa: {  	[dreg:$0x4] =	wrdreg $0xC0  }
0xab: {  	_ =	task [dreg:s7], $0x5FFFF  }
0xac: {  	[dreg:$0x1] =	wrdreg $0xFFFFFFFF  }
0xad: {  	[dreg:$0x0] =	wrdreg $0x60  }
0xae: {  	[dreg:$0x2] =	wrdreg s24  }
0xaf: {  	[dreg:$0x3] =	wrdreg s2  }
0xb0: {  	[dreg:$0x4] =	wrdreg $0x9  }
0xb1: {  	_ =	task.clear_ibuf [dreg:s7], $0x5FFFF;
	_ =	strace $0x90000046  }
0xb2: {  	s29 =	simm.s32 $0x9;
	_ =	strace $0x80000048  }
0xb3: {  	_ =	swait.ge [sflag:s29], $0x1  }
0xb4: {  	[sflag:s29] =	ssyncadd.s32 $0xFFFFFFFF  }
0xb5: {  	_ =	strace $0x90000048  }
0xb6: {  	_ =	sfence  }
0xb7: {  	s30 =	sld [smem:$0x0];
	_ =	sdelay $0x2  }
0xb8: {  	s31 =	sshll.u32 s1, $0xD;
	s1 =	sshrl.u32 s1, $0x2  }
0xb9: {  	s3 =	sand.u32 $0x4000, s31;
	s1 =	sadd.s32 s1, s30  }
0xba: {  	s0 =	sor.u32 s3, s0;
	s1 =	sshll.u32 s1, $0x11  }
0xbb: {  	s0 =	sor.u32 s1, s0  }
0xbc: {  	s0 =	sadd.s32 $0x8F2B, s0  }
0xbd: {  	[sflag:s0] =	ssyncadd.remote.s32 $0x1  }
0xbe: {  	_ =	sfence.sel $0xFFFF  }
0xbf: {  	[dreg:$0x0] =	wrdreg $0xFFFFFFFF;
	(pc) =	sbr.abs _section_cstart, $3  }
0xc0: {  	[dreg:$0x1] =	wrdreg $0xFFFFFFFF  }
0xc1: {  	_ =	task.clear_ibuf [dreg:s7], $0x2FFFF;
	_ =	strace $0x9FFFFFFF  }
0xc2: {  	(tm) =	ssettm $0x7FFFFFFF  }
0xc3: {  	_ =	shalt  }
tec
execute0_lowered:
.L_overlay_start_1:
0x0: {  	(tag) =	ssettag $0x1  }
0x1: {  	s0 =	rddreg [dreg:$0x0]  }
0x2: {  	s1 =	srdreg.scid;
	s2 =	stileid.u32  }
0x3: {  	s3 =	simm.s32 $0x0;
	s1 =	sand.u32 $0x1, s1;
	s2 =	sshll.u32 s2, $0x1  }
0x4: {  	[smem:$0x7FF] =	sst s3;
	s2 =	sor.u32 s1, s2  }
0x5: {  	s5 =	sadd.s32 $0xC00, s0;
	s0 =	sadd.s32 $0x800, s0;
	s28 =	smul.u32 $0x3200, s2  }
0x6: {  	_ =	strace $0x80000047;
	[dreg:$0xe] =	wrdreg s0;
	s2 =	smul.u32 $0x320, s2  }
0x7: {  	s1 =	ssub.s32 $0x2, s1;
	[dreg:$0xc] =	wrdreg s5  }
0x8: {  	s4 =	sshrl.u32 s1, $0x1;
	s30 =	sadd.s32 s5, s28;
	[dreg:$0xd] =	wrdreg s2  }
0x9: {  	s29 =	ssub.s32 s1, s4;
	s31 =	sor.u32 $0x10, s2;
	[dreg:$0xf] =	wrdreg s30  }
0xa: {  	s0 =	smax.u32 s29, $0x1;
	[dreg:$0x10] =	wrdreg s31  }
0xb: {  	s2 =	simm.s32 $0x0;
	[dreg:$0x11] =	wrdreg s0  }
.LBB2_1:
0xc: {  	[dreg:$0x12] =	wrdreg s2  }
0xd: {  	s0 =	simm.s32 $0x0;
	s1 =	rddreg [dreg:$0xe];
	s29 =	simm.s32 $0x9  }
0xe: {  	[tilespmem:s0], [sflag:$0x9] =	stream.linear.gather [hbm4b:s1+s0], $0x1900, $0x38;
	[tilespmem:$0xE900] =	vst v63  }
0xf: {  	s31 =	simm.s32 $0x1900;
	s5 =	simm.s32 $0x0;
	_ =	swait.ge [sflag:s29], $0x1900  }
0x10: {  	s6 =	simm.s32 $0x0;
	s7 =	simm.s32 $0x0;
	[sflag:s29] =	ssyncset.done $0x0  }
0x11: {  	s8 =	simm.s32 $0x0;
	s30 =	rddreg [dreg:$0xf];
	[sflag:s29] =	ssyncadd.s32 $0xFFFFE700  }
0x12: {  	[tilespmem:s31], [sflag:$0x7] =	stream.linear.gather [hbm4b:s30+s0], $0x800, $0x38;
	[tilespmem:$0xE900] =	vst v63  }
.LBB2_2:
0x13: {  	s0 =	smul.u32 $0xAAAB, s8;
	_ =	sdelay $0x1  }
0x14: {  	s0 =	sshrl.u32 s0, $0x12  }
0x15: {  	s0 =	smul.u32 $0x6, s0;
	_ =	sdelay $0x1  }
0x16: {  	p0 =	slt.u32 s8, $0x6;
	s2 =	ssub.s32 s8, s0  }
0x17: {  	s0 =	sand.u32 @!p0 $0xFFFF, s2  }
0x18: {  	p1 =	seq.s32 @!p0 s0, $0x0  }
0x19: {  	p4 =	por p0, !p1  }
0x1a: {  	p0 =	slt.u32 @p4 s8, $0x6  }
0x1b: {  	p1 =	por p0, !p4  }
0x1c: {  	s0 =	sand.u32 @!p1 $0xFFFF, s2  }
0x1d: {  	p1 =	seq.s32 @!p1 s0, $0x1  }
0x1e: {  	p0 =	por @p4 p0, !p1  }
0x1f: {  	p2 =	por !p4, !p0  }
0x20: {  	p0 =	slt.u32 @!p2 s8, $0x6  }
0x21: {  	p1 =	por p0, p2  }
0x22: {  	s0 =	sand.u32 @!p1 $0xFFFF, s2  }
0x23: {  	p1 =	seq.s32 @!p1 s0, $0x2  }
0x24: {  	p0 =	por @!p2 p0, !p1  }
0x25: {  	p3 =	por p2, !p0  }
0x26: {  	p0 =	slt.u32 @!p3 s8, $0x6  }
0x27: {  	p1 =	por p0, p3  }
0x28: {  	s0 =	sand.u32 @!p1 $0xFFFF, s2  }
0x29: {  	p1 =	seq.s32 @!p1 s0, $0x3  }
0x2a: {  	p0 =	por @!p3 p0, !p1  }
0x2b: {  	p6 =	por p3, !p0  }
0x2c: {  	s0 =	simm.s32 @!p3 $0x0;
	p0 =	slt.u32 @!p6 s8, $0x6  }
0x2d: {  	s0 =	simm.s32 @p3 $0x1;
	p1 =	por p0, p6  }
0x2e: {  	[smem:$0x7FD] =	sst s0;
	s0 =	sand.u32 @!p1 $0xFFFF, s2  }
0x2f: {  	p1 =	seq.s32 @!p1 s0, $0x4  }
0x30: {  	p0 =	por @!p6 p0, !p1  }
0x31: {  	p0 =	por p6, !p0  }
0x32: {  	p5 =	slt.u32 @!p0 s8, $0x6  }
0x33: {  	p1 =	por p5, p0  }
0x34: {  	s0 =	sand.u32 @!p1 $0xFFFF, s2  }
0x35: {  	p1 =	sne.s32 @!p1 s0, $0x5  }
0x36: {  	p1 =	por @!p0 p5, p1  }
0x37: {  	p1 =	por p0, !p1  }
.Ltmp0:
0x38: {  	_ = 	snop;
	(pc) =	sbr.rel @!p1 .LBB2_3-.Ltmp0, $2  }
0x39: {  	_ =	sdelay $0x2  }
0x3a: {  	[dreg:$0x17] =	wrdreg s2  }
0x3b: {  	p1 =	por @p4 $0x0, $0x0;
	p5 =	por $0x0, $0x0  }
0x3c: {  	p1 =	por @!p4 p5, p5  }
0x3d: {  	s1 =	simm.s32 @!p1 $0x0  }
0x3e: {  	s1 =	simm.s32 @p1 $0x1  }
0x3f: {  	[smem:$0x7F8] =	sst s1  }
0x40: {  	s1 =	sld [smem:$0x7F8];
	_ =	sdelay $0x2  }
0x41: {  	p1 =	seq.s32 s1, $0x1;
	s1 =	simm.s32 @!p4 $0x0  }
0x42: {  	s1 =	simm.s32 @p4 $0x1  }
0x43: {  	[smem:$0x7F7] =	sst s1  }
0x44: {  	s1 =	sld [smem:$0x7F7]  }
0x45: {  	s0 =	simm.s32 $0x1  }
0x46: {  	p5 =	por @p4 $0x1, $0x1;
	s0 =	simm.s32 @p4 $0x2  }
0x47: {  	s26 =	sld [smem:$0x7F8];
	p4 =	por $0x0, $0x0;
	p3 =	seq.s32 s1, $0x1  }
0x48: {  	p5 =	por @!p3 p4, p4;
	p4 =	por @!p2 $0x0, $0x0  }
0x49: {  	s1 =	simm.s32 @!p0 $0x0;
	p1 =	por @!p2 p4, p4;
	p4 =	por @!p2 $0x0, $0x0  }
0x4a: {  	p3 =	por @!p2 $0x1, $0x1;
	p5 =	por @!p2 p4, p4;
	p4 =	seq.s32 s26, $0x1  }
0x4b: {  	s28 =	sld [smem:$0x7FD];
	s1 =	simm.s32 @p0 $0x1;
	p4 =	por @!p2 p3, p3  }
0x4c: {  	[smem:$0x7F9] =	sst s1;
	s1 =	simm.s32 @!p4 $0x0  }
0x4d: {  	s1 =	simm.s32 @p4 $0x1  }
0x4e: {  	p0 =	por p6, p6;
	p6 =	seq.s32 s28, $0x1;
	[smem:$0x7F8] =	sst s1  }
0x4f: {  	s0 =	simm.s32 @!p2 $0x3;
	p2 =	por @!p6 $0x1, $0x1;
	s1 =	sld [smem:$0x7F8]  }
0x50: {  	p4 =	por p1, p1;
	p1 =	por @!p6 p2, p2;
	p2 =	por @!p6 $0x0, $0x0  }
0x51: {  	p4 =	por @!p6 p2, p2;
	p2 =	por @!p6 $0x0, $0x0  }
0x52: {  	p3 =	por @!p6 $0x0, $0x0;
	p5 =	por @!p6 p2, p2;
	p2 =	seq.s32 s1, $0x1  }
0x53: {  	p2 =	por @!p6 p3, p3  }
0x54: {  	s1 =	simm.s32 @!p2 $0x0  }
0x55: {  	s1 =	simm.s32 @p2 $0x1  }
0x56: {  	[smem:$0x7F8] =	sst s1;
	s1 =	simm.s32 @!p4 $0x0  }
0x57: {  	s1 =	simm.s32 @p4 $0x1  }
0x58: {  	[smem:$0x7FA] =	sst s1  }
0x59: {  	s1 =	sld [smem:$0x7FA];
	_ =	sdelay $0x2  }
0x5a: {  	p2 =	por @!p0 $0x0, $0x0;
	p3 =	seq.s32 s1, $0x1  }
0x5b: {  	p3 =	por @!p0 p2, p2  }
0x5c: {  	s29 =	sld [smem:$0x7F8];
	s1 =	simm.s32 @!p3 $0x0  }
0x5d: {  	s30 =	sld [smem:$0x7F9];
	s1 =	simm.s32 @p3 $0x1;
	p3 =	por @!p0 $0x0, $0x0  }
0x5e: {  	p2 =	por @!p0 $0x0, $0x0;
	[smem:$0x7FA] =	sst s1;
	p1 =	por @!p0 p3, p3  }
0x5f: {  	p5 =	por @!p0 p3, p3;
	p3 =	seq.s32 s29, $0x1;
	s31 =	sld [smem:$0x7FA]  }
0x60: {  	s0 =	simm.s32 @!p6 $0x4;
	p3 =	por @!p0 p2, p2;
	p2 =	por @!p0 $0x1, $0x1  }
0x61: {  	s0 =	simm.s32 @!p0 $0x5;
	p4 =	por @!p0 p2, p2;
	p0 =	seq.s32 s30, $0x1  }
0x62: {  	p2 =	por @!p0 $0x1, $0x1;
	p6 =	seq.s32 s31, $0x1  }
0x63: {  	p6 =	por @!p0 p2, p2  }
0x64: {  	p2 =	por @!p0 $0x0, $0x0;
	s1 =	simm.s32 @!p6 $0x0  }
0x65: {  	s0 =	simm.s32 @!p0 $0x6;
	p1 =	por @!p0 p2, p2;
	s1 =	simm.s32 @p6 $0x1  }
.Ltmp1:
0x66: {  	[smem:$0x7FA] =	sst s1;
	s1 =	simm.s32 @!p1 $0x0;
	(pc) =	sbr.rel .LBB2_5-.Ltmp1, $4  }
0x67: {  	p4 =	por @!p0 p2, p2;
	_ =	swait.ge [sflag:s0], $0x2000;
	s1 =	simm.s32 @p1 $0x1  }
0x68: {  	p5 =	por @!p0 p2, p2;
	[smem:$0x7FB] =	sst s1;
	s1 =	simm.s32 @!p4 $0x0  }
0x69: {  	p1 =	por p3, p3;
	[sflag:s0] =	ssyncset.done $0x0;
	s1 =	simm.s32 @p4 $0x1  }
0x6a: {  	p1 =	por @!p0 p2, p2;
	[sflag:s0] =	ssyncadd.s32 $0xFFFFE000;
	[smem:$0x7FC] =	sst s1  }
.LBB2_3:
0x6b: {  	s31 =	sld [smem:$0x7FD]  }
0x6c: {  	s0 =	sand.u32 @p4 $0xFFFF, s2  }
0x6d: {  	s1 =	sand.u32 @!p2 $0xFFFF, s2;
	p1 =	seq.s32 @p4 s0, $0x1  }
0x6e: {  	p4 =	seq.s32 @!p2 s1, $0x2;
	s0 =	sand.u32 @!p0 $0xFFFF, s2;
	p3 =	seq.s32 s31, $0x1  }
0x6f: {  	p2 =	seq.s32 @!p0 s0, $0x5;
	p0 =	por !p5, p0;
	s0 =	sand.u32 @!p3 $0xFFFF, s2  }
0x70: {  	p2 =	por @!p0 p2, p2;
	p3 =	seq.s32 @!p3 s0, $0x3  }
0x71: {  	s1 =	simm.s32 @!p2 $0x0;
	s0 =	sand.u32 @!p6 $0xFFFF, s2;
	p3 =	por @!p0 p3, p3  }
0x72: {  	s1 =	simm.s32 @p2 $0x1;
	p2 =	seq.s32 @!p6 s0, $0x4;
	s0 =	simm.s32 @!p3 $0x0  }
0x73: {  	p2 =	por @!p0 p2, p2;
	s0 =	simm.s32 @p3 $0x1  }
0x74: {  	p1 =	por @!p0 p1, p1;
	[smem:$0x7FB] =	sst s0;
	s0 =	simm.s32 @!p2 $0x0  }
0x75: {  	p4 =	por @!p0 p4, p4;
	[smem:$0x7FA] =	sst s1;
	s0 =	simm.s32 @p2 $0x1  }
0x76: {  	p5 =	por p1, p1;
	p1 =	por p4, p4;
	[smem:$0x7FC] =	sst s0  }
.LBB2_5:
0x77: {  	s0 =	sand.u32 $0xF, s8  }
0x78: {  	p0 =	sne.s32 s0, $0x0  }
0x79: {  	s0 =	sand.u32 @!p0 $0x10, s8  }
0x7a: {  	p2 =	sne.s32 @!p0 s0, $0x0  }
0x7b: {  	p3 =	por !p2, p0  }
0x7c: {  	p4 =	sgt.u32 @!p3 s8, $0x30F;
	s0 =	simm.s32 @!p3 $0x8  }
0x7d: {  	p4 =	por @!p0 p4, !p2;
	_ =	swait.ge @!p3 [sflag:s0], $0x800  }
0x7e: {  	p4 =	por p4, p0;
	s4 =	rddreg [dreg:$0x10]  }
0x7f: {  	s1 =	sadd.s32 @!p4 s8, s4  }
0x80: {  	[sflag:s0] =	ssyncset.done @!p3 $0x0;
	s3 =	rddreg [dreg:$0xc];
	s1 =	sshll.u32 @!p4 s1, $0x4  }
0x81: {  	[sflag:s0] =	ssyncadd.s32 @!p3 $0xFFFFF800;
	s2 =	simm.s32 @!p4 $0x1900;
	s0 =	sand.u32 @!p4 $0x1FFFFE00, s1  }
0x82: {  	p3 =	por p2, p0;
	s1 =	simm.s32 @!p4 $0x0;
	s0 =	sadd.s32 @!p4 s3, s0  }
0x83: {  	[tilespmem:s2], [sflag:$0x7] =	stream.linear.gather @!p4 [hbm4b:s0+s1], $0x800, $0x38;
	[tilespmem:$0xE900] =	vst v63  }
0x84: {  	p4 =	sgt.u32 @!p3 s8, $0x30F  }
0x85: {  	s23 =	sand.u32 $0x1F, s7;
	p2 =	por @!p0 p4, p2  }
0x86: {  	[dreg:$0x15] =	wrdreg s7;
	s0 =	simm.s32 @!p3 $0x7;
	p0 =	por p2, p0  }
0x87: {  	s1 =	sshll.u32 s23, $0x7;
	_ =	swait.ge @!p3 [sflag:s0], $0x800;
	s2 =	sadd.s32 @!p0 s8, s4  }
0x88: {  	[dreg:$0x16] =	wrdreg s8;
	[sflag:s0] =	ssyncset.done @!p3 $0x0;
	s2 =	sshll.u32 @!p0 s2, $0x4  }
0x89: {  	s1 =	sadd.s32 $0x1910, s1;
	[sflag:s0] =	ssyncadd.s32 @!p3 $0xFFFFF800;
	s0 =	sand.u32 @!p0 $0x1FFFFF00, s2  }
0x8a: {  	s2 =	simm.s32 @!p0 $0x0;
	s0 =	sadd.s32 @!p0 s3, s0;
	s3 =	simm.s32 @!p0 $0x2100  }
0x8b: {  	[tilespmem:s3], [sflag:$0x8] =	stream.linear.gather @!p0 [hbm4b:s0+s2], $0x800, $0x38;
	[tilespmem:$0xE900] =	vst v63  }
0x8c: {  	v0 =	vld [tilespmem:s1+$0x0];
	_ =	sdelay $0x2  }
0x8d: {  	v1 =	vld [tilespmem:s1+$0xFFFFFFF0];
	_ =	sdelay $0x1  }
0x8e: {  	v0 =	vshll.u32 v0, $0x8  }
0x8f: {  	v2 =	vshra.s32 v0, $0x2  }
0x90: {  	(v2sf) =	vpush v2, $0x0  }
0x91: {  	v0 =	vshll.u32 v1, $0x8  }
0x92: {  	v0 =	vshra.s32 v0, $0x2  }
0x93: {  	(v2sf) =	vpush v0, $0x0;
	_ =	sdelay $0x4  }
0x94: {  	(v2sf) =	vpush v0, $0x1  }
0x95: {  	(v2sf) =	vpush v0, $0x2  }
0x96: {  	(v2sf) =	vpush v0, $0x3  }
0x97: {  	(v2sf) =	vpush v0, $0x4  }
0x98: {  	(v2sf) =	vpush v0, $0x5  }
0x99: {  	(v2sf) =	vpush v0, $0x6  }
0x9a: {  	(v2sf) =	vpush v0, $0x7  }
0x9b: {  	s24 =	sand.u32 $0xFFFF, s5;
	s25 =	spop (v2sf);
	(v2sf) =	vpush v0, $0x8  }
0x9c: {  	s0 =	smul.u32 $0xAAAB, s24;
	(v2sf) =	vpush v0, $0x9  }
0x9d: {  	[dreg:$0x13] =	wrdreg s5;
	(v2sf) =	vpush v0, $0xA  }
0x9e: {  	s0 =	sshrl.u32 s0, $0x4;
	v1 =	vld [tilespmem:s25+$0x0];
	s12 =	spop (v2sf);
	(v2sf) =	vpush v0, $0xB  }
0x9f: {  	s0 =	sand.u32 $0xC000, s0;
	[dreg:$0x14] =	wrdreg s6;
	(v2sf) =	vpush v0, $0xC  }
0xa0: {  	s0 =	sadd.s32 s0, s6;
	v3 =	vld [tilespmem:s12+$0x0];
	(v2sf) =	vpush v0, $0xD  }
0xa1: {  	s0 =	sand.u32 $0xFFFF, s0  }
0xa2: {  	s24 =	sadd.s32 $0x2D00, s0;
	(v2sf) =	vpush v0, $0xE  }
0xa3: {  	s13 =	spop (v2sf);
	[tilespmem:s24+$0x0] =	vst v1  }
0xa4: {  	s14 =	spop (v2sf);
	v1 =	vld [tilespmem:s25+$0x10]  }
0xa5: {  	s10 =	spop (v2sf);
	(v2sf) =	vpush v0, $0xF;
	[tilespmem:s24+$0xFFFFFC00] =	vst v3  }
0xa6: {  	s26 =	spop (v2sf);
	(v2sf) =	vpush v2, $0x1;
	v0 =	vld [tilespmem:s12+$0x10]  }
0xa7: {  	s28 =	spop (v2sf)  }
0xa8: {  	s2 =	spop (v2sf)  }
0xa9: {  	s11 =	spop (v2sf);
	[tilespmem:s24+$0x10] =	vst v1  }
0xaa: {  	v1 =	vld [tilespmem:s25+$0x20];
	s9 =	spop (v2sf)  }
0xab: {  	[tilespmem:s24+$0xFFFFFC10] =	vst v0;
	s6 =	spop (v2sf)  }
0xac: {  	v0 =	vld [tilespmem:s12+$0x20];
	s3 =	spop (v2sf)  }
0xad: {  	s7 =	spop (v2sf)  }
0xae: {  	s4 =	spop (v2sf)  }
0xaf: {  	[tilespmem:s24+$0x20] =	vst v1;
	s17 =	spop (v2sf)  }
0xb0: {  	v1 =	vld [tilespmem:s25+$0x30];
	[dreg:$0x19] =	wrdreg s17  }
0xb1: {  	s18 =	spop (v2sf);
	[tilespmem:s24+$0xFFFFFC20] =	vst v0  }
0xb2: {  	[dreg:$0x18] =	wrdreg s18  }
0xb3: {  	v0 =	vld [tilespmem:s12+$0x30]  }
0xb4: {  	s20 =	spop (v2sf)  }
0xb5: {  	s19 =	spop (v2sf);
	[tilespmem:s24+$0x30] =	vst v1  }
0xb6: {  	v1 =	vld [tilespmem:s19+$0x0];
	_ =	sdelay $0x1  }
0xb7: {  	[tilespmem:s24+$0xFFFFFC30] =	vst v0  }
0xb8: {  	v0 =	vld [tilespmem:s13+$0x0];
	_ =	sdelay $0x1  }
0xb9: {  	[tilespmem:s24+$0x40] =	vst v1  }
0xba: {  	v1 =	vld [tilespmem:s19+$0x10];
	_ =	sdelay $0x1  }
0xbb: {  	(v2sf) =	vpush v2, $0x2;
	[tilespmem:s24+$0xFFFFFC40] =	vst v0  }
0xbc: {  	v0 =	vld [tilespmem:s13+$0x10];
	_ =	sdelay $0x1  }
0xbd: {  	[tilespmem:s24+$0x50] =	vst v1  }
0xbe: {  	v1 =	vld [tilespmem:s19+$0x20];
	_ =	sdelay $0x1  }
0xbf: {  	[tilespmem:s24+$0xFFFFFC50] =	vst v0  }
0xc0: {  	v0 =	vld [tilespmem:s13+$0x20];
	_ =	sdelay $0x1  }
0xc1: {  	[tilespmem:s24+$0x60] =	vst v1  }
0xc2: {  	v1 =	vld [tilespmem:s19+$0x30];
	_ =	sdelay $0x1  }
0xc3: {  	[tilespmem:s24+$0xFFFFFC60] =	vst v0  }
0xc4: {  	v0 =	vld [tilespmem:s13+$0x30];
	_ =	sdelay $0x1  }
0xc5: {  	s21 =	spop (v2sf);
	[tilespmem:s24+$0x70] =	vst v1  }
0xc6: {  	v1 =	vld [tilespmem:s21+$0x0];
	_ =	sdelay $0x1  }
0xc7: {  	[tilespmem:s24+$0xFFFFFC70] =	vst v0  }
0xc8: {  	v0 =	vld [tilespmem:s14+$0x0];
	_ =	sdelay $0x1  }
0xc9: {  	[tilespmem:s24+$0x80] =	vst v1  }
0xca: {  	v1 =	vld [tilespmem:s21+$0x10];
	_ =	sdelay $0x1  }
0xcb: {  	(v2sf) =	vpush v2, $0x3;
	[tilespmem:s24+$0xFFFFFC80] =	vst v0  }
0xcc: {  	v0 =	vld [tilespmem:s14+$0x10];
	_ =	sdelay $0x1  }
0xcd: {  	[tilespmem:s24+$0x90] =	vst v1  }
0xce: {  	v1 =	vld [tilespmem:s21+$0x20];
	_ =	sdelay $0x1  }
0xcf: {  	[tilespmem:s24+$0xFFFFFC90] =	vst v0  }
0xd0: {  	v0 =	vld [tilespmem:s14+$0x20];
	_ =	sdelay $0x1  }
0xd1: {  	[tilespmem:s24+$0xA0] =	vst v1  }
0xd2: {  	v1 =	vld [tilespmem:s21+$0x30];
	_ =	sdelay $0x1  }
0xd3: {  	[tilespmem:s24+$0xFFFFFCA0] =	vst v0  }
0xd4: {  	v0 =	vld [tilespmem:s14+$0x30];
	_ =	sdelay $0x1  }
0xd5: {  	s22 =	spop (v2sf);
	[tilespmem:s24+$0xB0] =	vst v1  }
0xd6: {  	v1 =	vld [tilespmem:s22+$0x0];
	_ =	sdelay $0x1  }
0xd7: {  	[tilespmem:s24+$0xFFFFFCB0] =	vst v0  }
0xd8: {  	v0 =	vld [tilespmem:s10+$0x0];
	_ =	sdelay $0x1  }
0xd9: {  	[tilespmem:s24+$0xC0] =	vst v1  }
0xda: {  	v1 =	vld [tilespmem:s22+$0x10];
	_ =	sdelay $0x1  }
0xdb: {  	(v2sf) =	vpush v2, $0x4;
	[tilespmem:s24+$0xFFFFFCC0] =	vst v0  }
0xdc: {  	v0 =	vld [tilespmem:s10+$0x10];
	_ =	sdelay $0x1  }
0xdd: {  	[tilespmem:s24+$0xD0] =	vst v1  }
0xde: {  	v1 =	vld [tilespmem:s22+$0x20];
	_ =	sdelay $0x1  }
0xdf: {  	[tilespmem:s24+$0xFFFFFCD0] =	vst v0  }
0xe0: {  	v0 =	vld [tilespmem:s10+$0x20];
	_ =	sdelay $0x1  }
0xe1: {  	[tilespmem:s24+$0xE0] =	vst v1  }
0xe2: {  	v1 =	vld [tilespmem:s22+$0x30];
	_ =	sdelay $0x1  }
0xe3: {  	[tilespmem:s24+$0xFFFFFCE0] =	vst v0  }
0xe4: {  	v0 =	vld [tilespmem:s10+$0x30];
	_ =	sdelay $0x1  }
0xe5: {  	s23 =	spop (v2sf);
	[tilespmem:s24+$0xF0] =	vst v1  }
0xe6: {  	v1 =	vld [tilespmem:s23+$0x0];
	_ =	sdelay $0x1  }
0xe7: {  	[tilespmem:s24+$0xFFFFFCF0] =	vst v0  }
0xe8: {  	v0 =	vld [tilespmem:s26+$0x0];
	_ =	sdelay $0x1  }
0xe9: {  	[tilespmem:s24+$0x100] =	vst v1  }
0xea: {  	v1 =	vld [tilespmem:s23+$0x10];
	_ =	sdelay $0x1  }
0xeb: {  	(v2sf) =	vpush v2, $0x5;
	[tilespmem:s24+$0xFFFFFD00] =	vst v0  }
0xec: {  	v0 =	vld [tilespmem:s26+$0x10]  }
0xed: {  	s12 =	sadd.s32 $0x20, s1  }
0xee: {  	v3 =	vld [tilespmem:s12+$0x0];
	[tilespmem:s24+$0x110] =	vst v1  }
0xef: {  	v1 =	vld [tilespmem:s23+$0x20];
	_ =	sdelay $0x1  }
0xf0: {  	v4 =	vld [tilespmem:s12+$0xFFFFFFF0];
	[tilespmem:s24+$0xFFFFFD10] =	vst v0  }
0xf1: {  	v5 =	vld [tilespmem:s26+$0x20]  }
0xf2: {  	v0 =	vshll.u32 v3, $0x8  }
0xf3: {  	[tilespmem:s24+$0x120] =	vst v1;
	v0 =	vshra.s32 v0, $0x2  }
0xf4: {  	v1 =	vld [tilespmem:s23+$0x30];
	(v2sf) =	vpush v0, $0x0  }
0xf5: {  	v3 =	vshll.u32 v4, $0x8  }
0xf6: {  	v3 =	vshra.s32 v3, $0x2;
	[tilespmem:s24+$0xFFFFFD20] =	vst v5  }
0xf7: {  	(v2sf) =	vpush v3, $0x0;
	v4 =	vld [tilespmem:s26+$0x30];
	_ =	sdelay $0x1  }
0xf8: {  	s25 =	spop (v2sf);
	(v2sf) =	vpush v3, $0x1;
	[tilespmem:s24+$0x130] =	vst v1  }
0xf9: {  	(v2sf) =	vpush v3, $0x2;
	v1 =	vld [tilespmem:s25+$0x0]  }
0xfa: {  	(v2sf) =	vpush v3, $0x3  }
0xfb: {  	(v2sf) =	vpush v3, $0x4;
	[tilespmem:s24+$0xFFFFFD30] =	vst v4  }
0xfc: {  	(v2sf) =	vpush v3, $0x5;
	v4 =	vld [tilespmem:s28+$0x0]  }
0xfd: {  	(v2sf) =	vpush v3, $0x6  }
0xfe: {  	(v2sf) =	vpush v3, $0x7;
	[tilespmem:s24+$0x140] =	vst v1  }
0xff: {  	(v2sf) =	vpush v3, $0x8;
	v1 =	vld [tilespmem:s25+$0x10]  }
0x100: {  	(v2sf) =	vpush v3, $0x9  }
0x101: {  	(v2sf) =	vpush v2, $0x6;
	[tilespmem:s24+$0xFFFFFD40] =	vst v4  }
0x102: {  	v4 =	vld [tilespmem:s28+$0x10];
	s17 =	spop (v2sf)  }
0x103: {  	v5 =	vld [tilespmem:s17+$0x0]  }
0x104: {  	[tilespmem:s24+$0x150] =	vst v1;
	(v2sf) =	vpush v3, $0xA  }
0x105: {  	v1 =	vld [tilespmem:s25+$0x20];
	s18 =	spop (v2sf);
	(v2sf) =	vpush v3, $0xB  }
0x106: {  	v6 =	vld [tilespmem:s18+$0x0]  }
0x107: {  	s26 =	sadd.s32 $0x800, s24;
	s16 =	spop (v2sf);
	(v2sf) =	vpush v3, $0xC;
	[tilespmem:s24+$0xFFFFFD50] =	vst v4  }
0x108: {  	s15 =	spop (v2sf);
	(v2sf) =	vpush v3, $0xD;
	v4 =	vld [tilespmem:s28+$0x20];
	[tilespmem:s26+$0x0] =	vst v5  }
0x109: {  	s14 =	spop (v2sf);
	(v2sf) =	vpush v3, $0xE;
	v5 =	vld [tilespmem:s17+$0x10]  }
0x10a: {  	s13 =	spop (v2sf);
	[tilespmem:s24+$0x160] =	vst v1;
	(v2sf) =	vpush v3, $0xF  }
0x10b: {  	s10 =	spop (v2sf);
	v1 =	vld [tilespmem:s25+$0x30];
	[tilespmem:s26+$0xFFFFFC00] =	vst v6  }
0x10c: {  	s23 =	spop (v2sf);
	(v2sf) =	vpush v0, $0x1;
	v3 =	vld [tilespmem:s18+$0x10]  }
0x10d: {  	s19 =	spop (v2sf);
	[tilespmem:s24+$0xFFFFFD60] =	vst v4  }
0x10e: {  	s5 =	spop (v2sf);
	v4 =	vld [tilespmem:s28+$0x30];
	[tilespmem:s26+$0x10] =	vst v5  }
0x10f: {  	s8 =	spop (v2sf);
	v5 =	vld [tilespmem:s17+$0x20]  }
0x110: {  	s21 =	spop (v2sf);
	[tilespmem:s24+$0x170] =	vst v1  }
0x111: {  	v1 =	vld [tilespmem:s21+$0x0];
	[tilespmem:s26+$0xFFFFFC10] =	vst v3  }
0x112: {  	v3 =	vld [tilespmem:s18+$0x20]  }
0x113: {  	s1 =	spop (v2sf);
	[tilespmem:s24+$0xFFFFFD70] =	vst v4  }
0x114: {  	s28 =	spop (v2sf);
	v4 =	vld [tilespmem:s2+$0x0];
	[tilespmem:s26+$0x20] =	vst v5  }
0x115: {  	v5 =	vld [tilespmem:s17+$0x30];
	[dreg:$0x4] =	wrdreg s28  }
0x116: {  	s31 =	spop (v2sf);
	[tilespmem:s24+$0x180] =	vst v1  }
0x117: {  	s30 =	spop (v2sf);
	[tilespmem:s26+$0xFFFFFC20] =	vst v3;
	v1 =	vld [tilespmem:s21+$0x10]  }
0x118: {  	s29 =	spop (v2sf);
	v3 =	vld [tilespmem:s18+$0x30]  }
0x119: {  	(v2sf) =	vpush v2, $0x7;
	s0 =	spop (v2sf);
	[tilespmem:s24+$0xFFFFFD80] =	vst v4  }
0x11a: {  	v4 =	vld [tilespmem:s2+$0x10];
	[dreg:$0x3] =	wrdreg s0  }
0x11b: {  	s18 =	spop (v2sf);
	[tilespmem:s26+$0x30] =	vst v5  }
0x11c: {  	v5 =	vld [tilespmem:s18+$0x0];
	[tilespmem:s24+$0x190] =	vst v1  }
0x11d: {  	[tilespmem:s26+$0xFFFFFC30] =	vst v3;
	v1 =	vld [tilespmem:s21+$0x20]  }
0x11e: {  	v3 =	vld [tilespmem:s16+$0x0];
	_ =	sdelay $0x1  }
0x11f: {  	[tilespmem:s24+$0xFFFFFD90] =	vst v4  }
0x120: {  	v4 =	vld [tilespmem:s2+$0x20];
	[tilespmem:s26+$0x40] =	vst v5  }
0x121: {  	v5 =	vld [tilespmem:s18+$0x10];
	[tilespmem:s24+$0x1A0] =	vst v1  }
0x122: {  	[tilespmem:s26+$0xFFFFFC40] =	vst v3;
	v1 =	vld [tilespmem:s21+$0x30]  }
0x123: {  	(v2sf) =	vpush v0, $0x2;
	v3 =	vld [tilespmem:s16+$0x10];
	_ =	sdelay $0x1  }
0x124: {  	[tilespmem:s24+$0xFFFFFDA0] =	vst v4  }
0x125: {  	v4 =	vld [tilespmem:s2+$0x30];
	[tilespmem:s26+$0x50] =	vst v5  }
0x126: {  	s22 =	spop (v2sf);
	v5 =	vld [tilespmem:s18+$0x20];
	[tilespmem:s24+$0x1B0] =	vst v1  }
0x127: {  	[tilespmem:s26+$0xFFFFFC50] =	vst v3;
	v1 =	vld [tilespmem:s22+$0x0]  }
0x128: {  	v3 =	vld [tilespmem:s16+$0x20];
	_ =	sdelay $0x1  }
0x129: {  	[tilespmem:s24+$0xFFFFFDB0] =	vst v4  }
0x12a: {  	v4 =	vld [tilespmem:s11+$0x0];
	[tilespmem:s26+$0x60] =	vst v5  }
0x12b: {  	v5 =	vld [tilespmem:s18+$0x30];
	[tilespmem:s24+$0x1C0] =	vst v1  }
0x12c: {  	[tilespmem:s26+$0xFFFFFC60] =	vst v3;
	v1 =	vld [tilespmem:s22+$0x10]  }
0x12d: {  	v3 =	vld [tilespmem:s16+$0x30]  }
0x12e: {  	(v2sf) =	vpush v2, $0x8  }
0x12f: {  	[tilespmem:s24+$0xFFFFFDC0] =	vst v4  }
0x130: {  	s25 =	spop (v2sf);
	v4 =	vld [tilespmem:s11+$0x10];
	[tilespmem:s26+$0x70] =	vst v5  }
0x131: {  	v5 =	vld [tilespmem:s25+$0x0];
	[tilespmem:s24+$0x1D0] =	vst v1  }
0x132: {  	[tilespmem:s26+$0xFFFFFC70] =	vst v3;
	v1 =	vld [tilespmem:s22+$0x20]  }
0x133: {  	v3 =	vld [tilespmem:s15+$0x0];
	_ =	sdelay $0x1  }
0x134: {  	[tilespmem:s24+$0xFFFFFDD0] =	vst v4  }
0x135: {  	v4 =	vld [tilespmem:s11+$0x20];
	[tilespmem:s26+$0x80] =	vst v5  }
0x136: {  	v5 =	vld [tilespmem:s25+$0x10];
	[tilespmem:s24+$0x1E0] =	vst v1  }
0x137: {  	[tilespmem:s26+$0xFFFFFC80] =	vst v3;
	v1 =	vld [tilespmem:s22+$0x30]  }
0x138: {  	(v2sf) =	vpush v0, $0x3;
	v3 =	vld [tilespmem:s15+$0x10];
	_ =	sdelay $0x1  }
0x139: {  	[tilespmem:s24+$0xFFFFFDE0] =	vst v4  }
0x13a: {  	v4 =	vld [tilespmem:s11+$0x30];
	[tilespmem:s26+$0x90] =	vst v5  }
0x13b: {  	s28 =	spop (v2sf);
	v5 =	vld [tilespmem:s25+$0x20];
	[tilespmem:s24+$0x1F0] =	vst v1  }
0x13c: {  	[tilespmem:s26+$0xFFFFFC90] =	vst v3;
	v1 =	vld [tilespmem:s28+$0x0]  }
0x13d: {  	v3 =	vld [tilespmem:s15+$0x20];
	_ =	sdelay $0x1  }
0x13e: {  	[tilespmem:s24+$0xFFFFFDF0] =	vst v4  }
0x13f: {  	v4 =	vld [tilespmem:s9+$0x0];
	[tilespmem:s26+$0xA0] =	vst v5  }
0x140: {  	v5 =	vld [tilespmem:s25+$0x30];
	[tilespmem:s24+$0x200] =	vst v1  }
0x141: {  	[tilespmem:s26+$0xFFFFFCA0] =	vst v3;
	v1 =	vld [tilespmem:s28+$0x10]  }
0x142: {  	v3 =	vld [tilespmem:s15+$0x30]  }
0x143: {  	(v2sf) =	vpush v2, $0x9  }
0x144: {  	[tilespmem:s24+$0xFFFFFE00] =	vst v4  }
0x145: {  	s0 =	spop (v2sf);
	v4 =	vld [tilespmem:s9+$0x10];
	[tilespmem:s26+$0xB0] =	vst v5  }
0x146: {  	v5 =	vld [tilespmem:s0+$0x0];
	[tilespmem:s24+$0x210] =	vst v1  }
0x147: {  	[tilespmem:s26+$0xFFFFFCB0] =	vst v3;
	v1 =	vld [tilespmem:s28+$0x20]  }
0x148: {  	v3 =	vld [tilespmem:s14+$0x0];
	_ =	sdelay $0x1  }
0x149: {  	[tilespmem:s24+$0xFFFFFE10] =	vst v4  }
0x14a: {  	v4 =	vld [tilespmem:s9+$0x20];
	[tilespmem:s26+$0xC0] =	vst v5  }
0x14b: {  	v5 =	vld [tilespmem:s0+$0x10];
	[tilespmem:s24+$0x220] =	vst v1  }
0x14c: {  	[tilespmem:s26+$0xFFFFFCC0] =	vst v3;
	v1 =	vld [tilespmem:s28+$0x30]  }
0x14d: {  	(v2sf) =	vpush v0, $0x4;
	v3 =	vld [tilespmem:s14+$0x10];
	_ =	sdelay $0x1  }
0x14e: {  	[tilespmem:s24+$0xFFFFFE20] =	vst v4  }
0x14f: {  	v4 =	vld [tilespmem:s9+$0x30];
	[tilespmem:s26+$0xD0] =	vst v5  }
0x150: {  	s9 =	spop (v2sf);
	v5 =	vld [tilespmem:s0+$0x20];
	[tilespmem:s24+$0x230] =	vst v1  }
0x151: {  	[tilespmem:s26+$0xFFFFFCD0] =	vst v3;
	v1 =	vld [tilespmem:s9+$0x0]  }
0x152: {  	v3 =	vld [tilespmem:s14+$0x20];
	_ =	sdelay $0x1  }
0x153: {  	[tilespmem:s24+$0xFFFFFE30] =	vst v4  }
0x154: {  	v4 =	vld [tilespmem:s6+$0x0];
	[tilespmem:s26+$0xE0] =	vst v5  }
0x155: {  	v5 =	vld [tilespmem:s0+$0x30];
	[tilespmem:s24+$0x240] =	vst v1  }
0x156: {  	[tilespmem:s26+$0xFFFFFCE0] =	vst v3;
	v1 =	vld [tilespmem:s9+$0x10]  }
0x157: {  	v3 =	vld [tilespmem:s14+$0x30];
	_ =	sdelay $0x1  }
0x158: {  	(v2sf) =	vpush v2, $0xA;
	[tilespmem:s24+$0xFFFFFE40] =	vst v4  }
0x159: {  	s11 =	spop (v2sf);
	v4 =	vld [tilespmem:s6+$0x10];
	[tilespmem:s26+$0xF0] =	vst v5  }
0x15a: {  	v5 =	vld [tilespmem:s11+$0x0];
	[tilespmem:s24+$0x250] =	vst v1  }
0x15b: {  	[tilespmem:s26+$0xFFFFFCF0] =	vst v3;
	v1 =	vld [tilespmem:s9+$0x20]  }
0x15c: {  	v3 =	vld [tilespmem:s13+$0x0];
	_ =	sdelay $0x1  }
0x15d: {  	[tilespmem:s24+$0xFFFFFE50] =	vst v4  }
0x15e: {  	v4 =	vld [tilespmem:s6+$0x20];
	[tilespmem:s26+$0x100] =	vst v5  }
0x15f: {  	v5 =	vld [tilespmem:s11+$0x10];
	[tilespmem:s24+$0x260] =	vst v1  }
0x160: {  	[tilespmem:s26+$0xFFFFFD00] =	vst v3;
	v1 =	vld [tilespmem:s9+$0x30]  }
0x161: {  	v3 =	vld [tilespmem:s13+$0x10]  }
0x162: {  	(v2sf) =	vpush v0, $0x5;
	s21 =	sadd.s32 $0x20, s12  }
0x163: {  	v6 =	vld [tilespmem:s21+$0x0];
	[tilespmem:s24+$0xFFFFFE60] =	vst v4  }
0x164: {  	v4 =	vld [tilespmem:s6+$0x30];
	[tilespmem:s26+$0x110] =	vst v5  }
0x165: {  	v5 =	vld [tilespmem:s11+$0x20];
	[tilespmem:s24+$0x270] =	vst v1  }
0x166: {  	s12 =	spop (v2sf);
	[tilespmem:s26+$0xFFFFFD10] =	vst v3;
	v3 =	vld [tilespmem:s21+$0xFFFFFFF0]  }
0x167: {  	v1 =	vld [tilespmem:s12+$0x0]  }
0x168: {  	v7 =	vld [tilespmem:s13+$0x20]  }
0x169: {  	[tilespmem:s24+$0xFFFFFE70] =	vst v4  }
0x16a: {  	v4 =	vld [tilespmem:s3+$0x0]  }
0x16b: {  	[tilespmem:s26+$0x120] =	vst v5;
	v5 =	vshll.u32 v6, $0x8  }
0x16c: {  	v6 =	vld [tilespmem:s11+$0x30];
	[tilespmem:s24+$0x280] =	vst v1;
	v1 =	vshra.s32 v5, $0x2  }
0x16d: {  	v3 =	vshll.u32 v3, $0x8;
	[tilespmem:s26+$0xFFFFFD20] =	vst v7;
	v5 =	vld [tilespmem:s12+$0x10];
	(v2sf) =	vpush v1, $0x0  }
0x16e: {  	v3 =	vshra.s32 v3, $0x2;
	v7 =	vld [tilespmem:s13+$0x30];
	(v2sf) =	vpush v2, $0xB  }
0x16f: {  	[tilespmem:s24+$0xFFFFFE80] =	vst v4;
	(v2sf) =	vpush v3, $0x0  }
0x170: {  	v4 =	vld [tilespmem:s3+$0x10];
	(v2sf) =	vpush v3, $0x1  }
0x171: {  	s14 =	spop (v2sf);
	[tilespmem:s26+$0x130] =	vst v6;
	(v2sf) =	vpush v3, $0x2  }
0x172: {  	v6 =	vld [tilespmem:s14+$0x0];
	[tilespmem:s24+$0x290] =	vst v5;
	(v2sf) =	vpush v3, $0x3  }
0x173: {  	[tilespmem:s26+$0xFFFFFD30] =	vst v7;
	v5 =	vld [tilespmem:s12+$0x20];
	(v2sf) =	vpush v3, $0x4  }
0x174: {  	v7 =	vld [tilespmem:s10+$0x0];
	(v2sf) =	vpush v3, $0x5  }
0x175: {  	[tilespmem:s24+$0xFFFFFE90] =	vst v4;
	(v2sf) =	vpush v3, $0x6  }
0x176: {  	v4 =	vld [tilespmem:s3+$0x20];
	(v2sf) =	vpush v3, $0x7  }
0x177: {  	[tilespmem:s26+$0x140] =	vst v6;
	(v2sf) =	vpush v3, $0x8  }
0x178: {  	v6 =	vld [tilespmem:s14+$0x10];
	[tilespmem:s24+$0x2A0] =	vst v5  }
0x179: {  	[tilespmem:s26+$0xFFFFFD40] =	vst v7;
	v5 =	vld [tilespmem:s12+$0x30]  }
0x17a: {  	(v2sf) =	vpush v3, $0x9;
	v7 =	vld [tilespmem:s10+$0x10]  }
0x17b: {  	(v2sf) =	vpush v0, $0x6;
	[tilespmem:s24+$0xFFFFFEA0] =	vst v4  }
0x17c: {  	s15 =	spop (v2sf);
	v4 =	vld [tilespmem:s3+$0x30]  }
0x17d: {  	[tilespmem:s26+$0x150] =	vst v6;
	s25 =	spop (v2sf);
	v8 =	vld [tilespmem:s15+$0x0]  }
0x17e: {  	v6 =	vld [tilespmem:s14+$0x20];
	[tilespmem:s24+$0x2B0] =	vst v5;
	s3 =	spop (v2sf)  }
0x17f: {  	[tilespmem:s26+$0xFFFFFD50] =	vst v7;
	v5 =	vld [tilespmem:s25+$0x0];
	s28 =	spop (v2sf)  }
0x180: {  	v7 =	vld [tilespmem:s10+$0x20];
	s22 =	spop (v2sf)  }
0x181: {  	s11 =	sadd.s32 $0x800, s26;
	(v2sf) =	vpush v3, $0xA;
	v9 =	vld [tilespmem:s3+$0x0];
	[tilespmem:s24+$0xFFFFFEB0] =	vst v4;
	s2 =	spop (v2sf)  }
0x182: {  	(v2sf) =	vpush v3, $0xB;
	s18 =	spop (v2sf);
	[tilespmem:s11+$0x0] =	vst v8  }
0x183: {  	(v2sf) =	vpush v3, $0xC;
	v4 =	vld [tilespmem:s7+$0x0];
	[tilespmem:s26+$0x160] =	vst v6;
	s17 =	spop (v2sf)  }
0x184: {  	(v2sf) =	vpush v3, $0xD;
	v8 =	vld [tilespmem:s15+$0x10];
	[tilespmem:s24+$0x2C0] =	vst v5;
	s16 =	spop (v2sf)  }
0x185: {  	(v2sf) =	vpush v3, $0xE;
	v6 =	vld [tilespmem:s14+$0x30];
	[tilespmem:s26+$0xFFFFFD60] =	vst v7;
	s14 =	spop (v2sf)  }
0x186: {  	(v2sf) =	vpush v3, $0xF;
	[tilespmem:s11+$0xFFFFFC00] =	vst v9;
	v3 =	vld [tilespmem:s25+$0x10];
	s6 =	spop (v2sf)  }
0x187: {  	v5 =	vld [tilespmem:s10+$0x30];
	[dreg:$0xa] =	wrdreg s6  }
0x188: {  	v7 =	vld [tilespmem:s3+$0x10];
	[tilespmem:s24+$0xFFFFFEC0] =	vst v4  }
0x189: {  	(v2sf) =	vpush v1, $0x1;
	s13 =	spop (v2sf);
	[tilespmem:s11+$0x10] =	vst v8;
	v4 =	vld [tilespmem:s7+$0x10]  }
0x18a: {  	(v2sf) =	vpush v2, $0xC;
	s6 =	spop (v2sf);
	[tilespmem:s26+$0x170] =	vst v6;
	v8 =	vld [tilespmem:s15+$0x20]  }
0x18b: {  	v6 =	vld [tilespmem:s6+$0x0];
	[tilespmem:s24+$0x2D0] =	vst v3  }
0x18c: {  	[tilespmem:s26+$0xFFFFFD70] =	vst v5  }
0x18d: {  	v3 =	vld [tilespmem:s25+$0x20];
	[tilespmem:s11+$0xFFFFFC10] =	vst v7  }
0x18e: {  	v5 =	vld [tilespmem:s23+$0x0];
	[tilespmem:s24+$0xFFFFFED0] =	vst v4  }
0x18f: {  	v7 =	vld [tilespmem:s3+$0x20];
	[tilespmem:s11+$0x20] =	vst v8  }
0x190: {  	s12 =	spop (v2sf);
	v4 =	vld [tilespmem:s7+$0x20];
	[tilespmem:s26+$0x180] =	vst v6  }
0x191: {  	v6 =	vld [tilespmem:s6+$0x10];
	[dreg:$0x6] =	wrdreg s12  }
0x192: {  	v8 =	vld [tilespmem:s15+$0x30];
	[tilespmem:s24+$0x2E0] =	vst v3;
	s15 =	spop (v2sf)  }
0x193: {  	[dreg:$0x5] =	wrdreg s15  }
0x194: {  	(v2sf) =	vpush v0, $0x7;
	v3 =	vld [tilespmem:s25+$0x30];
	[tilespmem:s26+$0xFFFFFD80] =	vst v5;
	s25 =	spop (v2sf)  }
0x195: {  	[tilespmem:s11+$0xFFFFFC20] =	vst v7;
	v5 =	vld [tilespmem:s23+$0x10];
	s15 =	spop (v2sf)  }
0x196: {  	v7 =	vld [tilespmem:s3+$0x30];
	[tilespmem:s24+$0xFFFFFEE0] =	vst v4;
	s12 =	spop (v2sf)  }
0x197: {  	v4 =	vld [tilespmem:s7+$0x30];
	[tilespmem:s26+$0x190] =	vst v6;
	s7 =	spop (v2sf)  }
0x198: {  	[tilespmem:s11+$0x30] =	vst v8;
	v6 =	vld [tilespmem:s6+$0x20];
	s3 =	spop (v2sf)  }
0x199: {  	v8 =	vld [tilespmem:s3+$0x0];
	[tilespmem:s24+$0x2F0] =	vst v3;
	s9 =	spop (v2sf)  }
0x19a: {  	v3 =	vld [tilespmem:s9+$0x0];
	[tilespmem:s26+$0xFFFFFD90] =	vst v5  }
0x19b: {  	[tilespmem:s11+$0xFFFFFC30] =	vst v7;
	v5 =	vld [tilespmem:s23+$0x20]  }
0x19c: {  	v7 =	vld [tilespmem:s28+$0x0];
	[tilespmem:s24+$0xFFFFFEF0] =	vst v4  }
0x19d: {  	v4 =	vld [tilespmem:s4+$0x0];
	[tilespmem:s26+$0x1A0] =	vst v6  }
0x19e: {  	v6 =	vld [tilespmem:s6+$0x30];
	[tilespmem:s11+$0x40] =	vst v8  }
0x19f: {  	v8 =	vld [tilespmem:s3+$0x10];
	[tilespmem:s24+$0x300] =	vst v3  }
0x1a0: {  	v3 =	vld [tilespmem:s9+$0x10];
	[tilespmem:s26+$0xFFFFFDA0] =	vst v5  }
0x1a1: {  	[tilespmem:s11+$0xFFFFFC40] =	vst v7;
	v5 =	vld [tilespmem:s23+$0x30]  }
0x1a2: {  	(v2sf) =	vpush v1, $0x2;
	v7 =	vld [tilespmem:s28+$0x10];
	[tilespmem:s24+$0xFFFFFF00] =	vst v4  }
0x1a3: {  	(v2sf) =	vpush v2, $0xD;
	s0 =	spop (v2sf);
	v4 =	vld [tilespmem:s4+$0x10];
	[tilespmem:s26+$0x1B0] =	vst v6  }
0x1a4: {  	v6 =	vld [tilespmem:s0+$0x0];
	[tilespmem:s11+$0x50] =	vst v8  }
0x1a5: {  	v8 =	vld [tilespmem:s3+$0x20];
	[tilespmem:s24+$0x310] =	vst v3  }
0x1a6: {  	v3 =	vld [tilespmem:s9+$0x20];
	[tilespmem:s26+$0xFFFFFDB0] =	vst v5  }
0x1a7: {  	[tilespmem:s11+$0xFFFFFC50] =	vst v7;
	v5 =	vld [tilespmem:s19+$0x0]  }
0x1a8: {  	v7 =	vld [tilespmem:s28+$0x20];
	[tilespmem:s24+$0xFFFFFF10] =	vst v4  }
0x1a9: {  	v4 =	vld [tilespmem:s4+$0x20];
	[tilespmem:s26+$0x1C0] =	vst v6  }
0x1aa: {  	v6 =	vld [tilespmem:s0+$0x10];
	[tilespmem:s11+$0x60] =	vst v8  }
0x1ab: {  	v8 =	vld [tilespmem:s3+$0x30];
	[tilespmem:s24+$0x320] =	vst v3  }
0x1ac: {  	v3 =	vld [tilespmem:s9+$0x30];
	[tilespmem:s26+$0xFFFFFDC0] =	vst v5  }
0x1ad: {  	(v2sf) =	vpush v0, $0x8;
	[tilespmem:s11+$0xFFFFFC60] =	vst v7;
	v5 =	vld [tilespmem:s19+$0x10]  }
0x1ae: {  	v7 =	vld [tilespmem:s28+$0x30];
	[tilespmem:s24+$0xFFFFFF20] =	vst v4  }
0x1af: {  	v4 =	vld [tilespmem:s4+$0x30];
	[tilespmem:s26+$0x1D0] =	vst v6  }
0x1b0: {  	[tilespmem:s11+$0x70] =	vst v8  }
0x1b1: {  	s4 =	spop (v2sf);
	v6 =	vld [tilespmem:s0+$0x20];
	[tilespmem:s24+$0x330] =	vst v3  }
0x1b2: {  	s23 =	spop (v2sf);
	v8 =	vld [tilespmem:s4+$0x0];
	[tilespmem:s26+$0xFFFFFDD0] =	vst v5  }
0x1b3: {  	v3 =	vld [tilespmem:s23+$0x0];
	[tilespmem:s11+$0xFFFFFC70] =	vst v7  }
0x1b4: {  	v5 =	vld [tilespmem:s19+$0x20];
	[tilespmem:s24+$0xFFFFFF30] =	vst v4  }
0x1b5: {  	v7 =	vld [tilespmem:s22+$0x0];
	s28 =	rddreg [dreg:$0x19]  }
0x1b6: {  	[tilespmem:s26+$0x1E0] =	vst v6;
	v4 =	vld [tilespmem:s28+$0x0]  }
0x1b7: {  	v6 =	vld [tilespmem:s0+$0x30];
	[tilespmem:s11+$0x80] =	vst v8  }
0x1b8: {  	v8 =	vld [tilespmem:s4+$0x10];
	[tilespmem:s24+$0x340] =	vst v3  }
0x1b9: {  	v3 =	vld [tilespmem:s23+$0x10];
	[tilespmem:s26+$0xFFFFFDE0] =	vst v5  }
0x1ba: {  	[tilespmem:s11+$0xFFFFFC80] =	vst v7;
	v5 =	vld [tilespmem:s19+$0x30]  }
0x1bb: {  	(v2sf) =	vpush v1, $0x3;
	v7 =	vld [tilespmem:s22+$0x10];
	[tilespmem:s24+$0xFFFFFF40] =	vst v4  }
0x1bc: {  	(v2sf) =	vpush v2, $0xE;
	s9 =	spop (v2sf);
	[tilespmem:s26+$0x1F0] =	vst v6;
	v4 =	vld [tilespmem:s28+$0x10]  }
0x1bd: {  	v6 =	vld [tilespmem:s9+$0x0];
	[tilespmem:s11+$0x90] =	vst v8  }
0x1be: {  	v8 =	vld [tilespmem:s4+$0x20];
	[tilespmem:s24+$0x350] =	vst v3  }
0x1bf: {  	v3 =	vld [tilespmem:s23+$0x20];
	[tilespmem:s26+$0xFFFFFDF0] =	vst v5  }
0x1c0: {  	[tilespmem:s11+$0xFFFFFC90] =	vst v7;
	v5 =	vld [tilespmem:s5+$0x0]  }
0x1c1: {  	v7 =	vld [tilespmem:s22+$0x20];
	[tilespmem:s24+$0xFFFFFF50] =	vst v4  }
0x1c2: {  	[tilespmem:s26+$0x200] =	vst v6;
	v4 =	vld [tilespmem:s28+$0x20]  }
0x1c3: {  	v6 =	vld [tilespmem:s9+$0x10];
	[tilespmem:s11+$0xA0] =	vst v8  }
0x1c4: {  	v8 =	vld [tilespmem:s4+$0x30];
	[tilespmem:s24+$0x360] =	vst v3  }
0x1c5: {  	v3 =	vld [tilespmem:s23+$0x30];
	[tilespmem:s26+$0xFFFFFE00] =	vst v5  }
0x1c6: {  	(v2sf) =	vpush v0, $0x9;
	[tilespmem:s11+$0xFFFFFCA0] =	vst v7;
	v5 =	vld [tilespmem:s5+$0x10]  }
0x1c7: {  	v7 =	vld [tilespmem:s22+$0x30];
	[tilespmem:s24+$0xFFFFFF60] =	vst v4  }
0x1c8: {  	[tilespmem:s26+$0x210] =	vst v6;
	v4 =	vld [tilespmem:s28+$0x30]  }
0x1c9: {  	[tilespmem:s11+$0xB0] =	vst v8  }
0x1ca: {  	s19 =	spop (v2sf);
	v6 =	vld [tilespmem:s9+$0x20];
	[tilespmem:s24+$0x370] =	vst v3  }
0x1cb: {  	s22 =	spop (v2sf);
	v8 =	vld [tilespmem:s19+$0x0];
	[tilespmem:s26+$0xFFFFFE10] =	vst v5  }
0x1cc: {  	v3 =	vld [tilespmem:s22+$0x0];
	[tilespmem:s11+$0xFFFFFCB0] =	vst v7  }
0x1cd: {  	v5 =	vld [tilespmem:s5+$0x20];
	[tilespmem:s24+$0xFFFFFF70] =	vst v4  }
0x1ce: {  	v7 =	vld [tilespmem:s2+$0x0];
	s23 =	rddreg [dreg:$0x18]  }
0x1cf: {  	[tilespmem:s26+$0x220] =	vst v6;
	v4 =	vld [tilespmem:s23+$0x0]  }
0x1d0: {  	v6 =	vld [tilespmem:s9+$0x30];
	[tilespmem:s11+$0xC0] =	vst v8  }
0x1d1: {  	v8 =	vld [tilespmem:s19+$0x10];
	[tilespmem:s24+$0x380] =	vst v3  }
0x1d2: {  	v3 =	vld [tilespmem:s22+$0x10];
	[tilespmem:s26+$0xFFFFFE20] =	vst v5  }
0x1d3: {  	(v2sf) =	vpush v1, $0x4;
	[tilespmem:s11+$0xFFFFFCC0] =	vst v7;
	v5 =	vld [tilespmem:s5+$0x30]  }
0x1d4: {  	(v2sf) =	vpush v2, $0xF;
	v7 =	vld [tilespmem:s2+$0x10];
	[tilespmem:s24+$0xFFFFFF80] =	vst v4  }
0x1d5: {  	s28 =	spop (v2sf);
	[tilespmem:s26+$0x230] =	vst v6;
	v2 =	vld [tilespmem:s23+$0x10]  }
0x1d6: {  	[tilespmem:s11+$0xD0] =	vst v8;
	v4 =	vld [tilespmem:s28+$0x0]  }
0x1d7: {  	v6 =	vld [tilespmem:s19+$0x20];
	[tilespmem:s24+$0x390] =	vst v3  }
0x1d8: {  	v3 =	vld [tilespmem:s22+$0x20];
	[tilespmem:s26+$0xFFFFFE30] =	vst v5  }
0x1d9: {  	[tilespmem:s11+$0xFFFFFCD0] =	vst v7;
	v5 =	vld [tilespmem:s8+$0x0]  }
0x1da: {  	v7 =	vld [tilespmem:s2+$0x20];
	[tilespmem:s24+$0xFFFFFF90] =	vst v2  }
0x1db: {  	[tilespmem:s26+$0x240] =	vst v4;
	v2 =	vld [tilespmem:s23+$0x20]  }
0x1dc: {  	[tilespmem:s11+$0xE0] =	vst v6;
	v4 =	vld [tilespmem:s28+$0x10]  }
0x1dd: {  	v6 =	vld [tilespmem:s19+$0x30];
	[tilespmem:s24+$0x3A0] =	vst v3  }
0x1de: {  	v3 =	vld [tilespmem:s22+$0x30];
	[tilespmem:s26+$0xFFFFFE40] =	vst v5  }
0x1df: {  	[tilespmem:s11+$0xFFFFFCE0] =	vst v7;
	v5 =	vld [tilespmem:s8+$0x10]  }
0x1e0: {  	v7 =	vld [tilespmem:s2+$0x30];
	[tilespmem:s24+$0xFFFFFFA0] =	vst v2  }
0x1e1: {  	[tilespmem:s26+$0x250] =	vst v4;
	v2 =	vld [tilespmem:s23+$0x30]  }
0x1e2: {  	s3 =	spop (v2sf);
	[tilespmem:s11+$0xF0] =	vst v6;
	v4 =	vld [tilespmem:s28+$0x20]  }
0x1e3: {  	s2 =	spop (v2sf);
	v6 =	vld [tilespmem:s3+$0x0];
	[tilespmem:s24+$0x3B0] =	vst v3  }
0x1e4: {  	v8 =	vld [tilespmem:s2+$0x0];
	[tilespmem:s26+$0xFFFFFE50] =	vst v5  }
0x1e5: {  	[tilespmem:s11+$0xFFFFFCF0] =	vst v7;
	v7 =	vld [tilespmem:s8+$0x20]  }
0x1e6: {  	v9 =	vld [tilespmem:s18+$0x0];
	[tilespmem:s24+$0xFFFFFFB0] =	vst v2  }
0x1e7: {  	[tilespmem:s26+$0x260] =	vst v4;
	v10 =	vld [tilespmem:s20+$0x0]  }
0x1e8: {  	v3 =	vld [tilespmem:s28+$0x30];
	[tilespmem:s11+$0x100] =	vst v6  }
0x1e9: {  	v5 =	vld [tilespmem:s3+$0x10];
	[tilespmem:s24+$0x3C0] =	vst v8  }
0x1ea: {  	v2 =	vld [tilespmem:s2+$0x10];
	[tilespmem:s26+$0xFFFFFE60] =	vst v7  }
0x1eb: {  	(v2sf) =	vpush v0, $0xA;
	[tilespmem:s11+$0xFFFFFD00] =	vst v9;
	v4 =	vld [tilespmem:s8+$0x30]  }
0x1ec: {  	s10 =	smov.u32 s20;
	s4 =	simm.s32 $0x4;
	(v2sf) =	vpush v1, $0x5;
	v6 =	vld [tilespmem:s18+$0x10];
	s8 =	sadd.s32 $0x20, s21;
	[tilespmem:s24+$0xFFFFFFC0] =	vst v10  }
.LBB2_6:
0x1ed: {  	_ =	sdelay $0x8  }
0x1ee: {  	v7 =	vld [tilespmem:s8+$0x0];
	[tilespmem:s11+$0x110] =	vst v5  }
0x1ef: {  	v5 =	vld [tilespmem:s3+$0x20];
	[tilespmem:s11+$0xFFFFFD10] =	vst v6  }
0x1f0: {  	v8 =	vld [tilespmem:s8+$0xFFFFFFF0];
	[tilespmem:s26+$0xFFFFFE70] =	vst v4  }
0x1f1: {  	v4 =	vld [tilespmem:s18+$0x20]  }
0x1f2: {  	[tilespmem:s26+$0x270] =	vst v3;
	s5 =	spop (v2sf)  }
0x1f3: {  	v3 =	vld [tilespmem:s5+$0x0];
	[tilespmem:s24+$0x3D0] =	vst v2  }
0x1f4: {  	v6 =	vld [tilespmem:s2+$0x20]  }
0x1f5: {  	[tilespmem:s11+$0x120] =	vst v5;
	v5 =	vld [tilespmem:s1+$0x0]  }
0x1f6: {  	v2 =	vshll.u32 v7, $0x8;
	[tilespmem:s11+$0xFFFFFD20] =	vst v4;
	v7 =	vld [tilespmem:s3+$0x30]  }
0x1f7: {  	v4 =	vld [tilespmem:s10+$0x10]  }
0x1f8: {  	v9 =	vld [tilespmem:s18+$0x30];
	[tilespmem:s26+$0x280] =	vst v3  }
0x1f9: {  	v2 =	vshra.s32 v2, $0x2;
	v3 =	vld [tilespmem:s5+$0x10];
	[tilespmem:s24+$0x3E0] =	vst v6  }
0x1fa: {  	(v2sf) =	vpush v2, $0x0;
	v6 =	vshll.u32 v8, $0x8;
	[tilespmem:s26+$0xFFFFFE80] =	vst v5  }
0x1fb: {  	(v2sf) =	vpush v0, $0xB;
	v8 =	vld [tilespmem:s2+$0x30];
	v6 =	vshra.s32 v6, $0x2;
	[tilespmem:s11+$0x130] =	vst v7  }
0x1fc: {  	v5 =	vld [tilespmem:s1+$0x10];
	[tilespmem:s24+$0xFFFFFFD0] =	vst v4;
	(v2sf) =	vpush v6, $0x0  }
0x1fd: {  	[tilespmem:s11+$0xFFFFFD30] =	vst v9  }
0x1fe: {  	s19 =	spop (v2sf);
	v4 =	vld [tilespmem:s10+$0x20];
	(v2sf) =	vpush v6, $0x1;
	[tilespmem:s26+$0x290] =	vst v3  }
0x1ff: {  	(v2sf) =	vpush v6, $0x2;
	v3 =	vld [tilespmem:s19+$0x0]  }
0x200: {  	(v2sf) =	vpush v6, $0x3;
	[tilespmem:s24+$0x3F0] =	vst v8;
	v8 =	vld [tilespmem:s17+$0x0]  }
0x201: {  	(v2sf) =	vpush v6, $0x4;
	v7 =	vld [tilespmem:s5+$0x20]  }
0x202: {  	[tilespmem:s26+$0xFFFFFE90] =	vst v5;
	(v2sf) =	vpush v6, $0x5  }
0x203: {  	v5 =	vld [tilespmem:s1+$0x20];
	[tilespmem:s24+$0xFFFFFFE0] =	vst v4;
	(v2sf) =	vpush v6, $0x6  }
0x204: {  	(v2sf) =	vpush v6, $0x7;
	[tilespmem:s11+$0x140] =	vst v3  }
0x205: {  	(v2sf) =	vpush v6, $0x8;
	[tilespmem:s11+$0xFFFFFD40] =	vst v8;
	v3 =	vld [tilespmem:s19+$0x10]  }
0x206: {  	(v2sf) =	vpush v6, $0x9;
	[tilespmem:s26+$0x2A0] =	vst v7;
	v4 =	vld [tilespmem:s10+$0x30]  }
0x207: {  	(v2sf) =	vpush v1, $0x6;
	v7 =	vld [tilespmem:s5+$0x30]  }
0x208: {  	v8 =	vld [tilespmem:s17+$0x10];
	[tilespmem:s26+$0xFFFFFEA0] =	vst v5  }
0x209: {  	s21 =	smov.u32 s7;
	s7 =	spop (v2sf);
	(v2sf) =	vpush v6, $0xA;
	v5 =	vld [tilespmem:s1+$0x30]  }
0x20a: {  	s10 =	spop (v2sf);
	v62 =	vld [tilespmem:s7+$0x0];
	(v2sf) =	vpush v6, $0xB;
	[tilespmem:s11+$0x150] =	vst v3  }
0x20b: {  	s20 =	rddreg [dreg:$0x3];
	(v2sf) =	vpush v6, $0xC;
	s9 =	spop (v2sf);
	[tilespmem:s24+$0xFFFFFFF0] =	vst v4;
	v3 =	vld [tilespmem:s19+$0x20]  }
0x20c: {  	[dreg:$0x3] =	wrdreg s21;
	(v2sf) =	vpush v6, $0xD;
	[tilespmem:s26+$0x2B0] =	vst v7;
	v4 =	vld [tilespmem:s9+$0x0]  }
0x20d: {  	s1 =	rddreg [dreg:$0x4];
	(v2sf) =	vpush v6, $0xE;
	s24 =	smov.u32 s26;
	s28 =	spop (v2sf);
	[tilespmem:s11+$0xFFFFFD50] =	vst v8;
	v7 =	vld [tilespmem:s10+$0x0]  }
0x20e: {  	s26 =	smov.u32 s11;
	(v2sf) =	vpush v6, $0xF;
	s11 =	sadd.s32 $0x800, s11;
	s21 =	spop (v2sf);
	v6 =	vld [tilespmem:s17+$0x20];
	[tilespmem:s24+$0xFFFFFEB0] =	vst v5  }
0x20f: {  	[tilespmem:s11+$0x0] =	vst v62;
	s2 =	spop (v2sf);
	v5 =	vld [tilespmem:s1+$0x0]  }
0x210: {  	v8 =	vld [tilespmem:s7+$0x10];
	s18 =	spop (v2sf);
	[tilespmem:s26+$0x160] =	vst v3  }
0x211: {  	s23 =	spop (v2sf);
	[tilespmem:s11+$0xFFFFFC00] =	vst v4;
	v3 =	vld [tilespmem:s19+$0x30]  }
0x212: {  	s22 =	rddreg [dreg:$0x6];
	s6 =	spop (v2sf);
	(v2sf) =	vpush v2, $0x1;
	[tilespmem:s24+$0x2C0] =	vst v7;
	v7 =	vld [tilespmem:s9+$0x10]  }
0x213: {  	[dreg:$0x7] =	wrdreg s12;
	s12 =	smov.u32 s22;
	s22 =	spop (v2sf);
	[tilespmem:s26+$0xFFFFFD60] =	vst v6;
	v4 =	vld [tilespmem:s10+$0x10]  }
0x214: {  	s19 =	spop (v2sf);
	v6 =	vld [tilespmem:s17+$0x30];
	[tilespmem:s24+$0xFFFFFEC0] =	vst v5  }
0x215: {  	s0 =	smov.u32 s20;
	(v2sf) =	vpush v0, $0xC;
	[tilespmem:s11+$0x10] =	vst v8;
	s20 =	spop (v2sf);
	v5 =	vld [tilespmem:s1+$0x10]  }
0x216: {  	[dreg:$0xb] =	wrdreg s19;
	v8 =	vld [tilespmem:s7+$0x20];
	s19 =	smov.u32 s25;
	s25 =	spop (v2sf);
	[tilespmem:s26+$0x170] =	vst v3  }
0x217: {  	[tilespmem:s11+$0xFFFFFC10] =	vst v7;
	v3 =	vld [tilespmem:s25+$0x0]  }
0x218: {  	[tilespmem:s24+$0x2D0] =	vst v4;
	v7 =	vld [tilespmem:s9+$0x20]  }
0x219: {  	[tilespmem:s26+$0xFFFFFD70] =	vst v6;
	v4 =	vld [tilespmem:s10+$0x20]  }
0x21a: {  	s17 =	smov.u32 s23;
	s23 =	spop (v2sf);
	v6 =	vld [tilespmem:s16+$0x0];
	[tilespmem:s24+$0xFFFFFED0] =	vst v5  }
0x21b: {  	s5 =	smov.u32 s15;
	s15 =	spop (v2sf);
	[tilespmem:s11+$0x20] =	vst v8;
	v5 =	vld [tilespmem:s1+$0x20]  }
0x21c: {  	s3 =	spop (v2sf);
	v8 =	vld [tilespmem:s7+$0x30];
	[tilespmem:s26+$0x180] =	vst v3  }
0x21d: {  	[dreg:$0x6] =	wrdreg s23;
	s23 =	spop (v2sf);
	[tilespmem:s11+$0xFFFFFC20] =	vst v7;
	v3 =	vld [tilespmem:s25+$0x10]  }
0x21e: {  	[dreg:$0x8] =	wrdreg s20;
	s20 =	spop (v2sf);
	[tilespmem:s24+$0x2E0] =	vst v4;
	v7 =	vld [tilespmem:s9+$0x30]  }
0x21f: {  	s7 =	spop (v2sf);
	(v2sf) =	vpush v1, $0x7;
	[tilespmem:s26+$0xFFFFFD80] =	vst v6;
	v4 =	vld [tilespmem:s10+$0x30]  }
0x220: {  	v6 =	vld [tilespmem:s16+$0x10];
	[tilespmem:s24+$0xFFFFFEE0] =	vst v5  }
0x221: {  	[tilespmem:s11+$0x30] =	vst v8;
	s9 =	spop (v2sf);
	v5 =	vld [tilespmem:s1+$0x30]  }
0x222: {  	s1 =	rddreg [dreg:$0x5];
	v8 =	vld [tilespmem:s9+$0x0];
	[tilespmem:s26+$0x190] =	vst v3  }
0x223: {  	[dreg:$0x9] =	wrdreg s20;
	s20 =	smov.u32 s1;
	[tilespmem:s11+$0xFFFFFC30] =	vst v7;
	v3 =	vld [tilespmem:s25+$0x20]  }
0x224: {  	[dreg:$0x4] =	wrdreg s20;
	s20 =	spop (v2sf);
	[tilespmem:s24+$0x2F0] =	vst v4;
	v7 =	vld [tilespmem:s28+$0x0]  }
0x225: {  	[tilespmem:s26+$0xFFFFFD90] =	vst v6;
	v4 =	vld [tilespmem:s20+$0x0]  }
0x226: {  	v6 =	vld [tilespmem:s16+$0x20];
	[tilespmem:s24+$0xFFFFFEF0] =	vst v5  }
0x227: {  	[tilespmem:s11+$0x40] =	vst v8;
	v5 =	vld [tilespmem:s31+$0x0]  }
0x228: {  	v8 =	vld [tilespmem:s9+$0x10];
	[tilespmem:s26+$0x1A0] =	vst v3  }
0x229: {  	[tilespmem:s11+$0xFFFFFC40] =	vst v7;
	v3 =	vld [tilespmem:s25+$0x30]  }
0x22a: {  	(v2sf) =	vpush v2, $0x2;
	[tilespmem:s24+$0x300] =	vst v4;
	v7 =	vld [tilespmem:s28+$0x10]  }
0x22b: {  	[tilespmem:s26+$0xFFFFFDA0] =	vst v6;
	v4 =	vld [tilespmem:s20+$0x10]  }
0x22c: {  	v6 =	vld [tilespmem:s16+$0x30];
	[tilespmem:s24+$0xFFFFFF00] =	vst v5  }
0x22d: {  	(v2sf) =	vpush v0, $0xD;
	[tilespmem:s11+$0x50] =	vst v8;
	v5 =	vld [tilespmem:s31+$0x10]  }
0x22e: {  	s16 =	smov.u32 s6;
	s6 =	spop (v2sf);
	v8 =	vld [tilespmem:s9+$0x20];
	[tilespmem:s26+$0x1B0] =	vst v3  }
0x22f: {  	[tilespmem:s11+$0xFFFFFC50] =	vst v7;
	v3 =	vld [tilespmem:s6+$0x0]  }
0x230: {  	[tilespmem:s24+$0x310] =	vst v4;
	v7 =	vld [tilespmem:s28+$0x20]  }
0x231: {  	[tilespmem:s26+$0xFFFFFDB0] =	vst v6;
	v4 =	vld [tilespmem:s20+$0x20]  }
0x232: {  	v6 =	vld [tilespmem:s14+$0x0];
	[tilespmem:s24+$0xFFFFFF10] =	vst v5  }
0x233: {  	[tilespmem:s11+$0x60] =	vst v8;
	v5 =	vld [tilespmem:s31+$0x20]  }
0x234: {  	v8 =	vld [tilespmem:s9+$0x30];
	[tilespmem:s26+$0x1C0] =	vst v3  }
0x235: {  	[tilespmem:s11+$0xFFFFFC60] =	vst v7;
	v3 =	vld [tilespmem:s6+$0x10]  }
0x236: {  	[tilespmem:s24+$0x320] =	vst v4;
	v7 =	vld [tilespmem:s28+$0x30]  }
0x237: {  	(v2sf) =	vpush v1, $0x8;
	[tilespmem:s26+$0xFFFFFDC0] =	vst v6;
	v4 =	vld [tilespmem:s20+$0x30]  }
0x238: {  	s1 =	smov.u32 s12;
	s12 =	smov.u32 s15;
	v6 =	vld [tilespmem:s14+$0x10];
	[tilespmem:s24+$0xFFFFFF20] =	vst v5  }
0x239: {  	[dreg:$0x5] =	wrdreg s12;
	s12 =	spop (v2sf);
	[tilespmem:s11+$0x70] =	vst v8;
	v5 =	vld [tilespmem:s31+$0x30]  }
0x23a: {  	v8 =	vld [tilespmem:s12+$0x0];
	[tilespmem:s26+$0x1D0] =	vst v3  }
0x23b: {  	[tilespmem:s11+$0xFFFFFC70] =	vst v7;
	v3 =	vld [tilespmem:s6+$0x20]  }
0x23c: {  	s20 =	spop (v2sf);
	[tilespmem:s24+$0x330] =	vst v4;
	v7 =	vld [tilespmem:s21+$0x0]  }
0x23d: {  	[tilespmem:s26+$0xFFFFFDD0] =	vst v6;
	v4 =	vld [tilespmem:s20+$0x0]  }
0x23e: {  	v6 =	vld [tilespmem:s14+$0x20];
	[tilespmem:s24+$0xFFFFFF30] =	vst v5  }
0x23f: {  	[tilespmem:s11+$0x80] =	vst v8;
	v5 =	vld [tilespmem:s30+$0x0]  }
0x240: {  	v8 =	vld [tilespmem:s12+$0x10];
	[tilespmem:s26+$0x1E0] =	vst v3  }
0x241: {  	[tilespmem:s11+$0xFFFFFC80] =	vst v7;
	v3 =	vld [tilespmem:s6+$0x30]  }
0x242: {  	(v2sf) =	vpush v2, $0x3;
	[tilespmem:s24+$0x340] =	vst v4;
	v7 =	vld [tilespmem:s21+$0x10]  }
0x243: {  	[tilespmem:s26+$0xFFFFFDE0] =	vst v6;
	v4 =	vld [tilespmem:s20+$0x10]  }
0x244: {  	v6 =	vld [tilespmem:s14+$0x30];
	[tilespmem:s24+$0xFFFFFF40] =	vst v5  }
0x245: {  	(v2sf) =	vpush v0, $0xE;
	[tilespmem:s11+$0x90] =	vst v8;
	v5 =	vld [tilespmem:s30+$0x10]  }
0x246: {  	s14 =	smov.u32 s22;
	s22 =	spop (v2sf);
	v8 =	vld [tilespmem:s12+$0x20];
	[tilespmem:s26+$0x1F0] =	vst v3  }
0x247: {  	[tilespmem:s11+$0xFFFFFC90] =	vst v7;
	v3 =	vld [tilespmem:s22+$0x0]  }
0x248: {  	[tilespmem:s24+$0x350] =	vst v4;
	v7 =	vld [tilespmem:s21+$0x20]  }
0x249: {  	s28 =	rddreg [dreg:$0xa];
	[tilespmem:s26+$0xFFFFFDF0] =	vst v6;
	v4 =	vld [tilespmem:s20+$0x20]  }
0x24a: {  	v6 =	vld [tilespmem:s28+$0x0];
	[tilespmem:s24+$0xFFFFFF50] =	vst v5  }
0x24b: {  	[tilespmem:s11+$0xA0] =	vst v8;
	v5 =	vld [tilespmem:s30+$0x20]  }
0x24c: {  	v8 =	vld [tilespmem:s12+$0x30];
	[tilespmem:s26+$0x200] =	vst v3  }
0x24d: {  	[tilespmem:s11+$0xFFFFFCA0] =	vst v7;
	v3 =	vld [tilespmem:s22+$0x10]  }
0x24e: {  	[tilespmem:s24+$0x360] =	vst v4;
	v7 =	vld [tilespmem:s21+$0x30]  }
0x24f: {  	(v2sf) =	vpush v1, $0x9;
	[tilespmem:s26+$0xFFFFFE00] =	vst v6;
	v4 =	vld [tilespmem:s20+$0x30]  }
0x250: {  	v6 =	vld [tilespmem:s28+$0x10];
	[tilespmem:s24+$0xFFFFFF60] =	vst v5  }
0x251: {  	s6 =	spop (v2sf);
	[tilespmem:s11+$0xB0] =	vst v8;
	v5 =	vld [tilespmem:s30+$0x30]  }
0x252: {  	v8 =	vld [tilespmem:s6+$0x0];
	[tilespmem:s26+$0x210] =	vst v3  }
0x253: {  	[tilespmem:s11+$0xFFFFFCB0] =	vst v7;
	v3 =	vld [tilespmem:s22+$0x20]  }
0x254: {  	s12 =	spop (v2sf);
	[tilespmem:s24+$0x370] =	vst v4;
	v7 =	vld [tilespmem:s2+$0x0]  }
0x255: {  	[tilespmem:s26+$0xFFFFFE10] =	vst v6;
	v4 =	vld [tilespmem:s12+$0x0]  }
0x256: {  	v6 =	vld [tilespmem:s28+$0x20];
	[tilespmem:s24+$0xFFFFFF70] =	vst v5  }
0x257: {  	[tilespmem:s11+$0xC0] =	vst v8;
	v5 =	vld [tilespmem:s29+$0x0]  }
0x258: {  	v8 =	vld [tilespmem:s6+$0x10];
	[tilespmem:s26+$0x220] =	vst v3  }
0x259: {  	[tilespmem:s11+$0xFFFFFCC0] =	vst v7;
	v3 =	vld [tilespmem:s22+$0x30]  }
0x25a: {  	(v2sf) =	vpush v2, $0x4;
	[tilespmem:s24+$0x380] =	vst v4;
	v7 =	vld [tilespmem:s2+$0x10]  }
0x25b: {  	[tilespmem:s26+$0xFFFFFE20] =	vst v6;
	v4 =	vld [tilespmem:s12+$0x10]  }
0x25c: {  	v6 =	vld [tilespmem:s28+$0x30];
	[tilespmem:s24+$0xFFFFFF80] =	vst v5  }
0x25d: {  	(v2sf) =	vpush v0, $0xF;
	v0 =	vmov v1;
	v1 =	vmov v2;
	[tilespmem:s11+$0xD0] =	vst v8;
	v2 =	vld [tilespmem:s29+$0x10]  }
0x25e: {  	s21 =	spop (v2sf);
	v5 =	vld [tilespmem:s6+$0x20];
	[tilespmem:s26+$0x230] =	vst v3  }
0x25f: {  	[tilespmem:s11+$0xFFFFFCD0] =	vst v7;
	v3 =	vld [tilespmem:s21+$0x0]  }
0x260: {  	[tilespmem:s24+$0x390] =	vst v4;
	v7 =	vld [tilespmem:s2+$0x20]  }
0x261: {  	[tilespmem:s26+$0xFFFFFE30] =	vst v6;
	v4 =	vld [tilespmem:s12+$0x20]  }
0x262: {  	v6 =	vld [tilespmem:s13+$0x0];
	[tilespmem:s24+$0xFFFFFF90] =	vst v2  }
0x263: {  	[tilespmem:s11+$0xE0] =	vst v5;
	v2 =	vld [tilespmem:s29+$0x20]  }
0x264: {  	v5 =	vld [tilespmem:s6+$0x30];
	[tilespmem:s26+$0x240] =	vst v3  }
0x265: {  	[tilespmem:s11+$0xFFFFFCE0] =	vst v7;
	v3 =	vld [tilespmem:s21+$0x10]  }
0x266: {  	[tilespmem:s24+$0x3A0] =	vst v4;
	v7 =	vld [tilespmem:s2+$0x30]  }
0x267: {  	[tilespmem:s26+$0xFFFFFE40] =	vst v6;
	v4 =	vld [tilespmem:s12+$0x30]  }
0x268: {  	v6 =	vld [tilespmem:s13+$0x10];
	[tilespmem:s24+$0xFFFFFFA0] =	vst v2  }
0x269: {  	s25 =	smov.u32 s3;
	s3 =	spop (v2sf);
	[tilespmem:s11+$0xF0] =	vst v5;
	v2 =	vld [tilespmem:s29+$0x30]  }
0x26a: {  	v5 =	vld [tilespmem:s3+$0x0];
	[tilespmem:s26+$0x250] =	vst v3  }
0x26b: {  	[tilespmem:s11+$0xFFFFFCF0] =	vst v7;
	v3 =	vld [tilespmem:s21+$0x20]  }
0x26c: {  	s2 =	spop (v2sf);
	[tilespmem:s24+$0x3B0] =	vst v4;
	v7 =	vld [tilespmem:s18+$0x0]  }
0x26d: {  	s4 =	sadd.s32 $0x2, s4;
	[tilespmem:s26+$0xFFFFFE50] =	vst v6;
	v4 =	vld [tilespmem:s2+$0x0]  }
0x26e: {  	p6 =	slt.u32 s4, $0x6;
	s10 =	smov.u32 s0;
	v8 =	vld [tilespmem:s13+$0x20];
	[tilespmem:s24+$0xFFFFFFB0] =	vst v2  }
0x26f: {  	s15 =	smov.u32 s23;
	s31 =	smov.u32 s19;
	s19 =	rddreg [dreg:$0xb];
	[tilespmem:s11+$0x100] =	vst v5;
	v63 =	vld [tilespmem:s10+$0x0]  }
.Ltmp2:
0x270: {  	s23 =	rddreg [dreg:$0x9];
	s20 =	smov.u32 s19;
	v5 =	vld [tilespmem:s3+$0x10];
	[tilespmem:s26+$0x260] =	vst v3;
	(pc) =	sbr.rel @p6 .LBB2_6-.Ltmp2, $4  }
0x271: {  	[dreg:$0xa] =	wrdreg s20;
	[tilespmem:s11+$0xFFFFFD00] =	vst v7;
	v3 =	vld [tilespmem:s21+$0x30]  }
0x272: {  	s22 =	rddreg [dreg:$0x7];
	[tilespmem:s24+$0x3C0] =	vst v4;
	v6 =	vld [tilespmem:s18+$0x10]  }
0x273: {  	s8 =	sadd.s32 $0x20, s8;
	s30 =	smov.u32 s5;
	(v2sf) =	vpush v0, $0xA;
	s28 =	rddreg [dreg:$0x8];
	[tilespmem:s26+$0xFFFFFE60] =	vst v8;
	v2 =	vld [tilespmem:s2+$0x10]  }
0x274: {  	(v2sf) =	vpush v1, $0x5;
	s12 =	smov.u32 s23;
	s29 =	smov.u32 s22;
	v4 =	vld [tilespmem:s13+$0x30];
	[tilespmem:s24+$0xFFFFFFC0] =	vst v63;
	s13 =	smov.u32 s28  }
0x275: {  	_ =	sdelay $0x1  }
0x276: {  	[tilespmem:s11+$0x110] =	vst v5  }
0x277: {  	v5 =	vld [tilespmem:s3+$0x20];
	[tilespmem:s11+$0xFFFFFD10] =	vst v6  }
0x278: {  	v6 =	vld [tilespmem:s18+$0x20];
	_ =	sdelay $0x3  }
0x279: {  	[tilespmem:s11+$0x120] =	vst v5  }
0x27a: {  	v5 =	vld [tilespmem:s3+$0x30];
	[tilespmem:s11+$0xFFFFFD20] =	vst v6  }
0x27b: {  	v6 =	vld [tilespmem:s18+$0x30];
	_ =	sdelay $0x2  }
0x27c: {  	s18 =	spop (v2sf)  }
0x27d: {  	[tilespmem:s11+$0x130] =	vst v5;
	s19 =	spop (v2sf)  }
0x27e: {  	[tilespmem:s11+$0xFFFFFD30] =	vst v6;
	v5 =	vld [tilespmem:s19+$0x0]  }
0x27f: {  	v6 =	vld [tilespmem:s17+$0x0];
	_ =	sdelay $0x3  }
0x280: {  	[tilespmem:s11+$0x140] =	vst v5  }
0x281: {  	[tilespmem:s11+$0xFFFFFD40] =	vst v6;
	v5 =	vld [tilespmem:s19+$0x10]  }
0x282: {  	(v2sf) =	vpush v0, $0xB;
	v6 =	vld [tilespmem:s17+$0x10]  }
0x283: {  	(v2sf) =	vpush v1, $0x6;
	_ =	sdelay $0x2  }
0x284: {  	[tilespmem:s11+$0x150] =	vst v5  }
0x285: {  	[tilespmem:s11+$0xFFFFFD50] =	vst v6;
	v5 =	vld [tilespmem:s19+$0x20]  }
0x286: {  	v6 =	vld [tilespmem:s17+$0x20];
	_ =	sdelay $0x3  }
0x287: {  	[tilespmem:s11+$0x160] =	vst v5  }
0x288: {  	[tilespmem:s11+$0xFFFFFD60] =	vst v6;
	v5 =	vld [tilespmem:s19+$0x30]  }
0x289: {  	v6 =	vld [tilespmem:s17+$0x30];
	_ =	sdelay $0x2  }
0x28a: {  	s20 =	spop (v2sf)  }
0x28b: {  	s21 =	spop (v2sf);
	[tilespmem:s11+$0x170] =	vst v5  }
0x28c: {  	[tilespmem:s11+$0xFFFFFD70] =	vst v6;
	v5 =	vld [tilespmem:s21+$0x0]  }
0x28d: {  	v6 =	vld [tilespmem:s16+$0x0];
	_ =	sdelay $0x3  }
0x28e: {  	[tilespmem:s11+$0x180] =	vst v5  }
0x28f: {  	[tilespmem:s11+$0xFFFFFD80] =	vst v6;
	v5 =	vld [tilespmem:s21+$0x10]  }
0x290: {  	(v2sf) =	vpush v0, $0xC;
	v6 =	vld [tilespmem:s16+$0x10]  }
0x291: {  	(v2sf) =	vpush v1, $0x7;
	_ =	sdelay $0x2  }
0x292: {  	[tilespmem:s11+$0x190] =	vst v5  }
0x293: {  	[tilespmem:s11+$0xFFFFFD90] =	vst v6;
	v5 =	vld [tilespmem:s21+$0x20]  }
0x294: {  	v6 =	vld [tilespmem:s16+$0x20];
	_ =	sdelay $0x3  }
0x295: {  	[tilespmem:s11+$0x1A0] =	vst v5  }
0x296: {  	[tilespmem:s11+$0xFFFFFDA0] =	vst v6;
	v5 =	vld [tilespmem:s21+$0x30]  }
0x297: {  	v6 =	vld [tilespmem:s16+$0x30];
	_ =	sdelay $0x2  }
0x298: {  	s22 =	spop (v2sf)  }
0x299: {  	s23 =	spop (v2sf);
	[tilespmem:s11+$0x1B0] =	vst v5  }
0x29a: {  	[tilespmem:s11+$0xFFFFFDB0] =	vst v6;
	v5 =	vld [tilespmem:s23+$0x0]  }
0x29b: {  	v6 =	vld [tilespmem:s14+$0x0];
	_ =	sdelay $0x3  }
0x29c: {  	[tilespmem:s11+$0x1C0] =	vst v5  }
0x29d: {  	[tilespmem:s11+$0xFFFFFDC0] =	vst v6;
	v5 =	vld [tilespmem:s23+$0x10]  }
0x29e: {  	v6 =	vld [tilespmem:s14+$0x10]  }
0x29f: {  	(v2sf) =	vpush v0, $0xD  }
0x2a0: {  	(v2sf) =	vpush v1, $0x8;
	_ =	sdelay $0x1  }
0x2a1: {  	[tilespmem:s11+$0x1D0] =	vst v5  }
0x2a2: {  	[tilespmem:s11+$0xFFFFFDD0] =	vst v6;
	v5 =	vld [tilespmem:s23+$0x20]  }
0x2a3: {  	v6 =	vld [tilespmem:s14+$0x20];
	_ =	sdelay $0x3  }
0x2a4: {  	[tilespmem:s11+$0x1E0] =	vst v5  }
0x2a5: {  	[tilespmem:s11+$0xFFFFFDE0] =	vst v6;
	v5 =	vld [tilespmem:s23+$0x30]  }
0x2a6: {  	v6 =	vld [tilespmem:s14+$0x30];
	_ =	sdelay $0x3  }
0x2a7: {  	s8 =	spop (v2sf);
	[tilespmem:s11+$0x1F0] =	vst v5  }
0x2a8: {  	s28 =	spop (v2sf);
	[tilespmem:s11+$0xFFFFFDF0] =	vst v6  }
0x2a9: {  	v5 =	vld [tilespmem:s28+$0x0];
	s0 =	rddreg [dreg:$0xa]  }
0x2aa: {  	v6 =	vld [tilespmem:s0+$0x0];
	_ =	sdelay $0x3  }
0x2ab: {  	[tilespmem:s11+$0x200] =	vst v5  }
0x2ac: {  	v5 =	vld [tilespmem:s28+$0x10];
	[tilespmem:s11+$0xFFFFFE00] =	vst v6  }
0x2ad: {  	(v2sf) =	vpush v0, $0xE;
	v6 =	vld [tilespmem:s0+$0x10]  }
0x2ae: {  	(v2sf) =	vpush v1, $0x9;
	_ =	sdelay $0x2  }
0x2af: {  	[tilespmem:s11+$0x210] =	vst v5  }
0x2b0: {  	v5 =	vld [tilespmem:s28+$0x20];
	[tilespmem:s11+$0xFFFFFE10] =	vst v6  }
0x2b1: {  	v6 =	vld [tilespmem:s0+$0x20];
	_ =	sdelay $0x3  }
0x2b2: {  	[tilespmem:s11+$0x220] =	vst v5  }
0x2b3: {  	v5 =	vld [tilespmem:s28+$0x30];
	[tilespmem:s11+$0xFFFFFE20] =	vst v6  }
0x2b4: {  	v6 =	vld [tilespmem:s0+$0x30];
	_ =	sdelay $0x2  }
0x2b5: {  	s5 =	spop (v2sf)  }
0x2b6: {  	s4 =	spop (v2sf);
	[tilespmem:s11+$0x230] =	vst v5  }
0x2b7: {  	v5 =	vld [tilespmem:s4+$0x0];
	[tilespmem:s11+$0xFFFFFE30] =	vst v6  }
0x2b8: {  	v6 =	vld [tilespmem:s13+$0x0];
	_ =	sdelay $0x3  }
0x2b9: {  	[tilespmem:s11+$0x240] =	vst v5  }
0x2ba: {  	v5 =	vld [tilespmem:s4+$0x10];
	[tilespmem:s11+$0xFFFFFE40] =	vst v6  }
0x2bb: {  	v59 =	vld [tilespmem:s13+$0x10]  }
0x2bc: {  	(v2sf) =	vpush v0, $0xF  }
0x2bd: {  	(v2sf) =	vpush v1, $0xA;
	_ =	sdelay $0x1  }
0x2be: {  	[tilespmem:s11+$0x250] =	vst v5  }
0x2bf: {  	v5 =	vld [tilespmem:s4+$0x20];
	[tilespmem:s11+$0xFFFFFE50] =	vst v59  }
0x2c0: {  	v0 =	vld [tilespmem:s13+$0x20];
	_ =	sdelay $0x3  }
0x2c1: {  	[tilespmem:s11+$0x260] =	vst v5  }
0x2c2: {  	v5 =	vld [tilespmem:s4+$0x30];
	[tilespmem:s11+$0xFFFFFE60] =	vst v0  }
0x2c3: {  	v0 =	vld [tilespmem:s13+$0x30]  }
0x2c4: {  	[tilespmem:s26+$0x270] =	vst v3  }
0x2c5: {  	[tilespmem:s26+$0xFFFFFE70] =	vst v4;
	v3 =	vld [tilespmem:s18+$0x0]  }
0x2c6: {  	v4 =	vld [tilespmem:s1+$0x0]  }
0x2c7: {  	s4 =	spop (v2sf);
	[tilespmem:s11+$0x270] =	vst v5  }
0x2c8: {  	s6 =	spop (v2sf);
	[tilespmem:s11+$0xFFFFFE70] =	vst v0  }
0x2c9: {  	v5 =	vld [tilespmem:s6+$0x0];
	s9 =	rddreg [dreg:$0x6]  }
0x2ca: {  	[tilespmem:s26+$0x280] =	vst v3;
	v0 =	vld [tilespmem:s9+$0x0]  }
0x2cb: {  	[tilespmem:s26+$0xFFFFFE80] =	vst v4;
	v3 =	vld [tilespmem:s18+$0x10]  }
0x2cc: {  	v4 =	vld [tilespmem:s1+$0x10];
	_ =	sdelay $0x1  }
0x2cd: {  	[tilespmem:s11+$0x280] =	vst v5  }
0x2ce: {  	v5 =	vld [tilespmem:s6+$0x10];
	[tilespmem:s11+$0xFFFFFE80] =	vst v0  }
0x2cf: {  	[tilespmem:s26+$0x290] =	vst v3;
	v0 =	vld [tilespmem:s9+$0x10]  }
0x2d0: {  	[tilespmem:s26+$0xFFFFFE90] =	vst v4;
	v3 =	vld [tilespmem:s18+$0x20]  }
0x2d1: {  	(v2sf) =	vpush v1, $0xB;
	v4 =	vld [tilespmem:s1+$0x20];
	_ =	sdelay $0x1  }
0x2d2: {  	[tilespmem:s11+$0x290] =	vst v5  }
0x2d3: {  	v5 =	vld [tilespmem:s6+$0x20];
	[tilespmem:s11+$0xFFFFFE90] =	vst v0  }
0x2d4: {  	[tilespmem:s26+$0x2A0] =	vst v3;
	v0 =	vld [tilespmem:s9+$0x20]  }
0x2d5: {  	[tilespmem:s26+$0xFFFFFEA0] =	vst v4;
	v3 =	vld [tilespmem:s18+$0x30]  }
0x2d6: {  	v4 =	vld [tilespmem:s1+$0x30];
	_ =	sdelay $0x1  }
0x2d7: {  	[tilespmem:s11+$0x2A0] =	vst v5  }
0x2d8: {  	v5 =	vld [tilespmem:s6+$0x30];
	[tilespmem:s11+$0xFFFFFEA0] =	vst v0  }
0x2d9: {  	[tilespmem:s26+$0x2B0] =	vst v3;
	v0 =	vld [tilespmem:s9+$0x30]  }
0x2da: {  	[tilespmem:s26+$0xFFFFFEB0] =	vst v4  }
0x2db: {  	v3 =	vld [tilespmem:s20+$0x0];
	s13 =	rddreg [dreg:$0x4]  }
0x2dc: {  	v4 =	vld [tilespmem:s13+$0x0]  }
0x2dd: {  	[tilespmem:s11+$0x2B0] =	vst v5  }
0x2de: {  	s14 =	spop (v2sf);
	[tilespmem:s11+$0xFFFFFEB0] =	vst v0  }
0x2df: {  	v5 =	vld [tilespmem:s14+$0x0];
	s18 =	rddreg [dreg:$0x5]  }
0x2e0: {  	[tilespmem:s26+$0x2C0] =	vst v3;
	v0 =	vld [tilespmem:s18+$0x0]  }
0x2e1: {  	[tilespmem:s26+$0xFFFFFEC0] =	vst v4;
	v3 =	vld [tilespmem:s20+$0x10]  }
0x2e2: {  	v4 =	vld [tilespmem:s13+$0x10];
	_ =	sdelay $0x1  }
0x2e3: {  	[tilespmem:s11+$0x2C0] =	vst v5  }
0x2e4: {  	v5 =	vld [tilespmem:s14+$0x10];
	[tilespmem:s11+$0xFFFFFEC0] =	vst v0  }
0x2e5: {  	[tilespmem:s26+$0x2D0] =	vst v3;
	v0 =	vld [tilespmem:s18+$0x10]  }
0x2e6: {  	(v2sf) =	vpush v1, $0xC;
	[tilespmem:s26+$0xFFFFFED0] =	vst v4;
	v3 =	vld [tilespmem:s20+$0x20]  }
0x2e7: {  	v4 =	vld [tilespmem:s13+$0x20];
	_ =	sdelay $0x1  }
0x2e8: {  	[tilespmem:s11+$0x2D0] =	vst v5  }
0x2e9: {  	v5 =	vld [tilespmem:s14+$0x20];
	[tilespmem:s11+$0xFFFFFED0] =	vst v0  }
0x2ea: {  	[tilespmem:s26+$0x2E0] =	vst v3;
	v0 =	vld [tilespmem:s18+$0x20]  }
0x2eb: {  	[tilespmem:s26+$0xFFFFFEE0] =	vst v4;
	v3 =	vld [tilespmem:s20+$0x30]  }
0x2ec: {  	v4 =	vld [tilespmem:s13+$0x30];
	_ =	sdelay $0x1  }
0x2ed: {  	[tilespmem:s11+$0x2E0] =	vst v5  }
0x2ee: {  	v5 =	vld [tilespmem:s14+$0x30];
	[tilespmem:s11+$0xFFFFFEE0] =	vst v0  }
0x2ef: {  	[tilespmem:s26+$0x2F0] =	vst v3;
	v0 =	vld [tilespmem:s18+$0x30]  }
0x2f0: {  	[tilespmem:s26+$0xFFFFFEF0] =	vst v4;
	v3 =	vld [tilespmem:s22+$0x0]  }
0x2f1: {  	v4 =	vld [tilespmem:s31+$0x0];
	_ =	sdelay $0x1  }
0x2f2: {  	s19 =	spop (v2sf);
	[tilespmem:s11+$0x2F0] =	vst v5  }
0x2f3: {  	v5 =	vld [tilespmem:s19+$0x0];
	[tilespmem:s11+$0xFFFFFEF0] =	vst v0  }
0x2f4: {  	[tilespmem:s26+$0x300] =	vst v3;
	v0 =	vld [tilespmem:s25+$0x0]  }
0x2f5: {  	[tilespmem:s26+$0xFFFFFF00] =	vst v4;
	v3 =	vld [tilespmem:s22+$0x10]  }
0x2f6: {  	v4 =	vld [tilespmem:s31+$0x10];
	_ =	sdelay $0x1  }
0x2f7: {  	[tilespmem:s11+$0x300] =	vst v5  }
0x2f8: {  	v5 =	vld [tilespmem:s19+$0x10];
	[tilespmem:s11+$0xFFFFFF00] =	vst v0  }
0x2f9: {  	[tilespmem:s26+$0x310] =	vst v3;
	v0 =	vld [tilespmem:s25+$0x10]  }
0x2fa: {  	(v2sf) =	vpush v1, $0xD;
	[tilespmem:s26+$0xFFFFFF10] =	vst v4;
	v3 =	vld [tilespmem:s22+$0x20]  }
0x2fb: {  	v4 =	vld [tilespmem:s31+$0x20];
	_ =	sdelay $0x1  }
0x2fc: {  	[tilespmem:s11+$0x310] =	vst v5  }
0x2fd: {  	v5 =	vld [tilespmem:s19+$0x20];
	[tilespmem:s11+$0xFFFFFF10] =	vst v0  }
0x2fe: {  	[tilespmem:s26+$0x320] =	vst v3;
	v0 =	vld [tilespmem:s25+$0x20]  }
0x2ff: {  	[tilespmem:s26+$0xFFFFFF20] =	vst v4;
	v3 =	vld [tilespmem:s22+$0x30]  }
0x300: {  	v4 =	vld [tilespmem:s31+$0x30];
	_ =	sdelay $0x1  }
0x301: {  	[tilespmem:s11+$0x320] =	vst v5  }
0x302: {  	v5 =	vld [tilespmem:s19+$0x30];
	[tilespmem:s11+$0xFFFFFF20] =	vst v0  }
0x303: {  	[tilespmem:s26+$0x330] =	vst v3;
	v0 =	vld [tilespmem:s25+$0x30]  }
0x304: {  	[tilespmem:s26+$0xFFFFFF30] =	vst v4;
	v3 =	vld [tilespmem:s8+$0x0]  }
0x305: {  	v4 =	vld [tilespmem:s30+$0x0];
	_ =	sdelay $0x1  }
0x306: {  	s20 =	spop (v2sf);
	[tilespmem:s11+$0x330] =	vst v5  }
0x307: {  	v5 =	vld [tilespmem:s20+$0x0];
	[tilespmem:s11+$0xFFFFFF30] =	vst v0  }
0x308: {  	[tilespmem:s26+$0x340] =	vst v3;
	v0 =	vld [tilespmem:s15+$0x0]  }
0x309: {  	[tilespmem:s26+$0xFFFFFF40] =	vst v4;
	v3 =	vld [tilespmem:s8+$0x10]  }
0x30a: {  	v4 =	vld [tilespmem:s30+$0x10];
	_ =	sdelay $0x1  }
0x30b: {  	[tilespmem:s11+$0x340] =	vst v5  }
0x30c: {  	v5 =	vld [tilespmem:s20+$0x10];
	[tilespmem:s11+$0xFFFFFF40] =	vst v0  }
0x30d: {  	[tilespmem:s26+$0x350] =	vst v3;
	v0 =	vld [tilespmem:s15+$0x10]  }
0x30e: {  	(v2sf) =	vpush v1, $0xE;
	[tilespmem:s26+$0xFFFFFF50] =	vst v4;
	v3 =	vld [tilespmem:s8+$0x20]  }
0x30f: {  	v4 =	vld [tilespmem:s30+$0x20];
	_ =	sdelay $0x1  }
0x310: {  	[tilespmem:s11+$0x350] =	vst v5  }
0x311: {  	v5 =	vld [tilespmem:s20+$0x20];
	[tilespmem:s11+$0xFFFFFF50] =	vst v0  }
0x312: {  	[tilespmem:s26+$0x360] =	vst v3;
	v0 =	vld [tilespmem:s15+$0x20]  }
0x313: {  	[tilespmem:s26+$0xFFFFFF60] =	vst v4;
	v3 =	vld [tilespmem:s8+$0x30]  }
0x314: {  	v4 =	vld [tilespmem:s30+$0x30];
	_ =	sdelay $0x1  }
0x315: {  	[tilespmem:s11+$0x360] =	vst v5  }
0x316: {  	v5 =	vld [tilespmem:s20+$0x30];
	[tilespmem:s11+$0xFFFFFF60] =	vst v0  }
0x317: {  	[tilespmem:s26+$0x370] =	vst v3;
	v0 =	vld [tilespmem:s15+$0x30]  }
0x318: {  	[tilespmem:s26+$0xFFFFFF70] =	vst v4;
	v3 =	vld [tilespmem:s5+$0x0]  }
0x319: {  	v4 =	vld [tilespmem:s29+$0x0];
	_ =	sdelay $0x1  }
0x31a: {  	s21 =	spop (v2sf);
	[tilespmem:s11+$0x370] =	vst v5  }
0x31b: {  	v5 =	vld [tilespmem:s21+$0x0];
	[tilespmem:s11+$0xFFFFFF70] =	vst v0  }
0x31c: {  	[tilespmem:s26+$0x380] =	vst v3;
	v0 =	vld [tilespmem:s12+$0x0]  }
0x31d: {  	[tilespmem:s26+$0xFFFFFF80] =	vst v4;
	v3 =	vld [tilespmem:s5+$0x10]  }
0x31e: {  	v4 =	vld [tilespmem:s29+$0x10];
	_ =	sdelay $0x1  }
0x31f: {  	[tilespmem:s11+$0x380] =	vst v5  }
0x320: {  	v5 =	vld [tilespmem:s21+$0x10];
	[tilespmem:s11+$0xFFFFFF80] =	vst v0  }
0x321: {  	[tilespmem:s26+$0x390] =	vst v3;
	v0 =	vld [tilespmem:s12+$0x10]  }
0x322: {  	[tilespmem:s26+$0xFFFFFF90] =	vst v4;
	v60 =	vld [tilespmem:s5+$0x20]  }
0x323: {  	(v2sf) =	vpush v1, $0xF;
	v61 =	vld [tilespmem:s29+$0x20];
	_ =	sdelay $0x1  }
0x324: {  	[tilespmem:s11+$0x390] =	vst v5  }
0x325: {  	v62 =	vld [tilespmem:s21+$0x20];
	[tilespmem:s11+$0xFFFFFF90] =	vst v0  }
0x326: {  	[tilespmem:s26+$0x3A0] =	vst v60;
	v0 =	vld [tilespmem:s12+$0x20]  }
0x327: {  	[tilespmem:s26+$0xFFFFFFA0] =	vst v61;
	v1 =	vld [tilespmem:s5+$0x30]  }
0x328: {  	v3 =	vld [tilespmem:s29+$0x30];
	_ =	sdelay $0x1  }
0x329: {  	[tilespmem:s11+$0x3A0] =	vst v62  }
0x32a: {  	[tilespmem:s11+$0xFFFFFFA0] =	vst v0  }
0x32b: {  	v4 =	vld [tilespmem:s21+$0x30];
	[tilespmem:s26+$0x3B0] =	vst v1  }
0x32c: {  	[tilespmem:s26+$0xFFFFFFB0] =	vst v3;
	v0 =	vld [tilespmem:s12+$0x30]  }
0x32d: {  	v1 =	vld [tilespmem:s4+$0x0];
	s22 =	rddreg [dreg:$0x3]  }
0x32e: {  	v3 =	vld [tilespmem:s22+$0x0];
	_ =	sdelay $0x1  }
0x32f: {  	v63 =	vld [tilespmem:s10+$0x10];
	s23 =	spop (v2sf);
	[tilespmem:s11+$0x3B0] =	vst v4  }
0x330: {  	v4 =	vld [tilespmem:s23+$0x0];
	[tilespmem:s11+$0xFFFFFFB0] =	vst v0  }
0x331: {  	[tilespmem:s26+$0x3C0] =	vst v1;
	v0 =	vld [tilespmem:s7+$0x0]  }
0x332: {  	v1 =	vld [tilespmem:s4+$0x10];
	[tilespmem:s26+$0xFFFFFFC0] =	vst v3  }
0x333: {  	[tilespmem:s24+$0x3D0] =	vst v2;
	v3 =	vld [tilespmem:s22+$0x10]  }
0x334: {  	[tilespmem:s24+$0xFFFFFFD0] =	vst v63;
	v2 =	vld [tilespmem:s2+$0x20]  }
0x335: {  	v5 =	vld [tilespmem:s10+$0x20];
	[tilespmem:s11+$0x3C0] =	vst v4  }
0x336: {  	v4 =	vld [tilespmem:s23+$0x10];
	[tilespmem:s11+$0xFFFFFFC0] =	vst v0  }
0x337: {  	[tilespmem:s26+$0x3D0] =	vst v1;
	v0 =	vld [tilespmem:s7+$0x10]  }
0x338: {  	v1 =	vld [tilespmem:s4+$0x20];
	[tilespmem:s26+$0xFFFFFFD0] =	vst v3  }
0x339: {  	[tilespmem:s24+$0x3E0] =	vst v2;
	v3 =	vld [tilespmem:s22+$0x20]  }
0x33a: {  	[tilespmem:s24+$0xFFFFFFE0] =	vst v5;
	v2 =	vld [tilespmem:s2+$0x30]  }
0x33b: {  	v5 =	vld [tilespmem:s10+$0x30];
	[tilespmem:s11+$0x3D0] =	vst v4  }
0x33c: {  	v4 =	vld [tilespmem:s23+$0x20];
	[tilespmem:s11+$0xFFFFFFD0] =	vst v0  }
0x33d: {  	[tilespmem:s26+$0x3E0] =	vst v1;
	v0 =	vld [tilespmem:s7+$0x20]  }
0x33e: {  	v1 =	vld [tilespmem:s4+$0x30];
	[tilespmem:s26+$0xFFFFFFE0] =	vst v3  }
0x33f: {  	[tilespmem:s24+$0x3F0] =	vst v2;
	v3 =	vld [tilespmem:s22+$0x30]  }
0x340: {  	[tilespmem:s24+$0xFFFFFFF0] =	vst v5  }
0x341: {  	[tilespmem:s11+$0x3E0] =	vst v4  }
0x342: {  	[tilespmem:s11+$0xFFFFFFE0] =	vst v0  }
0x343: {  	v4 =	vld [tilespmem:s23+$0x30];
	s25 =	rddreg [dreg:$0x17];
	[tilespmem:s26+$0x3F0] =	vst v1  }
0x344: {  	v0 =	vld [tilespmem:s7+$0x30];
	[tilespmem:s26+$0xFFFFFFF0] =	vst v3  }
0x345: {  	s0 =	sand.u32 $0xFFFF, s25;
	s4 =	rddreg [dreg:$0xd]  }
0x346: {  	s8 =	rddreg [dreg:$0x16];
	p0 =	sne.s32 s0, $0x0  }
0x347: {  	s0 =	sadd.s32 @!p0 s4, s8  }
0x348: {  	s3 =	rddreg [dreg:$0x1];
	[tilespmem:s11+$0x3F0] =	vst v4;
	s0 =	sshll.u32 @!p0 s0, $0xA  }
0x349: {  	s1 =	simm.s32 @!p0 $0x0;
	s2 =	simm.s32 @!p0 $0x2900;
	[tilespmem:s11+$0xFFFFFFF0] =	vst v0;
	s0 =	sadd.s32 @!p0 s3, s0  }
0x34a: {  	[hbm4b:s0+s1] =	stream.linear.scatter @!p0 [tilespmem:s2], [sflag:$0x1], $0x2000, $0x38;
	[tilespmem:$0xE900] =	vst v63  }
0x34b: {  	s0 =	sadd.s32 @p5 s4, s8  }
0x34c: {  	s1 =	simm.s32 @p5 $0x0;
	s0 =	sshll.u32 @p5 s0, $0xA  }
0x34d: {  	s2 =	simm.s32 @p5 $0x4900;
	s26 =	sld [smem:$0x7FB];
	s0 =	sadd.s32 @p5 s3, s0  }
0x34e: {  	[hbm4b:s0+s1] =	stream.linear.scatter @p5 [tilespmem:s2], [sflag:$0x2], $0x2000, $0x38;
	[tilespmem:$0xE900] =	vst v63  }
0x34f: {  	s0 =	sadd.s32 @p1 s4, s8  }
0x350: {  	s28 =	sld [smem:$0x7FC];
	s1 =	simm.s32 @p1 $0x0;
	s0 =	sshll.u32 @p1 s0, $0xA  }
0x351: {  	s2 =	simm.s32 @p1 $0x6900;
	p5 =	seq.s32 s26, $0x1;
	s0 =	sadd.s32 @p1 s3, s0  }
0x352: {  	[hbm4b:s0+s1] =	stream.linear.scatter @p1 [tilespmem:s2], [sflag:$0x3], $0x2000, $0x38;
	[tilespmem:$0xE900] =	vst v63  }
0x353: {  	s0 =	sadd.s32 @p5 s4, s8  }
0x354: {  	p0 =	seq.s32 s28, $0x1;
	s0 =	sshll.u32 @p5 s0, $0xA  }
0x355: {  	s1 =	simm.s32 @p5 $0x0;
	s2 =	simm.s32 @p5 $0x8900;
	s0 =	sadd.s32 @p5 s3, s0  }
0x356: {  	[hbm4b:s0+s1] =	stream.linear.scatter @p5 [tilespmem:s2], [sflag:$0x4], $0x2000, $0x38;
	[tilespmem:$0xE900] =	vst v63  }
0x357: {  	s0 =	sadd.s32 @p0 s4, s8  }
0x358: {  	s29 =	sld [smem:$0x7FA];
	s0 =	sshll.u32 @p0 s0, $0xA  }
0x359: {  	s1 =	simm.s32 @p0 $0x0;
	s2 =	simm.s32 @p0 $0xA900;
	s0 =	sadd.s32 @p0 s3, s0  }
0x35a: {  	[hbm4b:s0+s1] =	stream.linear.scatter @p0 [tilespmem:s2], [sflag:$0x5], $0x2000, $0x38;
	[tilespmem:$0xE900] =	vst v63  }
0x35b: {  	p0 =	seq.s32 s29, $0x1  }
0x35c: {  	s0 =	sadd.s32 @p0 s4, s8  }
0x35d: {  	s1 =	simm.s32 @p0 $0x0;
	s0 =	sshll.u32 @p0 s0, $0xA  }
0x35e: {  	s2 =	simm.s32 @p0 $0xC900;
	s8 =	sadd.s32 $0x1, s8;
	s0 =	sadd.s32 @p0 s3, s0  }
0x35f: {  	[hbm4b:s0+s1] =	stream.linear.scatter @p0 [tilespmem:s2], [sflag:$0x6], $0x2000, $0x38;
	[tilespmem:$0xE900] =	vst v63  }
0x360: {  	p0 =	sne.s32 s8, $0x320  }
.Ltmp3:
0x361: {  	_ = 	snop;
	(pc) =	sbr.rel @p0 .LBB2_2-.Ltmp3, $4  }
0x362: {  	s30 =	rddreg [dreg:$0x15]  }
0x363: {  	s6 =	rddreg [dreg:$0x14]  }
0x364: {  	s31 =	rddreg [dreg:$0x13]  }
0x365: {  	s7 =	sadd.s32 $0x1, s30;
	s6 =	sadd.s32 $0x2000, s6;
	s5 =	sadd.s32 $0x1, s31  }
0x366: {  	s0 =	simm.s32 $0x3  }
0x367: {  	_ =	swait.ge [sflag:s0], $0x2000  }
0x368: {  	[sflag:s0] =	ssyncset.done $0x0  }
0x369: {  	s26 =	simm.s32 $0x4;
	[sflag:s0] =	ssyncadd.s32 $0xFFFFE000  }
0x36a: {  	_ =	swait.ge [sflag:s26], $0x2000  }
0x36b: {  	[sflag:s26] =	ssyncset.done $0x0  }
0x36c: {  	s28 =	simm.s32 $0x5;
	[sflag:s26] =	ssyncadd.s32 $0xFFFFE000  }
0x36d: {  	_ =	swait.ge [sflag:s28], $0x2000  }
0x36e: {  	[sflag:s28] =	ssyncset.done $0x0  }
0x36f: {  	s29 =	simm.s32 $0x6;
	[sflag:s28] =	ssyncadd.s32 $0xFFFFE000  }
0x370: {  	_ =	swait.ge [sflag:s29], $0x2000  }
0x371: {  	[sflag:s29] =	ssyncset.done $0x0  }
0x372: {  	s30 =	simm.s32 $0x1;
	[sflag:s29] =	ssyncadd.s32 $0xFFFFE000  }
0x373: {  	_ =	swait.ge [sflag:s30], $0x2000  }
0x374: {  	[sflag:s30] =	ssyncset.done $0x0  }
0x375: {  	s1 =	simm.s32 $0x2;
	[sflag:s30] =	ssyncadd.s32 $0xFFFFE000  }
0x376: {  	_ =	swait.ge [sflag:s1], $0x2000  }
0x377: {  	s2 =	rddreg [dreg:$0x12]  }
0x378: {  	s31 =	rddreg [dreg:$0x11];
	s2 =	sadd.s32 $0x1, s2  }
0x379: {  	p0 =	sne.s32 s2, s31  }
.Ltmp4:
0x37a: {  	_ = 	snop;
	(pc) =	sbr.rel @p0 .LBB2_1-.Ltmp4, $3  }
0x37b: {  	_ =	sdelay $0x1  }
0x37c: {  	[sflag:s1] =	ssyncset.done $0x0  }
0x37d: {  	[sflag:s1] =	ssyncadd.s32 $0xFFFFE000  }
0x37e: {  	_ =	sfence.sel $0x180000  }
0x37f: {  	[bflag:$0x0] =	sbarrier.arrive $0xFFFF  }
0x380: {  	_ =	strace $0x90000047  }
0x381: {  	s0 =	stileid.u32;
	[bflag:$0x2] =	sbarrier.arrive $0xFFFF  }
0x382: {  	p0 =	sne.s32 s0, $0x0;
	s0 =	rddreg [dreg:$0x2]  }
0x383: {  	s0 =	sadd.s32 @!p0 $0x100000, s0  }
0x384: {  	[sflag:s0] =	ssyncadd.tile.s32 @!p0 $0x1;
	_ =	shalt  }
.Lfunc_end2:
_tile_overlayer_lowered:
.L_overlay_start_2:
0x385: {  	(tag) =	ssettag $0x2  }
0x386: {  	s0 =	rddreg [dreg:$0x0];
	s2 =	stileid.u32  }
0x387: {  	s1 =	rddreg [dreg:$0x1];
	p0 =	sne.s32 s2, $0x0  }
0x388: {  	s3 =	rddreg [dreg:$0x2];
	[bflag:$0x3] =	sbarrier.arrive $0xFFFF;
	s2 =	simm.s32 @!p0 $0x1C09  }
0x389: {  	[timem:s3], [sflag:s2] =	dma.local @!p0 [hbm:s0], s1  }
0x38a: {  	s0 =	simm.s32 @!p0 $0x9  }
0x38b: {  	_ =	swait.ge @!p0 [sflag:s0], s1  }
0x38c: {  	s1 =	ssub.s32 @!p0 $0x0, s1;
	[sflag:s0] =	ssyncset.done @!p0 $0x0  }
0x38d: {  	[sflag:s0] =	ssyncadd.s32 @!p0 s1  }
0x38e: {  	[bflag:$0x3] =	sbarrier.arrive $0xFFFF  }
0x38f: {  	_ =	shalt  }

// kernel: sparse-core-data-format-call.cloned.1.call-start
scs
called_computation_lowered:
.L_overlay_start_0:
0x0: {  	s2 =	sld [smem:$0x3FD9]  }
0x1: {  	s3 =	sld [smem:$0x3FFE];
	_ =	sdelay $0x1  }
0x2: {  	s1 =	srdreg.scid  }
0x3: {  	s0 =	sand.u32 $0x1, s1  }
0x4: {  	s18 =	sshll.u32 s0, $0xA;
	s2 =	sadd.s32 s3, s2  }
0x5: {  	s2 =	sadd.s32 s2, s18  }
0x6: {  	[smem:$0x3FC6] =	sst s2  }
0x7: {  	_ = 	snop  }
0x8: {  	s2 =	sld [smem:$0x3FD0];
	(tm) =	ssettm $0x1  }
0x9: {  	s19 =	sld [smem:$0x3FFB];
	_ =	sdelay $0x3  }
0xa: {  	_ =	strace s19  }
0xb: {  	s3 =	sld [smem:$0x3FFC];
	_ =	sdelay $0x3  }
0xc: {  	_ =	strace s3  }
0xd: {  	s3 =	sld [smem:$0x3FFD];
	_ =	sdelay $0x3  }
0xe: {  	_ =	strace s3  }
0xf: {  	_ =	strace $0x8FFFFFFF  }
0x10: {  	s20 =	sld [smem:$0x3FDB];
	_ =	sdelay $0x1  }
0x11: {  	s4 =	simm.s32 $_scs_section_size  }
0x12: {  	s5 =	simm.s32 $_size__tile_overlayer_lowered;
	s6 =	simm.s32 $_tile_overlayer_lowered  }
0x13: {  	s23 =	simm.s32 $0x1BFF;
	s22 =	sshll.u32 s6, $0x1;
	s3 =	sadd.s32 s4, s20  }
0x14: {  	s7 =	simm.s32 $0x0;
	s21 =	sshll.u32 s5, $0x1;
	s5 =	sadd.s32 s22, s3  }
0x15: {  	[timem:s7], [sflag:s23] =	dma.local [hbm:s5], s21  }
0x16: {  	_ =	swait.ge [sflag:s23], s21  }
0x17: {  	s4 =	ssub.s32 $0x0, s21;
	[sflag:s23] =	ssyncset.done $0x0  }
0x18: {  	[sflag:s23] =	ssyncadd.s32 s4;
	_ =	sdelay $0x1  }
0x19: {  	s24 =	simm.s32 $0x1B8B  }
0x1a: {  	_ =	swait.ge [sflag:s24], $0x1  }
0x1b: {  	[sflag:s24] =	ssyncset.done $0x0  }
0x1c: {  	s26 =	simm.s32 $0x1B8E;
	s25 =	sld [smem:$0x3FFE];
	[sflag:s24] =	ssyncadd.s32 $0xFFFFFFFF  }
0x1d: {  	s27 =	simm.s32 $execute0_lowered;
	[smem:$0x3FD2] =	sst s26  }
0x1e: {  	s5 =	sshll.u32 s27, $0x1;
	_ =	strace $0x80000049;
	[dreg:$0x1] =	wrdreg $0xFFFFFFFF  }
0x1f: {  	s28 =	simm.s32 $_size_execute0_lowered;
	s3 =	sadd.s32 s3, s5;
	[dreg:$0x0] =	wrdreg $0x0  }
0x20: {  	s5 =	sshll.u32 s28, $0x1;
	[dreg:$0x2] =	wrdreg s3  }
0x21: {  	[dreg:$0x3] =	wrdreg s5  }
0x22: {  	[dreg:$0x4] =	wrdreg $0xC0  }
0x23: {  	_ =	task [dreg:s7], $0x5FFFF  }
0x24: {  	[dreg:$0x1] =	wrdreg $0xFFFFFFFF  }
0x25: {  	[dreg:$0x0] =	wrdreg $0x60  }
0x26: {  	[dreg:$0x2] =	wrdreg s25  }
0x27: {  	[dreg:$0x3] =	wrdreg s2  }
0x28: {  	[dreg:$0x4] =	wrdreg $0x9  }
0x29: {  	_ =	task.clear_ibuf [dreg:s7], $0x5FFFF;
	_ =	strace $0x90000049  }
0x2a: {  	s29 =	simm.s32 $0x9;
	_ =	strace $0x8000004B  }
0x2b: {  	_ =	swait.ge [sflag:s29], $0x1  }
0x2c: {  	[sflag:s29] =	ssyncadd.s32 $0xFFFFFFFF  }
0x2d: {  	_ =	strace $0x9000004B  }
0x2e: {  	_ =	sfence  }
0x2f: {  	s30 =	sld [smem:$0x0];
	_ =	sdelay $0x2  }
0x30: {  	s31 =	sshll.u32 s1, $0xD;
	s1 =	sshrl.u32 s1, $0x2  }
0x31: {  	s3 =	sand.u32 $0x4000, s31;
	s1 =	sadd.s32 s1, s30  }
0x32: {  	s0 =	sor.u32 s3, s0;
	s1 =	sshll.u32 s1, $0x11  }
0x33: {  	s0 =	sor.u32 s1, s0  }
0x34: {  	s0 =	sadd.s32 $0x8F2B, s0  }
0x35: {  	[sflag:s0] =	ssyncadd.remote.s32 $0x1  }
0x36: {  	_ =	sfence.sel $0xFFFF  }
0x37: {  	[dreg:$0x0] =	wrdreg $0xFFFFFFFF;
	(pc) =	sbr.abs _section_cstart, $3  }
0x38: {  	[dreg:$0x1] =	wrdreg $0xFFFFFFFF  }
0x39: {  	_ =	task.clear_ibuf [dreg:s7], $0x2FFFF;
	_ =	strace $0x9FFFFFFF  }
0x3a: {  	(tm) =	ssettm $0x7FFFFFFF  }
0x3b: {  	_ =	shalt  }
tec
execute0_lowered:
.L_overlay_start_1:
0x0: {  	(tag) =	ssettag $0x1  }
0x1: {  	s0 =	srdreg.scid  }
0x2: {  	s1 =	sshll.u32 s0, $0x4  }
0x3: {  	s0 =	stileid.u32;
	s1 =	sand.u32 $0x10, s1  }
0x4: {  	s1 =	sor.u32 s0, s1  }
0x5: {  	s6 =	rddreg [dreg:$0x0];
	s4 =	simm.s32 $0x1;
	s2 =	sshll.u32 s1, $0x7  }
0x6: {  	s7 =	simm.s32 $0x2;
	s12 =	simm.s32 $0x0;
	s1 =	ssub.s32 $0x4000, s2  }
0x7: {  	s8 =	simm.s32 $0x20000;
	s13 =	simm.s32 $0x0;
	s3 =	sand.u32 $0xF80, s1  }
0x8: {  	s9 =	simm.s32 $0x0;
	s5 =	sshrl.u32 s1, $0xC;
	p0 =	sne.s32 s3, $0x0  }
.Ltmp0:
0x9: {  	s1 =	rddreg [dreg:$0x2];
	s4 =	simm.s32 @!p0 $0x0;
	(pc) =	sbr.rel .LBB1_1-.Ltmp0, $4  }
0xa: {  	s11 =	simm.s32 $0x0;
	s3 =	rddreg [dreg:$0x1];
	s5 =	sadd.s32 s4, s5  }
0xb: {  	_ =	strace $0x8000004A;
	s4 =	simm.s32 $0x1;
	s5 =	smul.u32 $0xC8, s5  }
0xc: {  	s6 =	sadd.s32 $0x800, s6;
	s10 =	smov.u32 s2;
	[sflag:s4] =	ssyncpa.u1 $0x0  }
0xd: {  	p0 =	por $0x0, $0x0;
	[sflag:s7] =	ssyncpa.u1 $0x0;
	s7 =	sor.u32 $0x1, s5  }
.LBB1_4:
0xe: {  	s16 =	sshll.u32 s13, $0x3;
	s17 =	sand.u32 $0x78, s13  }
0xf: {  	s30 =	sand.u32 $0x1F800, s13;
	s12 =	sshll.u32 s12, $0x11;
	s16 =	sand.u32 $0x3C00, s16  }
0x10: {  	[tilespmem:s15+$0x810 ss:$0x81] =	vst.msk $0xffff, v2;
	s31 =	sand.u32 $0x7, s13;
	s16 =	sor.u32 s17, s16;
	s17 =	sadd.s32 s3, s30  }
0x11: {  	[tilespmem:s15+$0x1020 ss:$0x81] =	vst.msk $0xffff, v0;
	s13 =	sshll.u32 s31, $0x12;
	s12 =	sadd.s32 s12, s17;
	s16 =	sshrl.u32 s16, $0x3  }
0x12: {  	[tilespmem:s15+$0x0 ss:$0x81] =	vst.msk $0xffff, v1;
	s13 =	sor.u32 $0x400, s13;
	s12 =	sadd.s32 s16, s12  }
0x13: {  	[hbm4b:s12+s13] =	stream.strided.scatter [tilespmem:s14], [sflag:$0x2], $0x2000, s8, s13, $0x20;
	[tilespmem:$0x8080] =	vst v63  }
.LBB1_5:
0x14: {  	s14 =	sadd.s32 $0x1, s9  }
0x15: {  	s12 =	sadd.s32 $0x1000, s10;
	s16 =	smov.u32 s10;
	p2 =	sgt.s32 s14, $0xC7  }
0x16: {  	s16 =	smov.u32 @p2 s12  }
0x17: {  	s14 =	simm.s32 @p2 $0x0;
	p2 =	sgt.s32 s16, $0x3FFF  }
0x18: {  	s16 =	smov.u32 @p2 s2;
	p2 =	sne.s32 s11, s7  }
.Ltmp1:
0x19: {  	p1 =	slt.u32 s11, $0x2;
	(pc) =	sbr.rel @!p2 .LBB1_6-.Ltmp1, $4  }
0x1a: {  	s15 =	simm.s32 @!p1 $0x2  }
0x1b: {  	s13 =	smov.u32 s10;
	p0 =	por !p0, !p0;
	_ =	swait.ge @!p1 [sflag:s15], $0x2000  }
0x1c: {  	s12 =	smov.u32 s9;
	[sflag:s15] =	ssyncset.done @!p1 $0x0;
	s9 =	smov.u32 s14  }
0x1d: {  	s11 =	sadd.s32 $0x1, s11;
	[sflag:s15] =	ssyncadd.s32 @!p1 $0xFFFFE000;
	s10 =	smov.u32 s16  }
.LBB1_1:
0x1e: {  	p1 =	sge.u32 s11, s5  }
0x1f: {  	s14 =	sand.u32 @!p1 $0x1FFFFFF, s9  }
0x20: {  	s15 =	smulhi.u32 @!p1 $0x147AE15, s14;
	_ =	sdelay $0x1  }
0x21: {  	s15 =	smul.u32 @!p1 $0xC8, s15  }
0x22: {  	s16 =	sxor.u32 @!p1 $0xFFFFFFFF, s11;
	s17 =	smul.u32 @!p1 $0xC80, s10  }
0x23: {  	s31 =	sadd.s32 $0xFFFFFFFF, s11;
	s16 =	sshll.u32 @!p1 s16, $0xD;
	s14 =	ssub.s32 @!p1 s14, s15  }
0x24: {  	s15 =	sand.u32 @!p1 $0x2000, s16;
	s16 =	sadd.s32 @!p1 s6, s17;
	s14 =	sshll.u32 @!p1 s14, $0x4  }
0x25: {  	s17 =	simm.s32 @!p1 $0x6400;
	s14 =	sadd.s32 @!p1 s14, s16;
	s16 =	simm.s32 @!p1 $0x40  }
0x26: {  	[tilespmem:s15], [sflag:$0x1] =	stream.strided.gather @!p1 [hbm4b:s14+s16], $0x2000, s17, s16, $0x38;
	[tilespmem:$0x8080] =	vst v63  }
0x27: {  	p1 =	sge.u32 s31, s5  }
.Ltmp2:
0x28: {  	_ = 	snop;
	(pc) =	sbr.rel @p1 .LBB1_5-.Ltmp2, $1  }
0x29: {  	_ =	sdelay $0x3  }
0x2a: {  	s14 =	simm.s32 $0x1  }
0x2b: {  	_ =	swait.ge [sflag:s4], $0x2000;
	s14 =	simm.s32 @!p0 $0x0  }
0x2c: {  	[sflag:s4] =	ssyncset.done $0x0;
	s15 =	sshll.u32 s14, $0xD  }
0x2d: {  	[sflag:s4] =	ssyncadd.s32 $0xFFFFE000;
	s18 =	sor.u32 $0x20, s15  }
0x2e: {  	s14 =	smul.u32 $0x8100, s14;
	v3 =	vld [tilespmem:s18+$0x10]  }
0x2f: {  	s30 =	sand.u32 $0x1, s11;
	v2 =	vld [tilespmem:s18+$0xFFFFFFF0]  }
0x30: {  	s15 =	smul.u32 $0x8100, s30;
	s14 =	sshrl.u32 s14, $0x2;
	v0 =	vld [tilespmem:s18+$0x0]  }
0x31: {  	v1 =	vld [tilespmem:s18+$0xFFFFFFE0];
	s16 =	sor.u32 $0x4000, s14  }
0x32: {  	s31 =	sshrl.u32 s15, $0x2;
	s15 =	sadd.s32 $0x0, s16  }
0x33: {  	s17 =	simm.s32 $0x4;
	s18 =	sadd.s32 $0x40, s18;
	s14 =	sor.u32 $0x4000, s31;
	[tilespmem:s15+$0x1830 ss:$0x81] =	vst.msk $0xffff, v3  }
.LBB1_3:
0x34: {  	v3 =	vld [tilespmem:s18+$0x10];
	p1 =	sne.s32 s17, $0x1FC;
	[tilespmem:s15+$0x810 ss:$0x81] =	vst.msk $0xffff, v2;
	s19 =	smov.u32 s17;
	s17 =	sadd.s32 $0x4, s17  }
.Ltmp3:
0x35: {  	v2 =	vld [tilespmem:s18+$0xFFFFFFF0];
	[tilespmem:s15+$0x1020 ss:$0x81] =	vst.msk $0xffff, v0;
	(pc) =	sbr.rel @p1 .LBB1_3-.Ltmp3, $4  }
0x36: {  	v0 =	vld [tilespmem:s18+$0x0];
	[tilespmem:s15+$0x0 ss:$0x81] =	vst.msk $0xffff, v1  }
0x37: {  	s15 =	sshra.s32 s19, $0x2;
	v1 =	vld [tilespmem:s18+$0xFFFFFFE0]  }
0x38: {  	s15 =	sadd.s32 s15, s16  }
0x39: {  	s18 =	sadd.s32 $0x40, s18;
	[tilespmem:s15+$0x1830 ss:$0x81] =	vst.msk $0xffff, v3  }
.Ltmp4:
0x3a: {  	_ = 	snop;
	(pc) =	sbr.rel .LBB1_4-.Ltmp4, $1  }
0x3b: {  	_ =	sdelay $0x3  }
.LBB1_6:
0x3c: {  	_ =	sfence.sel $0x180000  }
0x3d: {  	s2 =	simm.s32 $0x1;
	[bflag:$0x0] =	sbarrier.arrive $0xFFFF  }
0x3e: {  	s31 =	simm.s32 $0x2;
	[sflag:s2] =	ssyncpa.u1 $0x1  }
0x3f: {  	[sflag:s31] =	ssyncpa.u1 $0x1  }
0x40: {  	p0 =	sne.s32 s0, $0x0;
	_ =	strace $0x9000004A  }
0x41: {  	s0 =	sadd.s32 @!p0 $0x100000, s1;
	[bflag:$0x2] =	sbarrier.arrive $0xFFFF  }
0x42: {  	[sflag:s0] =	ssyncadd.tile.s32 @!p0 $0x1;
	_ =	shalt  }
.Lfunc_end1:
_tile_overlayer_lowered:
.L_overlay_start_2:
0x43: {  	(tag) =	ssettag $0x2  }
0x44: {  	s0 =	rddreg [dreg:$0x0];
	s2 =	stileid.u32  }
0x45: {  	s1 =	rddreg [dreg:$0x1];
	p0 =	sne.s32 s2, $0x0  }
0x46: {  	s3 =	rddreg [dreg:$0x2];
	[bflag:$0x3] =	sbarrier.arrive $0xFFFF;
	s2 =	simm.s32 @!p0 $0x1C01  }
0x47: {  	[timem:s3], [sflag:s2] =	dma.local @!p0 [hbm:s0], s1  }
0x48: {  	s0 =	simm.s32 @!p0 $0x1  }
0x49: {  	_ =	swait.ge @!p0 [sflag:s0], s1  }
0x4a: {  	s1 =	ssub.s32 @!p0 $0x0, s1;
	[sflag:s0] =	ssyncset.done @!p0 $0x0  }
0x4b: {  	[sflag:s0] =	ssyncadd.s32 @!p0 s1  }
0x4c: {  	[bflag:$0x3] =	sbarrier.arrive $0xFFFF  }
0x4d: {  	_ =	shalt  }

</sc_bundles>
